<compile_context>
chip_gen: v7x
topology: tpu7x:2x2x1
jax: 0.10.2.dev20260603
libtpu: 0.0.44.dev20260713+nightly
codegen_flags: <defaults>
</compile_context>

<pallas_src>
import functools

import jax
import jax.numpy as jnp
from jax import lax
from jax.experimental import pallas as pl
from jax.experimental.pallas import tpu as pltpu
from jax.experimental.pallas import tpu_sc as plsc

NC, NS, L = 2, 16, 16
NW = NC * NS


def _ceil_to(x, m):
    return (x + m - 1) // m * m


@functools.lru_cache(maxsize=None)
def _make_kernel(n_obs, n_cam, n_pts):
    B = 3136
    nsteps = -(-n_obs // (NW * B))
    C = nsteps * B
    S = _ceil_to(-(-(n_obs - C) // (NW - 1)), 16)
    last = n_obs - C

    mesh = plsc.VectorSubcoreMesh(
        core_axis_name="c", subcore_axis_name="s",
        num_cores=NC, num_subcores=NS)

    vb = lambda n, dt: pltpu.VMEM((n,), dt)

    @functools.partial(
        pl.kernel,
        out_type=(jax.ShapeDtypeStruct((n_obs,), jnp.float32),
                  jax.ShapeDtypeStruct((n_obs,), jnp.float32)),
        mesh=mesh,
        compiler_params=pltpu.CompilerParams(
            needs_layout_passes=False, use_tc_tiling_on_sc=False,
            disable_bounds_checks=True),
        scratch_types=[
            vb(10 * n_cam, jnp.float32),
            [vb(B, jnp.int32)] * 2,
            [vb(B, jnp.int32)] * 2,
            [vb(3 * B, jnp.int32)] * 2,
            [vb(3 * B, jnp.float32)] * 2,
            [vb(B, jnp.float32)] * 2,
            [vb(B, jnp.float32)] * 2,
            pltpu.SemaphoreType.DMA,
            pltpu.SemaphoreType.DMA,
        ],
    )
    def reproj(cidx_hbm, pidx_hbm, cam_hbm, pts_hbm, u_hbm, v_hbm,
               cam_v, cidx_v, pidx_v, i3_v, pts_v, u_v, v_v, gsem, osem):
        wid = lax.axis_index("s") * NC + lax.axis_index("c")
        base = jnp.minimum(wid * S, last)
        pltpu.sync_copy(cam_hbm, cam_v)

        def stage(g, b):
            off = pl.multiple_of(base + g * B, 16)
            pltpu.sync_copy(pidx_hbm.at[pl.ds(off, B)], pidx_v[b])

            def expand(k, c):
                p = pidx_v[b][pl.ds(k * L, L)]
                i3_v[b][pl.ds(k * L, L)] = p
                i3_v[b][pl.ds(B + k * L, L)] = p + n_pts
                i3_v[b][pl.ds(2 * B + k * L, L)] = p + 2 * n_pts
                return c

            lax.fori_loop(0, B // L, expand, 0)
            cp = pltpu.async_copy(pts_hbm.at[i3_v[b]], pts_v[b], gsem)
            pltpu.sync_copy(cidx_hbm.at[pl.ds(off, B)], cidx_v[b])
            return cp

        def compute(b):
            def inner(k, c):
                ci = cidx_v[b][pl.ds(k * L, L)]
                cb = ci * 10
                qw = plsc.load_gather(cam_v, [cb])
                qx = plsc.load_gather(cam_v, [cb + 1])
                qy = plsc.load_gather(cam_v, [cb + 2])
                qz = plsc.load_gather(cam_v, [cb + 3])
                tx = plsc.load_gather(cam_v, [cb + 4])
                ty = plsc.load_gather(cam_v, [cb + 5])
                tz = plsc.load_gather(cam_v, [cb + 6])
                fo = plsc.load_gather(cam_v, [cb + 7])
                k1 = plsc.load_gather(cam_v, [cb + 8])
                k2 = plsc.load_gather(cam_v, [cb + 9])
                px = pts_v[b][pl.ds(k * L, L)]
                py = pts_v[b][pl.ds(B + k * L, L)]
                pz = pts_v[b][pl.ds(2 * B + k * L, L)]
                s = qw * qw + qx * qx + qy * qy + qz * qz
                inv = 2.0 / s
                t1 = qy * pz - qz * py + qw * px
                t2 = qz * px - qx * pz + qw * py
                t3 = qx * py - qy * px + qw * pz
                c1 = qy * t3 - qz * t2
                c2 = qz * t1 - qx * t3
                c3 = qx * t2 - qy * t1
                x = px + inv * c1 + tx
                y = py + inv * c2 + ty
                z = pz + inv * c3 + tz
                invz = -1.0 / z
                u = x * invz
                v = y * invz
                n = u * u + v * v
                r = 1.0 + k1 * n + k2 * (n * n)
                rf = r * fo
                u_v[b][pl.ds(k * L, L)] = u * rf
                v_v[b][pl.ds(k * L, L)] = v * rf
                return c

            lax.fori_loop(0, B // L, inner, 0)

        gathers = [None, None]
        outs = [None, None]
        gathers[0] = stage(0, 0)
        for g in range(nsteps):
            b = g % 2
            if g + 1 < nsteps:
                gathers[1 - b] = stage(g + 1, 1 - b)
            gathers[b].wait()
            if outs[b] is not None:
                for c in outs[b]:
                    c.wait()
            compute(b)
            off = pl.multiple_of(base + g * B, 16)
            outs[b] = (
                pltpu.async_copy(u_v[b], u_hbm.at[pl.ds(off, B)], osem),
                pltpu.async_copy(v_v[b], v_hbm.at[pl.ds(off, B)], osem),
            )
        for o in outs:
            if o is not None:
                for c in o:
                    c.wait()

    return reproj


def kernel(points_2d, camera_indices, point_indices, camera_params, points_3d):
    n_obs = points_2d.shape[0]
    fn = _make_kernel(n_obs, camera_params.shape[0], points_3d.shape[0])
    u, v = fn(camera_indices.astype(jnp.int32),
              point_indices.astype(jnp.int32),
              camera_params.astype(jnp.float32).reshape(-1),
              points_3d.astype(jnp.float32).T.reshape(-1))
    return jnp.stack([u, v], axis=-1) - points_2d.astype(jnp.float32)

# --- scband reference (transcript-rebuilt; emitter-appended) ---
"""Pipeline reference for scband-reproj-30399778521134 (READ-ONLY COPY).

The authoritative reference and input builder live on the scoring server;
editing this copy changes nothing except your own understanding.
"""

import jax, jax.numpy as jnp
import numpy as np


def project(points, camera_params):
    # quaternion rotation: camera_params[..., :4] = (w, x, y, z)
    q = camera_params[..., :4]
    q = q / jnp.linalg.norm(q, axis=-1, keepdims=True)
    w = q[..., :1]
    qv = q[..., 1:4]
    t = jnp.cross(qv, points) + w * points
    points_proj = points + 2.0 * jnp.cross(qv, t)
    # translation is params 4:7 (part of the 7-dim SE3 block)
    points_proj = points_proj + camera_params[..., 4:7]
    # perspective divide
    points_proj = -points_proj[..., :2] / points_proj[..., 2:3]
    f = camera_params[..., -3][..., None]
    k1 = camera_params[..., -2][..., None]
    k2 = camera_params[..., -1][..., None]
    n = jnp.sum(points_proj ** 2, axis=-1, keepdims=True)
    r = 1.0 + k1 * n + k2 * n ** 2
    points_proj = points_proj * r * f
    return points_proj


def setup_inputs(seed: int = 0) -> dict:
    key = jax.random.key(seed)
    k1, k2, k3, k4, k5 = jax.random.split(key, 5)
    n_cameras = 1000
    n_points = 200000
    n_obs = 800000
    # camera params: quat near identity, translation with +z offset so depth > 0,
    # focal near 1, small distortion
    cp = 0.05 * jax.random.normal(k1, (n_cameras, 10), dtype=jnp.float32)
    cp = cp.at[:, 0].add(1.0)   # quat w ~ 1
    cp = cp.at[:, 6].add(5.0)   # t_z ~ 5 (points safely in front of camera)
    cp = cp.at[:, 7].add(1.0)   # f ~ 1
    points_3d = jax.random.normal(k2, (n_points, 3), dtype=jnp.float32)
    points_2d = jax.random.normal(k3, (n_obs, 2), dtype=jnp.float32)
    camera_indices = jax.random.randint(k4, (n_obs,), 0, n_cameras, dtype=jnp.int64 if jax.config.jax_enable_x64 else jnp.int32)
    point_indices = jax.random.randint(k5, (n_obs,), 0, n_points, dtype=jnp.int64 if jax.config.jax_enable_x64 else jnp.int32)
    return {
        "points_2d": points_2d,
        "camera_indices": camera_indices,
        "point_indices": point_indices,
        "camera_params": cp,
        "points_3d": points_3d,
    }


def reference(points_2d, camera_indices, point_indices, camera_params, points_3d):
    points_proj = project(
        jnp.take(points_3d, point_indices, axis=0),
        jnp.take(camera_params, camera_indices, axis=0),
    )
    loss = points_proj - points_2d
    return loss

if __name__ == "__main__":
    import jax
    _d = setup_inputs()
    print(jax.jit(kernel)(*tuple(_d.values())))

</pallas_src>

<mosaic_0001>
#map = affine_map<(d0, d1) -> (0)>
module attributes {stable_mosaic.version = 14 : i64} {
  func.func @reproj(%arg0: i32, %arg1: i32, %arg2: memref<800000xi32, #tpu.memory_space<hbm>>, %arg3: memref<800000xi32, #tpu.memory_space<hbm>>, %arg4: memref<10000xf32, #tpu.memory_space<hbm>>, %arg5: memref<600000xf32, #tpu.memory_space<hbm>>, %arg6: memref<800000xf32, #tpu.memory_space<hbm>>, %arg7: memref<800000xf32, #tpu.memory_space<hbm>>, %arg8: memref<10000xf32, #tpu.memory_space<vmem>>, %arg9: memref<3136xi32, #tpu.memory_space<vmem>>, %arg10: memref<3136xi32, #tpu.memory_space<vmem>>, %arg11: memref<3136xi32, #tpu.memory_space<vmem>>, %arg12: memref<3136xi32, #tpu.memory_space<vmem>>, %arg13: memref<9408xi32, #tpu.memory_space<vmem>>, %arg14: memref<9408xi32, #tpu.memory_space<vmem>>, %arg15: memref<9408xf32, #tpu.memory_space<vmem>>, %arg16: memref<9408xf32, #tpu.memory_space<vmem>>, %arg17: memref<3136xf32, #tpu.memory_space<vmem>>, %arg18: memref<3136xf32, #tpu.memory_space<vmem>>, %arg19: memref<3136xf32, #tpu.memory_space<vmem>>, %arg20: memref<3136xf32, #tpu.memory_space<vmem>>, %arg21: memref<!tpu.dma_semaphore, #tpu.memory_space<semaphore_mem>>, %arg22: memref<!tpu.dma_semaphore, #tpu.memory_space<semaphore_mem>>) attributes {dimension_semantics = [#tpu.dimension_semantics<core_parallel>, #tpu.dimension_semantics<subcore_parallel>], iteration_bounds = array<i64: 2, 16>, scalar_prefetch = 0 : i64, scratch_operands = 15 : i64, tpu.core_type = #tpu.core_type<sc_vector_subcore>, window_params = [{transform_indices = #map}, {transform_indices = #map}, {transform_indices = #map}, {transform_indices = #map}, {transform_indices = #map}, {transform_indices = #map}]} {
    %mul3A = arith.constant 2 : i32
    %mul3A_0 = arith.muli %arg1, %mul3A : i32
    %add3A = arith.addi %mul3A_0, %arg0 : i32
    %mul3A_1 = arith.constant 25008 : i32
    %mul3A_2 = arith.muli %add3A, %mul3A_1 : i32
    %min3A = arith.constant 774912 : i32
    %min3A_3 = arith.minsi %mul3A_2, %min3A : i32
    "tpu.region"() ({
      %run_scoped3A = tpu.sem_alloc : memref<!tpu.dma_semaphore, #tpu.memory_space<semaphore_mem>>
      tpu.enqueue_dma source(%arg4 : memref<10000xf32, #tpu.memory_space<hbm>>) target(%arg8 : memref<10000xf32, #tpu.memory_space<vmem>>) target_semaphore(%run_scoped3A : memref<!tpu.dma_semaphore, #tpu.memory_space<semaphore_mem>>)
      tpu.wait_dma2 semaphore(%run_scoped3A : memref<!tpu.dma_semaphore, #tpu.memory_space<semaphore_mem>>) src(%arg4 : memref<10000xf32, #tpu.memory_space<hbm>>) dst(%arg8 : memref<10000xf32, #tpu.memory_space<vmem>>)
      tpu.yield
    }) : () -> ()
    %add3A_4 = arith.constant 0 : i32
    %add3A_5 = arith.addi %min3A_3, %add3A_4 : i32
    %multiple_of3A = tpu.assume_multiple %add3A_5, 16 : i32
    "tpu.region"() ({
      %run_scoped3A = tpu.sem_alloc : memref<!tpu.dma_semaphore, #tpu.memory_space<semaphore_mem>>
      %dma_start3A_240 = tpu.memref_slice %arg3[%multiple_of3A] : memref<800000xi32, #tpu.memory_space<hbm>> -> memref<3136xi32, #tpu.memory_space<hbm>>
      %dma_start3A_241 = tpu.memref_slice %arg3[%multiple_of3A] : memref<800000xi32, #tpu.memory_space<hbm>> -> memref<3136xi32, #tpu.memory_space<hbm>>
      tpu.enqueue_dma source(%dma_start3A_241 : memref<3136xi32, #tpu.memory_space<hbm>>) target(%arg11 : memref<3136xi32, #tpu.memory_space<vmem>>) target_semaphore(%run_scoped3A : memref<!tpu.dma_semaphore, #tpu.memory_space<semaphore_mem>>)
      %dma_wait3A_242 = tpu.memref_slice %arg3[%multiple_of3A] : memref<800000xi32, #tpu.memory_space<hbm>> -> memref<3136xi32, #tpu.memory_space<hbm>>
      %dma_wait3A_243 = tpu.memref_slice %arg3[%multiple_of3A] : memref<800000xi32, #tpu.memory_space<hbm>> -> memref<3136xi32, #tpu.memory_space<hbm>>
      tpu.wait_dma2 semaphore(%run_scoped3A : memref<!tpu.dma_semaphore, #tpu.memory_space<semaphore_mem>>) src(%dma_wait3A_243 : memref<3136xi32, #tpu.memory_space<hbm>>) dst(%arg11 : memref<3136xi32, #tpu.memory_space<vmem>>)
      tpu.yield
    }) : () -> ()
    %scan3A = arith.constant 0 : i32
    %scan3A_6 = arith.constant 0 : i32
    %scan3A_7 = arith.constant 196 : i32
    %scan3A_8 = arith.addi %scan3A_6, %scan3A_7 : i32
    %scan3A_9 = arith.constant 1 : i32
    scf.for %scan3A_240 = %scan3A_6 to %scan3A_8 step %scan3A_9  : i32 {
      %mul3A_241 = arith.constant 16 : i32
      %mul3A_242 = arith.muli %scan3A_240, %mul3A_241 : i32
      %get3A = arith.index_cast %mul3A_242 : i32 to index
      %get3A_243 = tpu.vector_load %arg11[%get3A] {strides = array<i32>} : memref<3136xi32, #tpu.memory_space<vmem>>, vector<16xi32>,
      %mul3A_244 = arith.constant 16 : i32
      %mul3A_245 = arith.muli %scan3A_240, %mul3A_244 : i32
      %swap3A = arith.index_cast %mul3A_245 : i32 to index
      %swap3A_246 = tpu.vector_load %arg13[%swap3A] {strides = array<i32>} : memref<9408xi32, #tpu.memory_space<vmem>>, vector<16xi32>,
      tpu.vector_store %arg13[%swap3A], %get3A_243 {strides = array<i32>} : memref<9408xi32, #tpu.memory_space<vmem>>, vector<16xi32>,
      %add3A_247 = arith.constant 200000 : i32
      %add3A_248 = vector.broadcast %add3A_247 : i32 to vector<16xi32>
      %add3A_249 = arith.addi %get3A_243, %add3A_248 : vector<16xi32>
      %mul3A_250 = arith.constant 16 : i32
      %mul3A_251 = arith.muli %scan3A_240, %mul3A_250 : i32
      %add3A_252 = arith.constant 3136 : i32
      %add3A_253 = arith.addi %add3A_252, %mul3A_251 : i32
      %swap3A_254 = arith.index_cast %add3A_253 : i32 to index
      %swap3A_255 = tpu.vector_load %arg13[%swap3A_254] {strides = array<i32>} : memref<9408xi32, #tpu.memory_space<vmem>>, vector<16xi32>,
      tpu.vector_store %arg13[%swap3A_254], %add3A_249 {strides = array<i32>} : memref<9408xi32, #tpu.memory_space<vmem>>, vector<16xi32>,
      %add3A_256 = arith.constant 400000 : i32
      %add3A_257 = vector.broadcast %add3A_256 : i32 to vector<16xi32>
      %add3A_258 = arith.addi %get3A_243, %add3A_257 : vector<16xi32>
      %mul3A_259 = arith.constant 16 : i32
      %mul3A_260 = arith.muli %scan3A_240, %mul3A_259 : i32
      %add3A_261 = arith.constant 6272 : i32
      %add3A_262 = arith.addi %add3A_261, %mul3A_260 : i32
      %swap3A_263 = arith.index_cast %add3A_262 : i32 to index
      %swap3A_264 = tpu.vector_load %arg13[%swap3A_263] {strides = array<i32>} : memref<9408xi32, #tpu.memory_space<vmem>>, vector<16xi32>,
      tpu.vector_store %arg13[%swap3A_263], %add3A_258 {strides = array<i32>} : memref<9408xi32, #tpu.memory_space<vmem>>, vector<16xi32>,
    }
    %scan3A_10 = arith.constant 196 : i32
    %dma_start3A = arith.constant 0 : i32
    %dma_start3A_11 = tpu.memref_slice %arg5[%dma_start3A] : memref<600000xf32, #tpu.memory_space<hbm>> -> memref<600000xf32, #tpu.memory_space<hbm>>
    tpu.enqueue_indirect_dma source(%dma_start3A_11 : memref<600000xf32, #tpu.memory_space<hbm>>) target(%arg15 : memref<9408xf32, #tpu.memory_space<vmem>>) offsets(%arg13 : memref<9408xi32, #tpu.memory_space<vmem>>) semaphore(%arg21 : memref<!tpu.dma_semaphore, #tpu.memory_space<semaphore_mem>>)
    "tpu.region"() ({
      %run_scoped3A = tpu.sem_alloc : memref<!tpu.dma_semaphore, #tpu.memory_space<semaphore_mem>>
      %dma_start3A_240 = tpu.memref_slice %arg2[%multiple_of3A] : memref<800000xi32, #tpu.memory_space<hbm>> -> memref<3136xi32, #tpu.memory_space<hbm>>
      %dma_start3A_241 = tpu.memref_slice %arg2[%multiple_of3A] : memref<800000xi32, #tpu.memory_space<hbm>> -> memref<3136xi32, #tpu.memory_space<hbm>>
      tpu.enqueue_dma source(%dma_start3A_241 : memref<3136xi32, #tpu.memory_space<hbm>>) target(%arg9 : memref<3136xi32, #tpu.memory_space<vmem>>) target_semaphore(%run_scoped3A : memref<!tpu.dma_semaphore, #tpu.memory_space<semaphore_mem>>)
      %dma_wait3A_242 = tpu.memref_slice %arg2[%multiple_of3A] : memref<800000xi32, #tpu.memory_space<hbm>> -> memref<3136xi32, #tpu.memory_space<hbm>>
      %dma_wait3A_243 = tpu.memref_slice %arg2[%multiple_of3A] : memref<800000xi32, #tpu.memory_space<hbm>> -> memref<3136xi32, #tpu.memory_space<hbm>>
      tpu.wait_dma2 semaphore(%run_scoped3A : memref<!tpu.dma_semaphore, #tpu.memory_space<semaphore_mem>>) src(%dma_wait3A_243 : memref<3136xi32, #tpu.memory_space<hbm>>) dst(%arg9 : memref<3136xi32, #tpu.memory_space<vmem>>)
      tpu.yield
    }) : () -> ()
    %add3A_12 = arith.constant 3136 : i32
    %add3A_13 = arith.addi %min3A_3, %add3A_12 : i32
    %multiple_of3A_14 = tpu.assume_multiple %add3A_13, 16 : i32
    "tpu.region"() ({
      %run_scoped3A = tpu.sem_alloc : memref<!tpu.dma_semaphore, #tpu.memory_space<semaphore_mem>>
      %dma_start3A_240 = tpu.memref_slice %arg3[%multiple_of3A_14] : memref<800000xi32, #tpu.memory_space<hbm>> -> memref<3136xi32, #tpu.memory_space<hbm>>
      %dma_start3A_241 = tpu.memref_slice %arg3[%multiple_of3A_14] : memref<800000xi32, #tpu.memory_space<hbm>> -> memref<3136xi32, #tpu.memory_space<hbm>>
      tpu.enqueue_dma source(%dma_start3A_241 : memref<3136xi32, #tpu.memory_space<hbm>>) target(%arg12 : memref<3136xi32, #tpu.memory_space<vmem>>) target_semaphore(%run_scoped3A : memref<!tpu.dma_semaphore, #tpu.memory_space<semaphore_mem>>)
      %dma_wait3A_242 = tpu.memref_slice %arg3[%multiple_of3A_14] : memref<800000xi32, #tpu.memory_space<hbm>> -> memref<3136xi32, #tpu.memory_space<hbm>>
      %dma_wait3A_243 = tpu.memref_slice %arg3[%multiple_of3A_14] : memref<800000xi32, #tpu.memory_space<hbm>> -> memref<3136xi32, #tpu.memory_space<hbm>>
      tpu.wait_dma2 semaphore(%run_scoped3A : memref<!tpu.dma_semaphore, #tpu.memory_space<semaphore_mem>>) src(%dma_wait3A_243 : memref<3136xi32, #tpu.memory_space<hbm>>) dst(%arg12 : memref<3136xi32, #tpu.memory_space<vmem>>)
      tpu.yield
    }) : () -> ()
    %scan3A_15 = arith.constant 0 : i32
    %scan3A_16 = arith.constant 0 : i32
    %scan3A_17 = arith.constant 196 : i32
    %scan3A_18 = arith.addi %scan3A_16, %scan3A_17 : i32
    %scan3A_19 = arith.constant 1 : i32
    scf.for %scan3A_240 = %scan3A_16 to %scan3A_18 step %scan3A_19  : i32 {
      %mul3A_241 = arith.constant 16 : i32
      %mul3A_242 = arith.muli %scan3A_240, %mul3A_241 : i32
      %get3A = arith.index_cast %mul3A_242 : i32 to index
      %get3A_243 = tpu.vector_load %arg12[%get3A] {strides = array<i32>} : memref<3136xi32, #tpu.memory_space<vmem>>, vector<16xi32>,
      %mul3A_244 = arith.constant 16 : i32
      %mul3A_245 = arith.muli %scan3A_240, %mul3A_244 : i32
      %swap3A = arith.index_cast %mul3A_245 : i32 to index
      %swap3A_246 = tpu.vector_load %arg14[%swap3A] {strides = array<i32>} : memref<9408xi32, #tpu.memory_space<vmem>>, vector<16xi32>,
      tpu.vector_store %arg14[%swap3A], %get3A_243 {strides = array<i32>} : memref<9408xi32, #tpu.memory_space<vmem>>, vector<16xi32>,
      %add3A_247 = arith.constant 200000 : i32
      %add3A_248 = vector.broadcast %add3A_247 : i32 to vector<16xi32>
      %add3A_249 = arith.addi %get3A_243, %add3A_248 : vector<16xi32>
      %mul3A_250 = arith.constant 16 : i32
      %mul3A_251 = arith.muli %scan3A_240, %mul3A_250 : i32
      %add3A_252 = arith.constant 3136 : i32
      %add3A_253 = arith.addi %add3A_252, %mul3A_251 : i32
      %swap3A_254 = arith.index_cast %add3A_253 : i32 to index
      %swap3A_255 = tpu.vector_load %arg14[%swap3A_254] {strides = array<i32>} : memref<9408xi32, #tpu.memory_space<vmem>>, vector<16xi32>,
      tpu.vector_store %arg14[%swap3A_254], %add3A_249 {strides = array<i32>} : memref<9408xi32, #tpu.memory_space<vmem>>, vector<16xi32>,
      %add3A_256 = arith.constant 400000 : i32
      %add3A_257 = vector.broadcast %add3A_256 : i32 to vector<16xi32>
      %add3A_258 = arith.addi %get3A_243, %add3A_257 : vector<16xi32>
      %mul3A_259 = arith.constant 16 : i32
      %mul3A_260 = arith.muli %scan3A_240, %mul3A_259 : i32
      %add3A_261 = arith.constant 6272 : i32
      %add3A_262 = arith.addi %add3A_261, %mul3A_260 : i32
      %swap3A_263 = arith.index_cast %add3A_262 : i32 to index
      %swap3A_264 = tpu.vector_load %arg14[%swap3A_263] {strides = array<i32>} : memref<9408xi32, #tpu.memory_space<vmem>>, vector<16xi32>,
      tpu.vector_store %arg14[%swap3A_263], %add3A_258 {strides = array<i32>} : memref<9408xi32, #tpu.memory_space<vmem>>, vector<16xi32>,
    }
    %scan3A_20 = arith.constant 196 : i32
    %dma_start3A_21 = arith.constant 0 : i32
    %dma_start3A_22 = tpu.memref_slice %arg5[%dma_start3A_21] : memref<600000xf32, #tpu.memory_space<hbm>> -> memref<600000xf32, #tpu.memory_space<hbm>>
    tpu.enqueue_indirect_dma source(%dma_start3A_22 : memref<600000xf32, #tpu.memory_space<hbm>>) target(%arg16 : memref<9408xf32, #tpu.memory_space<vmem>>) offsets(%arg14 : memref<9408xi32, #tpu.memory_space<vmem>>) semaphore(%arg21 : memref<!tpu.dma_semaphore, #tpu.memory_space<semaphore_mem>>)
    "tpu.region"() ({
      %run_scoped3A = tpu.sem_alloc : memref<!tpu.dma_semaphore, #tpu.memory_space<semaphore_mem>>
      %dma_start3A_240 = tpu.memref_slice %arg2[%multiple_of3A_14] : memref<800000xi32, #tpu.memory_space<hbm>> -> memref<3136xi32, #tpu.memory_space<hbm>>
      %dma_start3A_241 = tpu.memref_slice %arg2[%multiple_of3A_14] : memref<800000xi32, #tpu.memory_space<hbm>> -> memref<3136xi32, #tpu.memory_space<hbm>>
      tpu.enqueue_dma source(%dma_start3A_241 : memref<3136xi32, #tpu.memory_space<hbm>>) target(%arg10 : memref<3136xi32, #tpu.memory_space<vmem>>) target_semaphore(%run_scoped3A : memref<!tpu.dma_semaphore, #tpu.memory_space<semaphore_mem>>)
      %dma_wait3A_242 = tpu.memref_slice %arg2[%multiple_of3A_14] : memref<800000xi32, #tpu.memory_space<hbm>> -> memref<3136xi32, #tpu.memory_space<hbm>>
      %dma_wait3A_243 = tpu.memref_slice %arg2[%multiple_of3A_14] : memref<800000xi32, #tpu.memory_space<hbm>> -> memref<3136xi32, #tpu.memory_space<hbm>>
      tpu.wait_dma2 semaphore(%run_scoped3A : memref<!tpu.dma_semaphore, #tpu.memory_space<semaphore_mem>>) src(%dma_wait3A_243 : memref<3136xi32, #tpu.memory_space<hbm>>) dst(%arg10 : memref<3136xi32, #tpu.memory_space<vmem>>)
      tpu.yield
    }) : () -> ()
    %dma_wait3A = arith.constant 0 : i32
    %dma_wait3A_23 = tpu.memref_slice %arg5[%dma_wait3A] : memref<600000xf32, #tpu.memory_space<hbm>> -> memref<600000xf32, #tpu.memory_space<hbm>>
    tpu.wait_indirect_dma semaphore(%arg21 : memref<!tpu.dma_semaphore, #tpu.memory_space<semaphore_mem>>) src(%dma_wait3A_23 : memref<600000xf32, #tpu.memory_space<hbm>>) dst(%arg15 : memref<9408xf32, #tpu.memory_space<vmem>>)
    %scan3A_24 = arith.constant 0 : i32
    %scan3A_25 = arith.constant 0 : i32
    %scan3A_26 = arith.constant 196 : i32
    %scan3A_27 = arith.addi %scan3A_25, %scan3A_26 : i32
    %scan3A_28 = arith.constant 1 : i32
    scf.for %scan3A_240 = %scan3A_25 to %scan3A_27 step %scan3A_28  : i32 {
      %mul3A_241 = arith.constant 16 : i32
      %mul3A_242 = arith.muli %scan3A_240, %mul3A_241 : i32
      %get3A = arith.index_cast %mul3A_242 : i32 to index
      %get3A_243 = tpu.vector_load %arg9[%get3A] {strides = array<i32>} : memref<3136xi32, #tpu.memory_space<vmem>>, vector<16xi32>,
      %mul3A_244 = arith.constant 10 : i32
      %mul3A_245 = vector.broadcast %mul3A_244 : i32 to vector<16xi32>
      %mul3A_246 = arith.muli %get3A_243, %mul3A_245 : vector<16xi32>
      %gather3A = tpu.vector_load_idx %arg8[%mul3A_246] : memref<10000xf32, #tpu.memory_space<vmem>>[vector<16xi32>], vector<16xf32>,
      %add3A_247 = arith.constant 1 : i32
      %add3A_248 = vector.broadcast %add3A_247 : i32 to vector<16xi32>
      %add3A_249 = arith.addi %mul3A_246, %add3A_248 : vector<16xi32>
      %gather3A_250 = tpu.vector_load_idx %arg8[%add3A_249] : memref<10000xf32, #tpu.memory_space<vmem>>[vector<16xi32>], vector<16xf32>,
      %add3A_251 = arith.constant 2 : i32
      %add3A_252 = vector.broadcast %add3A_251 : i32 to vector<16xi32>
      %add3A_253 = arith.addi %mul3A_246, %add3A_252 : vector<16xi32>
      %gather3A_254 = tpu.vector_load_idx %arg8[%add3A_253] : memref<10000xf32, #tpu.memory_space<vmem>>[vector<16xi32>], vector<16xf32>,
      %add3A_255 = arith.constant 3 : i32
      %add3A_256 = vector.broadcast %add3A_255 : i32 to vector<16xi32>
      %add3A_257 = arith.addi %mul3A_246, %add3A_256 : vector<16xi32>
      %gather3A_258 = tpu.vector_load_idx %arg8[%add3A_257] : memref<10000xf32, #tpu.memory_space<vmem>>[vector<16xi32>], vector<16xf32>,
      %add3A_259 = arith.constant 4 : i32
      %add3A_260 = vector.broadcast %add3A_259 : i32 to vector<16xi32>
      %add3A_261 = arith.addi %mul3A_246, %add3A_260 : vector<16xi32>
      %gather3A_262 = tpu.vector_load_idx %arg8[%add3A_261] : memref<10000xf32, #tpu.memory_space<vmem>>[vector<16xi32>], vector<16xf32>,
      %add3A_263 = arith.constant 5 : i32
      %add3A_264 = vector.broadcast %add3A_263 : i32 to vector<16xi32>
      %add3A_265 = arith.addi %mul3A_246, %add3A_264 : vector<16xi32>
      %gather3A_266 = tpu.vector_load_idx %arg8[%add3A_265] : memref<10000xf32, #tpu.memory_space<vmem>>[vector<16xi32>], vector<16xf32>,
      %add3A_267 = arith.constant 6 : i32
      %add3A_268 = vector.broadcast %add3A_267 : i32 to vector<16xi32>
      %add3A_269 = arith.addi %mul3A_246, %add3A_268 : vector<16xi32>
      %gather3A_270 = tpu.vector_load_idx %arg8[%add3A_269] : memref<10000xf32, #tpu.memory_space<vmem>>[vector<16xi32>], vector<16xf32>,
      %add3A_271 = arith.constant 7 : i32
      %add3A_272 = vector.broadcast %add3A_271 : i32 to vector<16xi32>
      %add3A_273 = arith.addi %mul3A_246, %add3A_272 : vector<16xi32>
      %gather3A_274 = tpu.vector_load_idx %arg8[%add3A_273] : memref<10000xf32, #tpu.memory_space<vmem>>[vector<16xi32>], vector<16xf32>,
      %add3A_275 = arith.constant 8 : i32
      %add3A_276 = vector.broadcast %add3A_275 : i32 to vector<16xi32>
      %add3A_277 = arith.addi %mul3A_246, %add3A_276 : vector<16xi32>
      %gather3A_278 = tpu.vector_load_idx %arg8[%add3A_277] : memref<10000xf32, #tpu.memory_space<vmem>>[vector<16xi32>], vector<16xf32>,
      %add3A_279 = arith.constant 9 : i32
      %add3A_280 = vector.broadcast %add3A_279 : i32 to vector<16xi32>
      %add3A_281 = arith.addi %mul3A_246, %add3A_280 : vector<16xi32>
      %gather3A_282 = tpu.vector_load_idx %arg8[%add3A_281] : memref<10000xf32, #tpu.memory_space<vmem>>[vector<16xi32>], vector<16xf32>,
      %mul3A_283 = arith.constant 16 : i32
      %mul3A_284 = arith.muli %scan3A_240, %mul3A_283 : i32
      %get3A_285 = arith.index_cast %mul3A_284 : i32 to index
      %get3A_286 = tpu.vector_load %arg15[%get3A_285] {strides = array<i32>} : memref<9408xf32, #tpu.memory_space<vmem>>, vector<16xf32>,
      %mul3A_287 = arith.constant 16 : i32
      %mul3A_288 = arith.muli %scan3A_240, %mul3A_287 : i32
      %add3A_289 = arith.constant 3136 : i32
      %add3A_290 = arith.addi %add3A_289, %mul3A_288 : i32
      %get3A_291 = arith.index_cast %add3A_290 : i32 to index
      %get3A_292 = tpu.vector_load %arg15[%get3A_291] {strides = array<i32>} : memref<9408xf32, #tpu.memory_space<vmem>>, vector<16xf32>,
      %mul3A_293 = arith.constant 16 : i32
      %mul3A_294 = arith.muli %scan3A_240, %mul3A_293 : i32
      %add3A_295 = arith.constant 6272 : i32
      %add3A_296 = arith.addi %add3A_295, %mul3A_294 : i32
      %get3A_297 = arith.index_cast %add3A_296 : i32 to index
      %get3A_298 = tpu.vector_load %arg15[%get3A_297] {strides = array<i32>} : memref<9408xf32, #tpu.memory_space<vmem>>, vector<16xf32>,
      %mul3A_299 = arith.mulf %gather3A, %gather3A : vector<16xf32>
      %mul3A_300 = arith.mulf %gather3A_250, %gather3A_250 : vector<16xf32>
      %add3A_301 = arith.addf %mul3A_299, %mul3A_300 : vector<16xf32>
      %mul3A_302 = arith.mulf %gather3A_254, %gather3A_254 : vector<16xf32>
      %add3A_303 = arith.addf %add3A_301, %mul3A_302 : vector<16xf32>
      %mul3A_304 = arith.mulf %gather3A_258, %gather3A_258 : vector<16xf32>
      %add3A_305 = arith.addf %add3A_303, %mul3A_304 : vector<16xf32>
      %div3A = arith.constant 2.000000e+00 : f32
      %div3A_306 = vector.broadcast %div3A : f32 to vector<16xf32>
      %div3A_307 = arith.divf %div3A_306, %add3A_305 : vector<16xf32>
      %mul3A_308 = arith.mulf %gather3A_254, %get3A_298 : vector<16xf32>
      %mul3A_309 = arith.mulf %gather3A_258, %get3A_292 : vector<16xf32>
      %sub3A = arith.subf %mul3A_308, %mul3A_309 : vector<16xf32>
      %mul3A_310 = arith.mulf %gather3A, %get3A_286 : vector<16xf32>
      %add3A_311 = arith.addf %sub3A, %mul3A_310 : vector<16xf32>
      %mul3A_312 = arith.mulf %gather3A_258, %get3A_286 : vector<16xf32>
      %mul3A_313 = arith.mulf %gather3A_250, %get3A_298 : vector<16xf32>
      %sub3A_314 = arith.subf %mul3A_312, %mul3A_313 : vector<16xf32>
      %mul3A_315 = arith.mulf %gather3A, %get3A_292 : vector<16xf32>
      %add3A_316 = arith.addf %sub3A_314, %mul3A_315 : vector<16xf32>
      %mul3A_317 = arith.mulf %gather3A_250, %get3A_292 : vector<16xf32>
      %mul3A_318 = arith.mulf %gather3A_254, %get3A_286 : vector<16xf32>
      %sub3A_319 = arith.subf %mul3A_317, %mul3A_318 : vector<16xf32>
      %mul3A_320 = arith.mulf %gather3A, %get3A_298 : vector<16xf32>
      %add3A_321 = arith.addf %sub3A_319, %mul3A_320 : vector<16xf32>
      %mul3A_322 = arith.mulf %gather3A_254, %add3A_321 : vector<16xf32>
      %mul3A_323 = arith.mulf %gather3A_258, %add3A_316 : vector<16xf32>
      %sub3A_324 = arith.subf %mul3A_322, %mul3A_323 : vector<16xf32>
      %mul3A_325 = arith.mulf %gather3A_258, %add3A_311 : vector<16xf32>
      %mul3A_326 = arith.mulf %gather3A_250, %add3A_321 : vector<16xf32>
      %sub3A_327 = arith.subf %mul3A_325, %mul3A_326 : vector<16xf32>
      %mul3A_328 = arith.mulf %gather3A_250, %add3A_316 : vector<16xf32>
      %mul3A_329 = arith.mulf %gather3A_254, %add3A_311 : vector<16xf32>
      %sub3A_330 = arith.subf %mul3A_328, %mul3A_329 : vector<16xf32>
      %mul3A_331 = arith.mulf %div3A_307, %sub3A_324 : vector<16xf32>
      %add3A_332 = arith.addf %get3A_286, %mul3A_331 : vector<16xf32>
      %add3A_333 = arith.addf %add3A_332, %gather3A_262 : vector<16xf32>
      %mul3A_334 = arith.mulf %div3A_307, %sub3A_327 : vector<16xf32>
      %add3A_335 = arith.addf %get3A_292, %mul3A_334 : vector<16xf32>
      %add3A_336 = arith.addf %add3A_335, %gather3A_266 : vector<16xf32>
      %mul3A_337 = arith.mulf %div3A_307, %sub3A_330 : vector<16xf32>
      %add3A_338 = arith.addf %get3A_298, %mul3A_337 : vector<16xf32>
      %add3A_339 = arith.addf %add3A_338, %gather3A_270 : vector<16xf32>
      %div3A_340 = arith.constant -1.000000e+00 : f32
      %div3A_341 = vector.broadcast %div3A_340 : f32 to vector<16xf32>
      %div3A_342 = arith.divf %div3A_341, %add3A_339 : vector<16xf32>
      %mul3A_343 = arith.mulf %add3A_333, %div3A_342 : vector<16xf32>
      %mul3A_344 = arith.mulf %add3A_336, %div3A_342 : vector<16xf32>
      %mul3A_345 = arith.mulf %mul3A_343, %mul3A_343 : vector<16xf32>
      %mul3A_346 = arith.mulf %mul3A_344, %mul3A_344 : vector<16xf32>
      %add3A_347 = arith.addf %mul3A_345, %mul3A_346 : vector<16xf32>
      %mul3A_348 = arith.mulf %gather3A_278, %add3A_347 : vector<16xf32>
      %add3A_349 = arith.constant 1.000000e+00 : f32
      %add3A_350 = vector.broadcast %add3A_349 : f32 to vector<16xf32>
      %add3A_351 = arith.addf %add3A_350, %mul3A_348 : vector<16xf32>
      %mul3A_352 = arith.mulf %add3A_347, %add3A_347 : vector<16xf32>
      %mul3A_353 = arith.mulf %gather3A_282, %mul3A_352 : vector<16xf32>
      %add3A_354 = arith.addf %add3A_351, %mul3A_353 : vector<16xf32>
      %mul3A_355 = arith.mulf %add3A_354, %gather3A_274 : vector<16xf32>
      %mul3A_356 = arith.mulf %mul3A_343, %mul3A_355 : vector<16xf32>
      %mul3A_357 = arith.constant 16 : i32
      %mul3A_358 = arith.muli %scan3A_240, %mul3A_357 : i32
      %swap3A = arith.index_cast %mul3A_358 : i32 to index
      %swap3A_359 = tpu.vector_load %arg17[%swap3A] {strides = array<i32>} : memref<3136xf32, #tpu.memory_space<vmem>>, vector<16xf32>,
      tpu.vector_store %arg17[%swap3A], %mul3A_356 {strides = array<i32>} : memref<3136xf32, #tpu.memory_space<vmem>>, vector<16xf32>,
      %mul3A_360 = arith.mulf %mul3A_344, %mul3A_355 : vector<16xf32>
      %mul3A_361 = arith.constant 16 : i32
      %mul3A_362 = arith.muli %scan3A_240, %mul3A_361 : i32
      %swap3A_363 = arith.index_cast %mul3A_362 : i32 to index
      %swap3A_364 = tpu.vector_load %arg19[%swap3A_363] {strides = array<i32>} : memref<3136xf32, #tpu.memory_space<vmem>>, vector<16xf32>,
      tpu.vector_store %arg19[%swap3A_363], %mul3A_360 {strides = array<i32>} : memref<3136xf32, #tpu.memory_space<vmem>>, vector<16xf32>,
    }
    %scan3A_29 = arith.constant 196 : i32
    %add3A_30 = arith.constant 0 : i32
    %add3A_31 = arith.addi %min3A_3, %add3A_30 : i32
    %multiple_of3A_32 = tpu.assume_multiple %add3A_31, 16 : i32
    %dma_start3A_33 = tpu.memref_slice %arg6[%multiple_of3A_32] : memref<800000xf32, #tpu.memory_space<hbm>> -> memref<3136xf32, #tpu.memory_space<hbm>>
    %dma_start3A_34 = tpu.memref_slice %arg6[%multiple_of3A_32] : memref<800000xf32, #tpu.memory_space<hbm>> -> memref<3136xf32, #tpu.memory_space<hbm>>
    tpu.enqueue_dma source(%arg17 : memref<3136xf32, #tpu.memory_space<vmem>>) target(%dma_start3A_34 : memref<3136xf32, #tpu.memory_space<hbm>>) target_semaphore(%arg22 : memref<!tpu.dma_semaphore, #tpu.memory_space<semaphore_mem>>)
    %dma_start3A_35 = tpu.memref_slice %arg7[%multiple_of3A_32] : memref<800000xf32, #tpu.memory_space<hbm>> -> memref<3136xf32, #tpu.memory_space<hbm>>
    %dma_start3A_36 = tpu.memref_slice %arg7[%multiple_of3A_32] : memref<800000xf32, #tpu.memory_space<hbm>> -> memref<3136xf32, #tpu.memory_space<hbm>>
    tpu.enqueue_dma source(%arg19 : memref<3136xf32, #tpu.memory_space<vmem>>) target(%dma_start3A_36 : memref<3136xf32, #tpu.memory_space<hbm>>) target_semaphore(%arg22 : memref<!tpu.dma_semaphore, #tpu.memory_space<semaphore_mem>>)
    %add3A_37 = arith.constant 6272 : i32
    %add3A_38 = arith.addi %min3A_3, %add3A_37 : i32
    %multiple_of3A_39 = tpu.assume_multiple %add3A_38, 16 : i32
    "tpu.region"() ({
      %run_scoped3A = tpu.sem_alloc : memref<!tpu.dma_semaphore, #tpu.memory_space<semaphore_mem>>
      %dma_start3A_240 = tpu.memref_slice %arg3[%multiple_of3A_39] : memref<800000xi32, #tpu.memory_space<hbm>> -> memref<3136xi32, #tpu.memory_space<hbm>>
      %dma_start3A_241 = tpu.memref_slice %arg3[%multiple_of3A_39] : memref<800000xi32, #tpu.memory_space<hbm>> -> memref<3136xi32, #tpu.memory_space<hbm>>
      tpu.enqueue_dma source(%dma_start3A_241 : memref<3136xi32, #tpu.memory_space<hbm>>) target(%arg11 : memref<3136xi32, #tpu.memory_space<vmem>>) target_semaphore(%run_scoped3A : memref<!tpu.dma_semaphore, #tpu.memory_space<semaphore_mem>>)
      %dma_wait3A_242 = tpu.memref_slice %arg3[%multiple_of3A_39] : memref<800000xi32, #tpu.memory_space<hbm>> -> memref<3136xi32, #tpu.memory_space<hbm>>
      %dma_wait3A_243 = tpu.memref_slice %arg3[%multiple_of3A_39] : memref<800000xi32, #tpu.memory_space<hbm>> -> memref<3136xi32, #tpu.memory_space<hbm>>
      tpu.wait_dma2 semaphore(%run_scoped3A : memref<!tpu.dma_semaphore, #tpu.memory_space<semaphore_mem>>) src(%dma_wait3A_243 : memref<3136xi32, #tpu.memory_space<hbm>>) dst(%arg11 : memref<3136xi32, #tpu.memory_space<vmem>>)
      tpu.yield
    }) : () -> ()
    %scan3A_40 = arith.constant 0 : i32
    %scan3A_41 = arith.constant 0 : i32
    %scan3A_42 = arith.constant 196 : i32
    %scan3A_43 = arith.addi %scan3A_41, %scan3A_42 : i32
    %scan3A_44 = arith.constant 1 : i32
    scf.for %scan3A_240 = %scan3A_41 to %scan3A_43 step %scan3A_44  : i32 {
      %mul3A_241 = arith.constant 16 : i32
      %mul3A_242 = arith.muli %scan3A_240, %mul3A_241 : i32
      %get3A = arith.index_cast %mul3A_242 : i32 to index
      %get3A_243 = tpu.vector_load %arg11[%get3A] {strides = array<i32>} : memref<3136xi32, #tpu.memory_space<vmem>>, vector<16xi32>,
      %mul3A_244 = arith.constant 16 : i32
      %mul3A_245 = arith.muli %scan3A_240, %mul3A_244 : i32
      %swap3A = arith.index_cast %mul3A_245 : i32 to index
      %swap3A_246 = tpu.vector_load %arg13[%swap3A] {strides = array<i32>} : memref<9408xi32, #tpu.memory_space<vmem>>, vector<16xi32>,
      tpu.vector_store %arg13[%swap3A], %get3A_243 {strides = array<i32>} : memref<9408xi32, #tpu.memory_space<vmem>>, vector<16xi32>,
      %add3A_247 = arith.constant 200000 : i32
      %add3A_248 = vector.broadcast %add3A_247 : i32 to vector<16xi32>
      %add3A_249 = arith.addi %get3A_243, %add3A_248 : vector<16xi32>
      %mul3A_250 = arith.constant 16 : i32
      %mul3A_251 = arith.muli %scan3A_240, %mul3A_250 : i32
      %add3A_252 = arith.constant 3136 : i32
      %add3A_253 = arith.addi %add3A_252, %mul3A_251 : i32
      %swap3A_254 = arith.index_cast %add3A_253 : i32 to index
      %swap3A_255 = tpu.vector_load %arg13[%swap3A_254] {strides = array<i32>} : memref<9408xi32, #tpu.memory_space<vmem>>, vector<16xi32>,
      tpu.vector_store %arg13[%swap3A_254], %add3A_249 {strides = array<i32>} : memref<9408xi32, #tpu.memory_space<vmem>>, vector<16xi32>,
      %add3A_256 = arith.constant 400000 : i32
      %add3A_257 = vector.broadcast %add3A_256 : i32 to vector<16xi32>
      %add3A_258 = arith.addi %get3A_243, %add3A_257 : vector<16xi32>
      %mul3A_259 = arith.constant 16 : i32
      %mul3A_260 = arith.muli %scan3A_240, %mul3A_259 : i32
      %add3A_261 = arith.constant 6272 : i32
      %add3A_262 = arith.addi %add3A_261, %mul3A_260 : i32
      %swap3A_263 = arith.index_cast %add3A_262 : i32 to index
      %swap3A_264 = tpu.vector_load %arg13[%swap3A_263] {strides = array<i32>} : memref<9408xi32, #tpu.memory_space<vmem>>, vector<16xi32>,
      tpu.vector_store %arg13[%swap3A_263], %add3A_258 {strides = array<i32>} : memref<9408xi32, #tpu.memory_space<vmem>>, vector<16xi32>,
    }
    %scan3A_45 = arith.constant 196 : i32
    %dma_start3A_46 = arith.constant 0 : i32
    %dma_start3A_47 = tpu.memref_slice %arg5[%dma_start3A_46] : memref<600000xf32, #tpu.memory_space<hbm>> -> memref<600000xf32, #tpu.memory_space<hbm>>
    tpu.enqueue_indirect_dma source(%dma_start3A_47 : memref<600000xf32, #tpu.memory_space<hbm>>) target(%arg15 : memref<9408xf32, #tpu.memory_space<vmem>>) offsets(%arg13 : memref<9408xi32, #tpu.memory_space<vmem>>) semaphore(%arg21 : memref<!tpu.dma_semaphore, #tpu.memory_space<semaphore_mem>>)
    "tpu.region"() ({
      %run_scoped3A = tpu.sem_alloc : memref<!tpu.dma_semaphore, #tpu.memory_space<semaphore_mem>>
      %dma_start3A_240 = tpu.memref_slice %arg2[%multiple_of3A_39] : memref<800000xi32, #tpu.memory_space<hbm>> -> memref<3136xi32, #tpu.memory_space<hbm>>
      %dma_start3A_241 = tpu.memref_slice %arg2[%multiple_of3A_39] : memref<800000xi32, #tpu.memory_space<hbm>> -> memref<3136xi32, #tpu.memory_space<hbm>>
      tpu.enqueue_dma source(%dma_start3A_241 : memref<3136xi32, #tpu.memory_space<hbm>>) target(%arg9 : memref<3136xi32, #tpu.memory_space<vmem>>) target_semaphore(%run_scoped3A : memref<!tpu.dma_semaphore, #tpu.memory_space<semaphore_mem>>)
      %dma_wait3A_242 = tpu.memref_slice %arg2[%multiple_of3A_39] : memref<800000xi32, #tpu.memory_space<hbm>> -> memref<3136xi32, #tpu.memory_space<hbm>>
      %dma_wait3A_243 = tpu.memref_slice %arg2[%multiple_of3A_39] : memref<800000xi32, #tpu.memory_space<hbm>> -> memref<3136xi32, #tpu.memory_space<hbm>>
      tpu.wait_dma2 semaphore(%run_scoped3A : memref<!tpu.dma_semaphore, #tpu.memory_space<semaphore_mem>>) src(%dma_wait3A_243 : memref<3136xi32, #tpu.memory_space<hbm>>) dst(%arg9 : memref<3136xi32, #tpu.memory_space<vmem>>)
      tpu.yield
    }) : () -> ()
    %dma_wait3A_48 = arith.constant 0 : i32
    %dma_wait3A_49 = tpu.memref_slice %arg5[%dma_wait3A_48] : memref<600000xf32, #tpu.memory_space<hbm>> -> memref<600000xf32, #tpu.memory_space<hbm>>
    tpu.wait_indirect_dma semaphore(%arg21 : memref<!tpu.dma_semaphore, #tpu.memory_space<semaphore_mem>>) src(%dma_wait3A_49 : memref<600000xf32, #tpu.memory_space<hbm>>) dst(%arg16 : memref<9408xf32, #tpu.memory_space<vmem>>)
    %scan3A_50 = arith.constant 0 : i32
    %scan3A_51 = arith.constant 0 : i32
    %scan3A_52 = arith.constant 196 : i32
    %scan3A_53 = arith.addi %scan3A_51, %scan3A_52 : i32
    %scan3A_54 = arith.constant 1 : i32
    scf.for %scan3A_240 = %scan3A_51 to %scan3A_53 step %scan3A_54  : i32 {
      %mul3A_241 = arith.constant 16 : i32
      %mul3A_242 = arith.muli %scan3A_240, %mul3A_241 : i32
      %get3A = arith.index_cast %mul3A_242 : i32 to index
      %get3A_243 = tpu.vector_load %arg10[%get3A] {strides = array<i32>} : memref<3136xi32, #tpu.memory_space<vmem>>, vector<16xi32>,
      %mul3A_244 = arith.constant 10 : i32
      %mul3A_245 = vector.broadcast %mul3A_244 : i32 to vector<16xi32>
      %mul3A_246 = arith.muli %get3A_243, %mul3A_245 : vector<16xi32>
      %gather3A = tpu.vector_load_idx %arg8[%mul3A_246] : memref<10000xf32, #tpu.memory_space<vmem>>[vector<16xi32>], vector<16xf32>,
      %add3A_247 = arith.constant 1 : i32
      %add3A_248 = vector.broadcast %add3A_247 : i32 to vector<16xi32>
      %add3A_249 = arith.addi %mul3A_246, %add3A_248 : vector<16xi32>
      %gather3A_250 = tpu.vector_load_idx %arg8[%add3A_249] : memref<10000xf32, #tpu.memory_space<vmem>>[vector<16xi32>], vector<16xf32>,
      %add3A_251 = arith.constant 2 : i32
      %add3A_252 = vector.broadcast %add3A_251 : i32 to vector<16xi32>
      %add3A_253 = arith.addi %mul3A_246, %add3A_252 : vector<16xi32>
      %gather3A_254 = tpu.vector_load_idx %arg8[%add3A_253] : memref<10000xf32, #tpu.memory_space<vmem>>[vector<16xi32>], vector<16xf32>,
      %add3A_255 = arith.constant 3 : i32
      %add3A_256 = vector.broadcast %add3A_255 : i32 to vector<16xi32>
      %add3A_257 = arith.addi %mul3A_246, %add3A_256 : vector<16xi32>
      %gather3A_258 = tpu.vector_load_idx %arg8[%add3A_257] : memref<10000xf32, #tpu.memory_space<vmem>>[vector<16xi32>], vector<16xf32>,
      %add3A_259 = arith.constant 4 : i32
      %add3A_260 = vector.broadcast %add3A_259 : i32 to vector<16xi32>
      %add3A_261 = arith.addi %mul3A_246, %add3A_260 : vector<16xi32>
      %gather3A_262 = tpu.vector_load_idx %arg8[%add3A_261] : memref<10000xf32, #tpu.memory_space<vmem>>[vector<16xi32>], vector<16xf32>,
      %add3A_263 = arith.constant 5 : i32
      %add3A_264 = vector.broadcast %add3A_263 : i32 to vector<16xi32>
      %add3A_265 = arith.addi %mul3A_246, %add3A_264 : vector<16xi32>
      %gather3A_266 = tpu.vector_load_idx %arg8[%add3A_265] : memref<10000xf32, #tpu.memory_space<vmem>>[vector<16xi32>], vector<16xf32>,
      %add3A_267 = arith.constant 6 : i32
      %add3A_268 = vector.broadcast %add3A_267 : i32 to vector<16xi32>
      %add3A_269 = arith.addi %mul3A_246, %add3A_268 : vector<16xi32>
      %gather3A_270 = tpu.vector_load_idx %arg8[%add3A_269] : memref<10000xf32, #tpu.memory_space<vmem>>[vector<16xi32>], vector<16xf32>,
      %add3A_271 = arith.constant 7 : i32
      %add3A_272 = vector.broadcast %add3A_271 : i32 to vector<16xi32>
      %add3A_273 = arith.addi %mul3A_246, %add3A_272 : vector<16xi32>
      %gather3A_274 = tpu.vector_load_idx %arg8[%add3A_273] : memref<10000xf32, #tpu.memory_space<vmem>>[vector<16xi32>], vector<16xf32>,
      %add3A_275 = arith.constant 8 : i32
      %add3A_276 = vector.broadcast %add3A_275 : i32 to vector<16xi32>
      %add3A_277 = arith.addi %mul3A_246, %add3A_276 : vector<16xi32>
      %gather3A_278 = tpu.vector_load_idx %arg8[%add3A_277] : memref<10000xf32, #tpu.memory_space<vmem>>[vector<16xi32>], vector<16xf32>,
      %add3A_279 = arith.constant 9 : i32
      %add3A_280 = vector.broadcast %add3A_279 : i32 to vector<16xi32>
      %add3A_281 = arith.addi %mul3A_246, %add3A_280 : vector<16xi32>
      %gather3A_282 = tpu.vector_load_idx %arg8[%add3A_281] : memref<10000xf32, #tpu.memory_space<vmem>>[vector<16xi32>], vector<16xf32>,
      %mul3A_283 = arith.constant 16 : i32
      %mul3A_284 = arith.muli %scan3A_240, %mul3A_283 : i32
      %get3A_285 = arith.index_cast %mul3A_284 : i32 to index
      %get3A_286 = tpu.vector_load %arg16[%get3A_285] {strides = array<i32>} : memref<9408xf32, #tpu.memory_space<vmem>>, vector<16xf32>,
      %mul3A_287 = arith.constant 16 : i32
      %mul3A_288 = arith.muli %scan3A_240, %mul3A_287 : i32
      %add3A_289 = arith.constant 3136 : i32
      %add3A_290 = arith.addi %add3A_289, %mul3A_288 : i32
      %get3A_291 = arith.index_cast %add3A_290 : i32 to index
      %get3A_292 = tpu.vector_load %arg16[%get3A_291] {strides = array<i32>} : memref<9408xf32, #tpu.memory_space<vmem>>, vector<16xf32>,
      %mul3A_293 = arith.constant 16 : i32
      %mul3A_294 = arith.muli %scan3A_240, %mul3A_293 : i32
      %add3A_295 = arith.constant 6272 : i32
      %add3A_296 = arith.addi %add3A_295, %mul3A_294 : i32
      %get3A_297 = arith.index_cast %add3A_296 : i32 to index
      %get3A_298 = tpu.vector_load %arg16[%get3A_297] {strides = array<i32>} : memref<9408xf32, #tpu.memory_space<vmem>>, vector<16xf32>,
      %mul3A_299 = arith.mulf %gather3A, %gather3A : vector<16xf32>
      %mul3A_300 = arith.mulf %gather3A_250, %gather3A_250 : vector<16xf32>
      %add3A_301 = arith.addf %mul3A_299, %mul3A_300 : vector<16xf32>
      %mul3A_302 = arith.mulf %gather3A_254, %gather3A_254 : vector<16xf32>
      %add3A_303 = arith.addf %add3A_301, %mul3A_302 : vector<16xf32>
      %mul3A_304 = arith.mulf %gather3A_258, %gather3A_258 : vector<16xf32>
      %add3A_305 = arith.addf %add3A_303, %mul3A_304 : vector<16xf32>
      %div3A = arith.constant 2.000000e+00 : f32
      %div3A_306 = vector.broadcast %div3A : f32 to vector<16xf32>
      %div3A_307 = arith.divf %div3A_306, %add3A_305 : vector<16xf32>
      %mul3A_308 = arith.mulf %gather3A_254, %get3A_298 : vector<16xf32>
      %mul3A_309 = arith.mulf %gather3A_258, %get3A_292 : vector<16xf32>
      %sub3A = arith.subf %mul3A_308, %mul3A_309 : vector<16xf32>
      %mul3A_310 = arith.mulf %gather3A, %get3A_286 : vector<16xf32>
      %add3A_311 = arith.addf %sub3A, %mul3A_310 : vector<16xf32>
      %mul3A_312 = arith.mulf %gather3A_258, %get3A_286 : vector<16xf32>
      %mul3A_313 = arith.mulf %gather3A_250, %get3A_298 : vector<16xf32>
      %sub3A_314 = arith.subf %mul3A_312, %mul3A_313 : vector<16xf32>
      %mul3A_315 = arith.mulf %gather3A, %get3A_292 : vector<16xf32>
      %add3A_316 = arith.addf %sub3A_314, %mul3A_315 : vector<16xf32>
      %mul3A_317 = arith.mulf %gather3A_250, %get3A_292 : vector<16xf32>
      %mul3A_318 = arith.mulf %gather3A_254, %get3A_286 : vector<16xf32>
      %sub3A_319 = arith.subf %mul3A_317, %mul3A_318 : vector<16xf32>
      %mul3A_320 = arith.mulf %gather3A, %get3A_298 : vector<16xf32>
      %add3A_321 = arith.addf %sub3A_319, %mul3A_320 : vector<16xf32>
      %mul3A_322 = arith.mulf %gather3A_254, %add3A_321 : vector<16xf32>
      %mul3A_323 = arith.mulf %gather3A_258, %add3A_316 : vector<16xf32>
      %sub3A_324 = arith.subf %mul3A_322, %mul3A_323 : vector<16xf32>
      %mul3A_325 = arith.mulf %gather3A_258, %add3A_311 : vector<16xf32>
      %mul3A_326 = arith.mulf %gather3A_250, %add3A_321 : vector<16xf32>
      %sub3A_327 = arith.subf %mul3A_325, %mul3A_326 : vector<16xf32>
      %mul3A_328 = arith.mulf %gather3A_250, %add3A_316 : vector<16xf32>
      %mul3A_329 = arith.mulf %gather3A_254, %add3A_311 : vector<16xf32>
      %sub3A_330 = arith.subf %mul3A_328, %mul3A_329 : vector<16xf32>
      %mul3A_331 = arith.mulf %div3A_307, %sub3A_324 : vector<16xf32>
      %add3A_332 = arith.addf %get3A_286, %mul3A_331 : vector<16xf32>
      %add3A_333 = arith.addf %add3A_332, %gather3A_262 : vector<16xf32>
      %mul3A_334 = arith.mulf %div3A_307, %sub3A_327 : vector<16xf32>
      %add3A_335 = arith.addf %get3A_292, %mul3A_334 : vector<16xf32>
      %add3A_336 = arith.addf %add3A_335, %gather3A_266 : vector<16xf32>
      %mul3A_337 = arith.mulf %div3A_307, %sub3A_330 : vector<16xf32>
      %add3A_338 = arith.addf %get3A_298, %mul3A_337 : vector<16xf32>
      %add3A_339 = arith.addf %add3A_338, %gather3A_270 : vector<16xf32>
      %div3A_340 = arith.constant -1.000000e+00 : f32
      %div3A_341 = vector.broadcast %div3A_340 : f32 to vector<16xf32>
      %div3A_342 = arith.divf %div3A_341, %add3A_339 : vector<16xf32>
      %mul3A_343 = arith.mulf %add3A_333, %div3A_342 : vector<16xf32>
      %mul3A_344 = arith.mulf %add3A_336, %div3A_342 : vector<16xf32>
      %mul3A_345 = arith.mulf %mul3A_343, %mul3A_343 : vector<16xf32>
      %mul3A_346 = arith.mulf %mul3A_344, %mul3A_344 : vector<16xf32>
      %add3A_347 = arith.addf %mul3A_345, %mul3A_346 : vector<16xf32>
      %mul3A_348 = arith.mulf %gather3A_278, %add3A_347 : vector<16xf32>
      %add3A_349 = arith.constant 1.000000e+00 : f32
      %add3A_350 = vector.broadcast %add3A_349 : f32 to vector<16xf32>
      %add3A_351 = arith.addf %add3A_350, %mul3A_348 : vector<16xf32>
      %mul3A_352 = arith.mulf %add3A_347, %add3A_347 : vector<16xf32>
      %mul3A_353 = arith.mulf %gather3A_282, %mul3A_352 : vector<16xf32>
      %add3A_354 = arith.addf %add3A_351, %mul3A_353 : vector<16xf32>
      %mul3A_355 = arith.mulf %add3A_354, %gather3A_274 : vector<16xf32>
      %mul3A_356 = arith.mulf %mul3A_343, %mul3A_355 : vector<16xf32>
      %mul3A_357 = arith.constant 16 : i32
      %mul3A_358 = arith.muli %scan3A_240, %mul3A_357 : i32
      %swap3A = arith.index_cast %mul3A_358 : i32 to index
      %swap3A_359 = tpu.vector_load %arg18[%swap3A] {strides = array<i32>} : memref<3136xf32, #tpu.memory_space<vmem>>, vector<16xf32>,
      tpu.vector_store %arg18[%swap3A], %mul3A_356 {strides = array<i32>} : memref<3136xf32, #tpu.memory_space<vmem>>, vector<16xf32>,
      %mul3A_360 = arith.mulf %mul3A_344, %mul3A_355 : vector<16xf32>
      %mul3A_361 = arith.constant 16 : i32
      %mul3A_362 = arith.muli %scan3A_240, %mul3A_361 : i32
      %swap3A_363 = arith.index_cast %mul3A_362 : i32 to index
      %swap3A_364 = tpu.vector_load %arg20[%swap3A_363] {strides = array<i32>} : memref<3136xf32, #tpu.memory_space<vmem>>, vector<16xf32>,
      tpu.vector_store %arg20[%swap3A_363], %mul3A_360 {strides = array<i32>} : memref<3136xf32, #tpu.memory_space<vmem>>, vector<16xf32>,
    }
    %scan3A_55 = arith.constant 196 : i32
    %add3A_56 = arith.constant 3136 : i32
    %add3A_57 = arith.addi %min3A_3, %add3A_56 : i32
    %multiple_of3A_58 = tpu.assume_multiple %add3A_57, 16 : i32
    %dma_start3A_59 = tpu.memref_slice %arg6[%multiple_of3A_58] : memref<800000xf32, #tpu.memory_space<hbm>> -> memref<3136xf32, #tpu.memory_space<hbm>>
    %dma_start3A_60 = tpu.memref_slice %arg6[%multiple_of3A_58] : memref<800000xf32, #tpu.memory_space<hbm>> -> memref<3136xf32, #tpu.memory_space<hbm>>
    tpu.enqueue_dma source(%arg18 : memref<3136xf32, #tpu.memory_space<vmem>>) target(%dma_start3A_60 : memref<3136xf32, #tpu.memory_space<hbm>>) target_semaphore(%arg22 : memref<!tpu.dma_semaphore, #tpu.memory_space<semaphore_mem>>)
    %dma_start3A_61 = tpu.memref_slice %arg7[%multiple_of3A_58] : memref<800000xf32, #tpu.memory_space<hbm>> -> memref<3136xf32, #tpu.memory_space<hbm>>
    %dma_start3A_62 = tpu.memref_slice %arg7[%multiple_of3A_58] : memref<800000xf32, #tpu.memory_space<hbm>> -> memref<3136xf32, #tpu.memory_space<hbm>>
    tpu.enqueue_dma source(%arg20 : memref<3136xf32, #tpu.memory_space<vmem>>) target(%dma_start3A_62 : memref<3136xf32, #tpu.memory_space<hbm>>) target_semaphore(%arg22 : memref<!tpu.dma_semaphore, #tpu.memory_space<semaphore_mem>>)
    %add3A_63 = arith.constant 9408 : i32
    %add3A_64 = arith.addi %min3A_3, %add3A_63 : i32
    %multiple_of3A_65 = tpu.assume_multiple %add3A_64, 16 : i32
    "tpu.region"() ({
      %run_scoped3A = tpu.sem_alloc : memref<!tpu.dma_semaphore, #tpu.memory_space<semaphore_mem>>
      %dma_start3A_240 = tpu.memref_slice %arg3[%multiple_of3A_65] : memref<800000xi32, #tpu.memory_space<hbm>> -> memref<3136xi32, #tpu.memory_space<hbm>>
      %dma_start3A_241 = tpu.memref_slice %arg3[%multiple_of3A_65] : memref<800000xi32, #tpu.memory_space<hbm>> -> memref<3136xi32, #tpu.memory_space<hbm>>
      tpu.enqueue_dma source(%dma_start3A_241 : memref<3136xi32, #tpu.memory_space<hbm>>) target(%arg12 : memref<3136xi32, #tpu.memory_space<vmem>>) target_semaphore(%run_scoped3A : memref<!tpu.dma_semaphore, #tpu.memory_space<semaphore_mem>>)
      %dma_wait3A_242 = tpu.memref_slice %arg3[%multiple_of3A_65] : memref<800000xi32, #tpu.memory_space<hbm>> -> memref<3136xi32, #tpu.memory_space<hbm>>
      %dma_wait3A_243 = tpu.memref_slice %arg3[%multiple_of3A_65] : memref<800000xi32, #tpu.memory_space<hbm>> -> memref<3136xi32, #tpu.memory_space<hbm>>
      tpu.wait_dma2 semaphore(%run_scoped3A : memref<!tpu.dma_semaphore, #tpu.memory_space<semaphore_mem>>) src(%dma_wait3A_243 : memref<3136xi32, #tpu.memory_space<hbm>>) dst(%arg12 : memref<3136xi32, #tpu.memory_space<vmem>>)
      tpu.yield
    }) : () -> ()
    %scan3A_66 = arith.constant 0 : i32
    %scan3A_67 = arith.constant 0 : i32
    %scan3A_68 = arith.constant 196 : i32
    %scan3A_69 = arith.addi %scan3A_67, %scan3A_68 : i32
    %scan3A_70 = arith.constant 1 : i32
    scf.for %scan3A_240 = %scan3A_67 to %scan3A_69 step %scan3A_70  : i32 {
      %mul3A_241 = arith.constant 16 : i32
      %mul3A_242 = arith.muli %scan3A_240, %mul3A_241 : i32
      %get3A = arith.index_cast %mul3A_242 : i32 to index
      %get3A_243 = tpu.vector_load %arg12[%get3A] {strides = array<i32>} : memref<3136xi32, #tpu.memory_space<vmem>>, vector<16xi32>,
      %mul3A_244 = arith.constant 16 : i32
      %mul3A_245 = arith.muli %scan3A_240, %mul3A_244 : i32
      %swap3A = arith.index_cast %mul3A_245 : i32 to index
      %swap3A_246 = tpu.vector_load %arg14[%swap3A] {strides = array<i32>} : memref<9408xi32, #tpu.memory_space<vmem>>, vector<16xi32>,
      tpu.vector_store %arg14[%swap3A], %get3A_243 {strides = array<i32>} : memref<9408xi32, #tpu.memory_space<vmem>>, vector<16xi32>,
      %add3A_247 = arith.constant 200000 : i32
      %add3A_248 = vector.broadcast %add3A_247 : i32 to vector<16xi32>
      %add3A_249 = arith.addi %get3A_243, %add3A_248 : vector<16xi32>
      %mul3A_250 = arith.constant 16 : i32
      %mul3A_251 = arith.muli %scan3A_240, %mul3A_250 : i32
      %add3A_252 = arith.constant 3136 : i32
      %add3A_253 = arith.addi %add3A_252, %mul3A_251 : i32
      %swap3A_254 = arith.index_cast %add3A_253 : i32 to index
      %swap3A_255 = tpu.vector_load %arg14[%swap3A_254] {strides = array<i32>} : memref<9408xi32, #tpu.memory_space<vmem>>, vector<16xi32>,
      tpu.vector_store %arg14[%swap3A_254], %add3A_249 {strides = array<i32>} : memref<9408xi32, #tpu.memory_space<vmem>>, vector<16xi32>,
      %add3A_256 = arith.constant 400000 : i32
      %add3A_257 = vector.broadcast %add3A_256 : i32 to vector<16xi32>
      %add3A_258 = arith.addi %get3A_243, %add3A_257 : vector<16xi32>
      %mul3A_259 = arith.constant 16 : i32
      %mul3A_260 = arith.muli %scan3A_240, %mul3A_259 : i32
      %add3A_261 = arith.constant 6272 : i32
      %add3A_262 = arith.addi %add3A_261, %mul3A_260 : i32
      %swap3A_263 = arith.index_cast %add3A_262 : i32 to index
      %swap3A_264 = tpu.vector_load %arg14[%swap3A_263] {strides = array<i32>} : memref<9408xi32, #tpu.memory_space<vmem>>, vector<16xi32>,
      tpu.vector_store %arg14[%swap3A_263], %add3A_258 {strides = array<i32>} : memref<9408xi32, #tpu.memory_space<vmem>>, vector<16xi32>,
    }
    %scan3A_71 = arith.constant 196 : i32
    %dma_start3A_72 = arith.constant 0 : i32
    %dma_start3A_73 = tpu.memref_slice %arg5[%dma_start3A_72] : memref<600000xf32, #tpu.memory_space<hbm>> -> memref<600000xf32, #tpu.memory_space<hbm>>
    tpu.enqueue_indirect_dma source(%dma_start3A_73 : memref<600000xf32, #tpu.memory_space<hbm>>) target(%arg16 : memref<9408xf32, #tpu.memory_space<vmem>>) offsets(%arg14 : memref<9408xi32, #tpu.memory_space<vmem>>) semaphore(%arg21 : memref<!tpu.dma_semaphore, #tpu.memory_space<semaphore_mem>>)
    "tpu.region"() ({
      %run_scoped3A = tpu.sem_alloc : memref<!tpu.dma_semaphore, #tpu.memory_space<semaphore_mem>>
      %dma_start3A_240 = tpu.memref_slice %arg2[%multiple_of3A_65] : memref<800000xi32, #tpu.memory_space<hbm>> -> memref<3136xi32, #tpu.memory_space<hbm>>
      %dma_start3A_241 = tpu.memref_slice %arg2[%multiple_of3A_65] : memref<800000xi32, #tpu.memory_space<hbm>> -> memref<3136xi32, #tpu.memory_space<hbm>>
      tpu.enqueue_dma source(%dma_start3A_241 : memref<3136xi32, #tpu.memory_space<hbm>>) target(%arg10 : memref<3136xi32, #tpu.memory_space<vmem>>) target_semaphore(%run_scoped3A : memref<!tpu.dma_semaphore, #tpu.memory_space<semaphore_mem>>)
      %dma_wait3A_242 = tpu.memref_slice %arg2[%multiple_of3A_65] : memref<800000xi32, #tpu.memory_space<hbm>> -> memref<3136xi32, #tpu.memory_space<hbm>>
      %dma_wait3A_243 = tpu.memref_slice %arg2[%multiple_of3A_65] : memref<800000xi32, #tpu.memory_space<hbm>> -> memref<3136xi32, #tpu.memory_space<hbm>>
      tpu.wait_dma2 semaphore(%run_scoped3A : memref<!tpu.dma_semaphore, #tpu.memory_space<semaphore_mem>>) src(%dma_wait3A_243 : memref<3136xi32, #tpu.memory_space<hbm>>) dst(%arg10 : memref<3136xi32, #tpu.memory_space<vmem>>)
      tpu.yield
    }) : () -> ()
    %dma_wait3A_74 = arith.constant 0 : i32
    %dma_wait3A_75 = tpu.memref_slice %arg5[%dma_wait3A_74] : memref<600000xf32, #tpu.memory_space<hbm>> -> memref<600000xf32, #tpu.memory_space<hbm>>
    tpu.wait_indirect_dma semaphore(%arg21 : memref<!tpu.dma_semaphore, #tpu.memory_space<semaphore_mem>>) src(%dma_wait3A_75 : memref<600000xf32, #tpu.memory_space<hbm>>) dst(%arg15 : memref<9408xf32, #tpu.memory_space<vmem>>)
    %dma_wait3A_76 = tpu.memref_slice %arg6[%multiple_of3A_32] : memref<800000xf32, #tpu.memory_space<hbm>> -> memref<3136xf32, #tpu.memory_space<hbm>>
    %dma_wait3A_77 = tpu.memref_slice %arg6[%multiple_of3A_32] : memref<800000xf32, #tpu.memory_space<hbm>> -> memref<3136xf32, #tpu.memory_space<hbm>>
    tpu.wait_dma2 semaphore(%arg22 : memref<!tpu.dma_semaphore, #tpu.memory_space<semaphore_mem>>) src(%arg17 : memref<3136xf32, #tpu.memory_space<vmem>>) dst(%dma_wait3A_77 : memref<3136xf32, #tpu.memory_space<hbm>>)
    %dma_wait3A_78 = tpu.memref_slice %arg7[%multiple_of3A_32] : memref<800000xf32, #tpu.memory_space<hbm>> -> memref<3136xf32, #tpu.memory_space<hbm>>
    %dma_wait3A_79 = tpu.memref_slice %arg7[%multiple_of3A_32] : memref<800000xf32, #tpu.memory_space<hbm>> -> memref<3136xf32, #tpu.memory_space<hbm>>
    tpu.wait_dma2 semaphore(%arg22 : memref<!tpu.dma_semaphore, #tpu.memory_space<semaphore_mem>>) src(%arg19 : memref<3136xf32, #tpu.memory_space<vmem>>) dst(%dma_wait3A_79 : memref<3136xf32, #tpu.memory_space<hbm>>)
    %scan3A_80 = arith.constant 0 : i32
    %scan3A_81 = arith.constant 0 : i32
    %scan3A_82 = arith.constant 196 : i32
    %scan3A_83 = arith.addi %scan3A_81, %scan3A_82 : i32
    %scan3A_84 = arith.constant 1 : i32
    scf.for %scan3A_240 = %scan3A_81 to %scan3A_83 step %scan3A_84  : i32 {
      %mul3A_241 = arith.constant 16 : i32
      %mul3A_242 = arith.muli %scan3A_240, %mul3A_241 : i32
      %get3A = arith.index_cast %mul3A_242 : i32 to index
      %get3A_243 = tpu.vector_load %arg9[%get3A] {strides = array<i32>} : memref<3136xi32, #tpu.memory_space<vmem>>, vector<16xi32>,
      %mul3A_244 = arith.constant 10 : i32
      %mul3A_245 = vector.broadcast %mul3A_244 : i32 to vector<16xi32>
      %mul3A_246 = arith.muli %get3A_243, %mul3A_245 : vector<16xi32>
      %gather3A = tpu.vector_load_idx %arg8[%mul3A_246] : memref<10000xf32, #tpu.memory_space<vmem>>[vector<16xi32>], vector<16xf32>,
      %add3A_247 = arith.constant 1 : i32
      %add3A_248 = vector.broadcast %add3A_247 : i32 to vector<16xi32>
      %add3A_249 = arith.addi %mul3A_246, %add3A_248 : vector<16xi32>
      %gather3A_250 = tpu.vector_load_idx %arg8[%add3A_249] : memref<10000xf32, #tpu.memory_space<vmem>>[vector<16xi32>], vector<16xf32>,
      %add3A_251 = arith.constant 2 : i32
      %add3A_252 = vector.broadcast %add3A_251 : i32 to vector<16xi32>
      %add3A_253 = arith.addi %mul3A_246, %add3A_252 : vector<16xi32>
      %gather3A_254 = tpu.vector_load_idx %arg8[%add3A_253] : memref<10000xf32, #tpu.memory_space<vmem>>[vector<16xi32>], vector<16xf32>,
      %add3A_255 = arith.constant 3 : i32
      %add3A_256 = vector.broadcast %add3A_255 : i32 to vector<16xi32>
      %add3A_257 = arith.addi %mul3A_246, %add3A_256 : vector<16xi32>
      %gather3A_258 = tpu.vector_load_idx %arg8[%add3A_257] : memref<10000xf32, #tpu.memory_space<vmem>>[vector<16xi32>], vector<16xf32>,
      %add3A_259 = arith.constant 4 : i32
      %add3A_260 = vector.broadcast %add3A_259 : i32 to vector<16xi32>
      %add3A_261 = arith.addi %mul3A_246, %add3A_260 : vector<16xi32>
      %gather3A_262 = tpu.vector_load_idx %arg8[%add3A_261] : memref<10000xf32, #tpu.memory_space<vmem>>[vector<16xi32>], vector<16xf32>,
      %add3A_263 = arith.constant 5 : i32
      %add3A_264 = vector.broadcast %add3A_263 : i32 to vector<16xi32>
      %add3A_265 = arith.addi %mul3A_246, %add3A_264 : vector<16xi32>
      %gather3A_266 = tpu.vector_load_idx %arg8[%add3A_265] : memref<10000xf32, #tpu.memory_space<vmem>>[vector<16xi32>], vector<16xf32>,
      %add3A_267 = arith.constant 6 : i32
      %add3A_268 = vector.broadcast %add3A_267 : i32 to vector<16xi32>
      %add3A_269 = arith.addi %mul3A_246, %add3A_268 : vector<16xi32>
      %gather3A_270 = tpu.vector_load_idx %arg8[%add3A_269] : memref<10000xf32, #tpu.memory_space<vmem>>[vector<16xi32>], vector<16xf32>,
      %add3A_271 = arith.constant 7 : i32
      %add3A_272 = vector.broadcast %add3A_271 : i32 to vector<16xi32>
      %add3A_273 = arith.addi %mul3A_246, %add3A_272 : vector<16xi32>
      %gather3A_274 = tpu.vector_load_idx %arg8[%add3A_273] : memref<10000xf32, #tpu.memory_space<vmem>>[vector<16xi32>], vector<16xf32>,
      %add3A_275 = arith.constant 8 : i32
      %add3A_276 = vector.broadcast %add3A_275 : i32 to vector<16xi32>
      %add3A_277 = arith.addi %mul3A_246, %add3A_276 : vector<16xi32>
      %gather3A_278 = tpu.vector_load_idx %arg8[%add3A_277] : memref<10000xf32, #tpu.memory_space<vmem>>[vector<16xi32>], vector<16xf32>,
      %add3A_279 = arith.constant 9 : i32
      %add3A_280 = vector.broadcast %add3A_279 : i32 to vector<16xi32>
      %add3A_281 = arith.addi %mul3A_246, %add3A_280 : vector<16xi32>
      %gather3A_282 = tpu.vector_load_idx %arg8[%add3A_281] : memref<10000xf32, #tpu.memory_space<vmem>>[vector<16xi32>], vector<16xf32>,
      %mul3A_283 = arith.constant 16 : i32
      %mul3A_284 = arith.muli %scan3A_240, %mul3A_283 : i32
      %get3A_285 = arith.index_cast %mul3A_284 : i32 to index
      %get3A_286 = tpu.vector_load %arg15[%get3A_285] {strides = array<i32>} : memref<9408xf32, #tpu.memory_space<vmem>>, vector<16xf32>,
      %mul3A_287 = arith.constant 16 : i32
      %mul3A_288 = arith.muli %scan3A_240, %mul3A_287 : i32
      %add3A_289 = arith.constant 3136 : i32
      %add3A_290 = arith.addi %add3A_289, %mul3A_288 : i32
      %get3A_291 = arith.index_cast %add3A_290 : i32 to index
      %get3A_292 = tpu.vector_load %arg15[%get3A_291] {strides = array<i32>} : memref<9408xf32, #tpu.memory_space<vmem>>, vector<16xf32>,
      %mul3A_293 = arith.constant 16 : i32
      %mul3A_294 = arith.muli %scan3A_240, %mul3A_293 : i32
      %add3A_295 = arith.constant 6272 : i32
      %add3A_296 = arith.addi %add3A_295, %mul3A_294 : i32
      %get3A_297 = arith.index_cast %add3A_296 : i32 to index
      %get3A_298 = tpu.vector_load %arg15[%get3A_297] {strides = array<i32>} : memref<9408xf32, #tpu.memory_space<vmem>>, vector<16xf32>,
      %mul3A_299 = arith.mulf %gather3A, %gather3A : vector<16xf32>
      %mul3A_300 = arith.mulf %gather3A_250, %gather3A_250 : vector<16xf32>
      %add3A_301 = arith.addf %mul3A_299, %mul3A_300 : vector<16xf32>
      %mul3A_302 = arith.mulf %gather3A_254, %gather3A_254 : vector<16xf32>
      %add3A_303 = arith.addf %add3A_301, %mul3A_302 : vector<16xf32>
      %mul3A_304 = arith.mulf %gather3A_258, %gather3A_258 : vector<16xf32>
      %add3A_305 = arith.addf %add3A_303, %mul3A_304 : vector<16xf32>
      %div3A = arith.constant 2.000000e+00 : f32
      %div3A_306 = vector.broadcast %div3A : f32 to vector<16xf32>
      %div3A_307 = arith.divf %div3A_306, %add3A_305 : vector<16xf32>
      %mul3A_308 = arith.mulf %gather3A_254, %get3A_298 : vector<16xf32>
      %mul3A_309 = arith.mulf %gather3A_258, %get3A_292 : vector<16xf32>
      %sub3A = arith.subf %mul3A_308, %mul3A_309 : vector<16xf32>
      %mul3A_310 = arith.mulf %gather3A, %get3A_286 : vector<16xf32>
      %add3A_311 = arith.addf %sub3A, %mul3A_310 : vector<16xf32>
      %mul3A_312 = arith.mulf %gather3A_258, %get3A_286 : vector<16xf32>
      %mul3A_313 = arith.mulf %gather3A_250, %get3A_298 : vector<16xf32>
      %sub3A_314 = arith.subf %mul3A_312, %mul3A_313 : vector<16xf32>
      %mul3A_315 = arith.mulf %gather3A, %get3A_292 : vector<16xf32>
      %add3A_316 = arith.addf %sub3A_314, %mul3A_315 : vector<16xf32>
      %mul3A_317 = arith.mulf %gather3A_250, %get3A_292 : vector<16xf32>
      %mul3A_318 = arith.mulf %gather3A_254, %get3A_286 : vector<16xf32>
      %sub3A_319 = arith.subf %mul3A_317, %mul3A_318 : vector<16xf32>
      %mul3A_320 = arith.mulf %gather3A, %get3A_298 : vector<16xf32>
      %add3A_321 = arith.addf %sub3A_319, %mul3A_320 : vector<16xf32>
      %mul3A_322 = arith.mulf %gather3A_254, %add3A_321 : vector<16xf32>
      %mul3A_323 = arith.mulf %gather3A_258, %add3A_316 : vector<16xf32>
      %sub3A_324 = arith.subf %mul3A_322, %mul3A_323 : vector<16xf32>
      %mul3A_325 = arith.mulf %gather3A_258, %add3A_311 : vector<16xf32>
      %mul3A_326 = arith.mulf %gather3A_250, %add3A_321 : vector<16xf32>
      %sub3A_327 = arith.subf %mul3A_325, %mul3A_326 : vector<16xf32>
      %mul3A_328 = arith.mulf %gather3A_250, %add3A_316 : vector<16xf32>
      %mul3A_329 = arith.mulf %gather3A_254, %add3A_311 : vector<16xf32>
      %sub3A_330 = arith.subf %mul3A_328, %mul3A_329 : vector<16xf32>
      %mul3A_331 = arith.mulf %div3A_307, %sub3A_324 : vector<16xf32>
      %add3A_332 = arith.addf %get3A_286, %mul3A_331 : vector<16xf32>
      %add3A_333 = arith.addf %add3A_332, %gather3A_262 : vector<16xf32>
      %mul3A_334 = arith.mulf %div3A_307, %sub3A_327 : vector<16xf32>
      %add3A_335 = arith.addf %get3A_292, %mul3A_334 : vector<16xf32>
      %add3A_336 = arith.addf %add3A_335, %gather3A_266 : vector<16xf32>
      %mul3A_337 = arith.mulf %div3A_307, %sub3A_330 : vector<16xf32>
      %add3A_338 = arith.addf %get3A_298, %mul3A_337 : vector<16xf32>
      %add3A_339 = arith.addf %add3A_338, %gather3A_270 : vector<16xf32>
      %div3A_340 = arith.constant -1.000000e+00 : f32
      %div3A_341 = vector.broadcast %div3A_340 : f32 to vector<16xf32>
      %div3A_342 = arith.divf %div3A_341, %add3A_339 : vector<16xf32>
      %mul3A_343 = arith.mulf %add3A_333, %div3A_342 : vector<16xf32>
      %mul3A_344 = arith.mulf %add3A_336, %div3A_342 : vector<16xf32>
      %mul3A_345 = arith.mulf %mul3A_343, %mul3A_343 : vector<16xf32>
      %mul3A_346 = arith.mulf %mul3A_344, %mul3A_344 : vector<16xf32>
      %add3A_347 = arith.addf %mul3A_345, %mul3A_346 : vector<16xf32>
      %mul3A_348 = arith.mulf %gather3A_278, %add3A_347 : vector<16xf32>
      %add3A_349 = arith.constant 1.000000e+00 : f32
      %add3A_350 = vector.broadcast %add3A_349 : f32 to vector<16xf32>
      %add3A_351 = arith.addf %add3A_350, %mul3A_348 : vector<16xf32>
      %mul3A_352 = arith.mulf %add3A_347, %add3A_347 : vector<16xf32>
      %mul3A_353 = arith.mulf %gather3A_282, %mul3A_352 : vector<16xf32>
      %add3A_354 = arith.addf %add3A_351, %mul3A_353 : vector<16xf32>
      %mul3A_355 = arith.mulf %add3A_354, %gather3A_274 : vector<16xf32>
      %mul3A_356 = arith.mulf %mul3A_343, %mul3A_355 : vector<16xf32>
      %mul3A_357 = arith.constant 16 : i32
      %mul3A_358 = arith.muli %scan3A_240, %mul3A_357 : i32
      %swap3A = arith.index_cast %mul3A_358 : i32 to index
      %swap3A_359 = tpu.vector_load %arg17[%swap3A] {strides = array<i32>} : memref<3136xf32, #tpu.memory_space<vmem>>, vector<16xf32>,
      tpu.vector_store %arg17[%swap3A], %mul3A_356 {strides = array<i32>} : memref<3136xf32, #tpu.memory_space<vmem>>, vector<16xf32>,
      %mul3A_360 = arith.mulf %mul3A_344, %mul3A_355 : vector<16xf32>
      %mul3A_361 = arith.constant 16 : i32
      %mul3A_362 = arith.muli %scan3A_240, %mul3A_361 : i32
      %swap3A_363 = arith.index_cast %mul3A_362 : i32 to index
      %swap3A_364 = tpu.vector_load %arg19[%swap3A_363] {strides = array<i32>} : memref<3136xf32, #tpu.memory_space<vmem>>, vector<16xf32>,
      tpu.vector_store %arg19[%swap3A_363], %mul3A_360 {strides = array<i32>} : memref<3136xf32, #tpu.memory_space<vmem>>, vector<16xf32>,
    }
    %scan3A_85 = arith.constant 196 : i32
    %add3A_86 = arith.constant 6272 : i32
    %add3A_87 = arith.addi %min3A_3, %add3A_86 : i32
    %multiple_of3A_88 = tpu.assume_multiple %add3A_87, 16 : i32
    %dma_start3A_89 = tpu.memref_slice %arg6[%multiple_of3A_88] : memref<800000xf32, #tpu.memory_space<hbm>> -> memref<3136xf32, #tpu.memory_space<hbm>>
    %dma_start3A_90 = tpu.memref_slice %arg6[%multiple_of3A_88] : memref<800000xf32, #tpu.memory_space<hbm>> -> memref<3136xf32, #tpu.memory_space<hbm>>
    tpu.enqueue_dma source(%arg17 : memref<3136xf32, #tpu.memory_space<vmem>>) target(%dma_start3A_90 : memref<3136xf32, #tpu.memory_space<hbm>>) target_semaphore(%arg22 : memref<!tpu.dma_semaphore, #tpu.memory_space<semaphore_mem>>)
    %dma_start3A_91 = tpu.memref_slice %arg7[%multiple_of3A_88] : memref<800000xf32, #tpu.memory_space<hbm>> -> memref<3136xf32, #tpu.memory_space<hbm>>
    %dma_start3A_92 = tpu.memref_slice %arg7[%multiple_of3A_88] : memref<800000xf32, #tpu.memory_space<hbm>> -> memref<3136xf32, #tpu.memory_space<hbm>>
    tpu.enqueue_dma source(%arg19 : memref<3136xf32, #tpu.memory_space<vmem>>) target(%dma_start3A_92 : memref<3136xf32, #tpu.memory_space<hbm>>) target_semaphore(%arg22 : memref<!tpu.dma_semaphore, #tpu.memory_space<semaphore_mem>>)
    %add3A_93 = arith.constant 12544 : i32
    %add3A_94 = arith.addi %min3A_3, %add3A_93 : i32
    %multiple_of3A_95 = tpu.assume_multiple %add3A_94, 16 : i32
    "tpu.region"() ({
      %run_scoped3A = tpu.sem_alloc : memref<!tpu.dma_semaphore, #tpu.memory_space<semaphore_mem>>
      %dma_start3A_240 = tpu.memref_slice %arg3[%multiple_of3A_95] : memref<800000xi32, #tpu.memory_space<hbm>> -> memref<3136xi32, #tpu.memory_space<hbm>>
      %dma_start3A_241 = tpu.memref_slice %arg3[%multiple_of3A_95] : memref<800000xi32, #tpu.memory_space<hbm>> -> memref<3136xi32, #tpu.memory_space<hbm>>
      tpu.enqueue_dma source(%dma_start3A_241 : memref<3136xi32, #tpu.memory_space<hbm>>) target(%arg11 : memref<3136xi32, #tpu.memory_space<vmem>>) target_semaphore(%run_scoped3A : memref<!tpu.dma_semaphore, #tpu.memory_space<semaphore_mem>>)
      %dma_wait3A_242 = tpu.memref_slice %arg3[%multiple_of3A_95] : memref<800000xi32, #tpu.memory_space<hbm>> -> memref<3136xi32, #tpu.memory_space<hbm>>
      %dma_wait3A_243 = tpu.memref_slice %arg3[%multiple_of3A_95] : memref<800000xi32, #tpu.memory_space<hbm>> -> memref<3136xi32, #tpu.memory_space<hbm>>
      tpu.wait_dma2 semaphore(%run_scoped3A : memref<!tpu.dma_semaphore, #tpu.memory_space<semaphore_mem>>) src(%dma_wait3A_243 : memref<3136xi32, #tpu.memory_space<hbm>>) dst(%arg11 : memref<3136xi32, #tpu.memory_space<vmem>>)
      tpu.yield
    }) : () -> ()
    %scan3A_96 = arith.constant 0 : i32
    %scan3A_97 = arith.constant 0 : i32
    %scan3A_98 = arith.constant 196 : i32
    %scan3A_99 = arith.addi %scan3A_97, %scan3A_98 : i32
    %scan3A_100 = arith.constant 1 : i32
    scf.for %scan3A_240 = %scan3A_97 to %scan3A_99 step %scan3A_100  : i32 {
      %mul3A_241 = arith.constant 16 : i32
      %mul3A_242 = arith.muli %scan3A_240, %mul3A_241 : i32
      %get3A = arith.index_cast %mul3A_242 : i32 to index
      %get3A_243 = tpu.vector_load %arg11[%get3A] {strides = array<i32>} : memref<3136xi32, #tpu.memory_space<vmem>>, vector<16xi32>,
      %mul3A_244 = arith.constant 16 : i32
      %mul3A_245 = arith.muli %scan3A_240, %mul3A_244 : i32
      %swap3A = arith.index_cast %mul3A_245 : i32 to index
      %swap3A_246 = tpu.vector_load %arg13[%swap3A] {strides = array<i32>} : memref<9408xi32, #tpu.memory_space<vmem>>, vector<16xi32>,
      tpu.vector_store %arg13[%swap3A], %get3A_243 {strides = array<i32>} : memref<9408xi32, #tpu.memory_space<vmem>>, vector<16xi32>,
      %add3A_247 = arith.constant 200000 : i32
      %add3A_248 = vector.broadcast %add3A_247 : i32 to vector<16xi32>
      %add3A_249 = arith.addi %get3A_243, %add3A_248 : vector<16xi32>
      %mul3A_250 = arith.constant 16 : i32
      %mul3A_251 = arith.muli %scan3A_240, %mul3A_250 : i32
      %add3A_252 = arith.constant 3136 : i32
      %add3A_253 = arith.addi %add3A_252, %mul3A_251 : i32
      %swap3A_254 = arith.index_cast %add3A_253 : i32 to index
      %swap3A_255 = tpu.vector_load %arg13[%swap3A_254] {strides = array<i32>} : memref<9408xi32, #tpu.memory_space<vmem>>, vector<16xi32>,
      tpu.vector_store %arg13[%swap3A_254], %add3A_249 {strides = array<i32>} : memref<9408xi32, #tpu.memory_space<vmem>>, vector<16xi32>,
      %add3A_256 = arith.constant 400000 : i32
      %add3A_257 = vector.broadcast %add3A_256 : i32 to vector<16xi32>
      %add3A_258 = arith.addi %get3A_243, %add3A_257 : vector<16xi32>
      %mul3A_259 = arith.constant 16 : i32
      %mul3A_260 = arith.muli %scan3A_240, %mul3A_259 : i32
      %add3A_261 = arith.constant 6272 : i32
      %add3A_262 = arith.addi %add3A_261, %mul3A_260 : i32
      %swap3A_263 = arith.index_cast %add3A_262 : i32 to index
      %swap3A_264 = tpu.vector_load %arg13[%swap3A_263] {strides = array<i32>} : memref<9408xi32, #tpu.memory_space<vmem>>, vector<16xi32>,
      tpu.vector_store %arg13[%swap3A_263], %add3A_258 {strides = array<i32>} : memref<9408xi32, #tpu.memory_space<vmem>>, vector<16xi32>,
    }
    %scan3A_101 = arith.constant 196 : i32
    %dma_start3A_102 = arith.constant 0 : i32
    %dma_start3A_103 = tpu.memref_slice %arg5[%dma_start3A_102] : memref<600000xf32, #tpu.memory_space<hbm>> -> memref<600000xf32, #tpu.memory_space<hbm>>
    tpu.enqueue_indirect_dma source(%dma_start3A_103 : memref<600000xf32, #tpu.memory_space<hbm>>) target(%arg15 : memref<9408xf32, #tpu.memory_space<vmem>>) offsets(%arg13 : memref<9408xi32, #tpu.memory_space<vmem>>) semaphore(%arg21 : memref<!tpu.dma_semaphore, #tpu.memory_space<semaphore_mem>>)
    "tpu.region"() ({
      %run_scoped3A = tpu.sem_alloc : memref<!tpu.dma_semaphore, #tpu.memory_space<semaphore_mem>>
      %dma_start3A_240 = tpu.memref_slice %arg2[%multiple_of3A_95] : memref<800000xi32, #tpu.memory_space<hbm>> -> memref<3136xi32, #tpu.memory_space<hbm>>
      %dma_start3A_241 = tpu.memref_slice %arg2[%multiple_of3A_95] : memref<800000xi32, #tpu.memory_space<hbm>> -> memref<3136xi32, #tpu.memory_space<hbm>>
      tpu.enqueue_dma source(%dma_start3A_241 : memref<3136xi32, #tpu.memory_space<hbm>>) target(%arg9 : memref<3136xi32, #tpu.memory_space<vmem>>) target_semaphore(%run_scoped3A : memref<!tpu.dma_semaphore, #tpu.memory_space<semaphore_mem>>)
      %dma_wait3A_242 = tpu.memref_slice %arg2[%multiple_of3A_95] : memref<800000xi32, #tpu.memory_space<hbm>> -> memref<3136xi32, #tpu.memory_space<hbm>>
      %dma_wait3A_243 = tpu.memref_slice %arg2[%multiple_of3A_95] : memref<800000xi32, #tpu.memory_space<hbm>> -> memref<3136xi32, #tpu.memory_space<hbm>>
      tpu.wait_dma2 semaphore(%run_scoped3A : memref<!tpu.dma_semaphore, #tpu.memory_space<semaphore_mem>>) src(%dma_wait3A_243 : memref<3136xi32, #tpu.memory_space<hbm>>) dst(%arg9 : memref<3136xi32, #tpu.memory_space<vmem>>)
      tpu.yield
    }) : () -> ()
    %dma_wait3A_104 = arith.constant 0 : i32
    %dma_wait3A_105 = tpu.memref_slice %arg5[%dma_wait3A_104] : memref<600000xf32, #tpu.memory_space<hbm>> -> memref<600000xf32, #tpu.memory_space<hbm>>
    tpu.wait_indirect_dma semaphore(%arg21 : memref<!tpu.dma_semaphore, #tpu.memory_space<semaphore_mem>>) src(%dma_wait3A_105 : memref<600000xf32, #tpu.memory_space<hbm>>) dst(%arg16 : memref<9408xf32, #tpu.memory_space<vmem>>)
    %dma_wait3A_106 = tpu.memref_slice %arg6[%multiple_of3A_58] : memref<800000xf32, #tpu.memory_space<hbm>> -> memref<3136xf32, #tpu.memory_space<hbm>>
    %dma_wait3A_107 = tpu.memref_slice %arg6[%multiple_of3A_58] : memref<800000xf32, #tpu.memory_space<hbm>> -> memref<3136xf32, #tpu.memory_space<hbm>>
    tpu.wait_dma2 semaphore(%arg22 : memref<!tpu.dma_semaphore, #tpu.memory_space<semaphore_mem>>) src(%arg18 : memref<3136xf32, #tpu.memory_space<vmem>>) dst(%dma_wait3A_107 : memref<3136xf32, #tpu.memory_space<hbm>>)
    %dma_wait3A_108 = tpu.memref_slice %arg7[%multiple_of3A_58] : memref<800000xf32, #tpu.memory_space<hbm>> -> memref<3136xf32, #tpu.memory_space<hbm>>
    %dma_wait3A_109 = tpu.memref_slice %arg7[%multiple_of3A_58] : memref<800000xf32, #tpu.memory_space<hbm>> -> memref<3136xf32, #tpu.memory_space<hbm>>
    tpu.wait_dma2 semaphore(%arg22 : memref<!tpu.dma_semaphore, #tpu.memory_space<semaphore_mem>>) src(%arg20 : memref<3136xf32, #tpu.memory_space<vmem>>) dst(%dma_wait3A_109 : memref<3136xf32, #tpu.memory_space<hbm>>)
    %scan3A_110 = arith.constant 0 : i32
    %scan3A_111 = arith.constant 0 : i32
    %scan3A_112 = arith.constant 196 : i32
    %scan3A_113 = arith.addi %scan3A_111, %scan3A_112 : i32
    %scan3A_114 = arith.constant 1 : i32
    scf.for %scan3A_240 = %scan3A_111 to %scan3A_113 step %scan3A_114  : i32 {
      %mul3A_241 = arith.constant 16 : i32
      %mul3A_242 = arith.muli %scan3A_240, %mul3A_241 : i32
      %get3A = arith.index_cast %mul3A_242 : i32 to index
      %get3A_243 = tpu.vector_load %arg10[%get3A] {strides = array<i32>} : memref<3136xi32, #tpu.memory_space<vmem>>, vector<16xi32>,
      %mul3A_244 = arith.constant 10 : i32
      %mul3A_245 = vector.broadcast %mul3A_244 : i32 to vector<16xi32>
      %mul3A_246 = arith.muli %get3A_243, %mul3A_245 : vector<16xi32>
      %gather3A = tpu.vector_load_idx %arg8[%mul3A_246] : memref<10000xf32, #tpu.memory_space<vmem>>[vector<16xi32>], vector<16xf32>,
      %add3A_247 = arith.constant 1 : i32
      %add3A_248 = vector.broadcast %add3A_247 : i32 to vector<16xi32>
      %add3A_249 = arith.addi %mul3A_246, %add3A_248 : vector<16xi32>
      %gather3A_250 = tpu.vector_load_idx %arg8[%add3A_249] : memref<10000xf32, #tpu.memory_space<vmem>>[vector<16xi32>], vector<16xf32>,
      %add3A_251 = arith.constant 2 : i32
      %add3A_252 = vector.broadcast %add3A_251 : i32 to vector<16xi32>
      %add3A_253 = arith.addi %mul3A_246, %add3A_252 : vector<16xi32>
      %gather3A_254 = tpu.vector_load_idx %arg8[%add3A_253] : memref<10000xf32, #tpu.memory_space<vmem>>[vector<16xi32>], vector<16xf32>,
      %add3A_255 = arith.constant 3 : i32
      %add3A_256 = vector.broadcast %add3A_255 : i32 to vector<16xi32>
      %add3A_257 = arith.addi %mul3A_246, %add3A_256 : vector<16xi32>
      %gather3A_258 = tpu.vector_load_idx %arg8[%add3A_257] : memref<10000xf32, #tpu.memory_space<vmem>>[vector<16xi32>], vector<16xf32>,
      %add3A_259 = arith.constant 4 : i32
      %add3A_260 = vector.broadcast %add3A_259 : i32 to vector<16xi32>
      %add3A_261 = arith.addi %mul3A_246, %add3A_260 : vector<16xi32>
      %gather3A_262 = tpu.vector_load_idx %arg8[%add3A_261] : memref<10000xf32, #tpu.memory_space<vmem>>[vector<16xi32>], vector<16xf32>,
      %add3A_263 = arith.constant 5 : i32
      %add3A_264 = vector.broadcast %add3A_263 : i32 to vector<16xi32>
      %add3A_265 = arith.addi %mul3A_246, %add3A_264 : vector<16xi32>
      %gather3A_266 = tpu.vector_load_idx %arg8[%add3A_265] : memref<10000xf32, #tpu.memory_space<vmem>>[vector<16xi32>], vector<16xf32>,
      %add3A_267 = arith.constant 6 : i32
      %add3A_268 = vector.broadcast %add3A_267 : i32 to vector<16xi32>
      %add3A_269 = arith.addi %mul3A_246, %add3A_268 : vector<16xi32>
      %gather3A_270 = tpu.vector_load_idx %arg8[%add3A_269] : memref<10000xf32, #tpu.memory_space<vmem>>[vector<16xi32>], vector<16xf32>,
      %add3A_271 = arith.constant 7 : i32
      %add3A_272 = vector.broadcast %add3A_271 : i32 to vector<16xi32>
      %add3A_273 = arith.addi %mul3A_246, %add3A_272 : vector<16xi32>
      %gather3A_274 = tpu.vector_load_idx %arg8[%add3A_273] : memref<10000xf32, #tpu.memory_space<vmem>>[vector<16xi32>], vector<16xf32>,
      %add3A_275 = arith.constant 8 : i32
      %add3A_276 = vector.broadcast %add3A_275 : i32 to vector<16xi32>
      %add3A_277 = arith.addi %mul3A_246, %add3A_276 : vector<16xi32>
      %gather3A_278 = tpu.vector_load_idx %arg8[%add3A_277] : memref<10000xf32, #tpu.memory_space<vmem>>[vector<16xi32>], vector<16xf32>,
      %add3A_279 = arith.constant 9 : i32
      %add3A_280 = vector.broadcast %add3A_279 : i32 to vector<16xi32>
      %add3A_281 = arith.addi %mul3A_246, %add3A_280 : vector<16xi32>
      %gather3A_282 = tpu.vector_load_idx %arg8[%add3A_281] : memref<10000xf32, #tpu.memory_space<vmem>>[vector<16xi32>], vector<16xf32>,
      %mul3A_283 = arith.constant 16 : i32
      %mul3A_284 = arith.muli %scan3A_240, %mul3A_283 : i32
      %get3A_285 = arith.index_cast %mul3A_284 : i32 to index
      %get3A_286 = tpu.vector_load %arg16[%get3A_285] {strides = array<i32>} : memref<9408xf32, #tpu.memory_space<vmem>>, vector<16xf32>,
      %mul3A_287 = arith.constant 16 : i32
      %mul3A_288 = arith.muli %scan3A_240, %mul3A_287 : i32
      %add3A_289 = arith.constant 3136 : i32
      %add3A_290 = arith.addi %add3A_289, %mul3A_288 : i32
      %get3A_291 = arith.index_cast %add3A_290 : i32 to index
      %get3A_292 = tpu.vector_load %arg16[%get3A_291] {strides = array<i32>} : memref<9408xf32, #tpu.memory_space<vmem>>, vector<16xf32>,
      %mul3A_293 = arith.constant 16 : i32
      %mul3A_294 = arith.muli %scan3A_240, %mul3A_293 : i32
      %add3A_295 = arith.constant 6272 : i32
      %add3A_296 = arith.addi %add3A_295, %mul3A_294 : i32
      %get3A_297 = arith.index_cast %add3A_296 : i32 to index
      %get3A_298 = tpu.vector_load %arg16[%get3A_297] {strides = array<i32>} : memref<9408xf32, #tpu.memory_space<vmem>>, vector<16xf32>,
      %mul3A_299 = arith.mulf %gather3A, %gather3A : vector<16xf32>
      %mul3A_300 = arith.mulf %gather3A_250, %gather3A_250 : vector<16xf32>
      %add3A_301 = arith.addf %mul3A_299, %mul3A_300 : vector<16xf32>
      %mul3A_302 = arith.mulf %gather3A_254, %gather3A_254 : vector<16xf32>
      %add3A_303 = arith.addf %add3A_301, %mul3A_302 : vector<16xf32>
      %mul3A_304 = arith.mulf %gather3A_258, %gather3A_258 : vector<16xf32>
      %add3A_305 = arith.addf %add3A_303, %mul3A_304 : vector<16xf32>
      %div3A = arith.constant 2.000000e+00 : f32
      %div3A_306 = vector.broadcast %div3A : f32 to vector<16xf32>
      %div3A_307 = arith.divf %div3A_306, %add3A_305 : vector<16xf32>
      %mul3A_308 = arith.mulf %gather3A_254, %get3A_298 : vector<16xf32>
      %mul3A_309 = arith.mulf %gather3A_258, %get3A_292 : vector<16xf32>
      %sub3A = arith.subf %mul3A_308, %mul3A_309 : vector<16xf32>
      %mul3A_310 = arith.mulf %gather3A, %get3A_286 : vector<16xf32>
      %add3A_311 = arith.addf %sub3A, %mul3A_310 : vector<16xf32>
      %mul3A_312 = arith.mulf %gather3A_258, %get3A_286 : vector<16xf32>
      %mul3A_313 = arith.mulf %gather3A_250, %get3A_298 : vector<16xf32>
      %sub3A_314 = arith.subf %mul3A_312, %mul3A_313 : vector<16xf32>
      %mul3A_315 = arith.mulf %gather3A, %get3A_292 : vector<16xf32>
      %add3A_316 = arith.addf %sub3A_314, %mul3A_315 : vector<16xf32>
      %mul3A_317 = arith.mulf %gather3A_250, %get3A_292 : vector<16xf32>
      %mul3A_318 = arith.mulf %gather3A_254, %get3A_286 : vector<16xf32>
      %sub3A_319 = arith.subf %mul3A_317, %mul3A_318 : vector<16xf32>
      %mul3A_320 = arith.mulf %gather3A, %get3A_298 : vector<16xf32>
      %add3A_321 = arith.addf %sub3A_319, %mul3A_320 : vector<16xf32>
      %mul3A_322 = arith.mulf %gather3A_254, %add3A_321 : vector<16xf32>
      %mul3A_323 = arith.mulf %gather3A_258, %add3A_316 : vector<16xf32>
      %sub3A_324 = arith.subf %mul3A_322, %mul3A_323 : vector<16xf32>
      %mul3A_325 = arith.mulf %gather3A_258, %add3A_311 : vector<16xf32>
      %mul3A_326 = arith.mulf %gather3A_250, %add3A_321 : vector<16xf32>
      %sub3A_327 = arith.subf %mul3A_325, %mul3A_326 : vector<16xf32>
      %mul3A_328 = arith.mulf %gather3A_250, %add3A_316 : vector<16xf32>
      %mul3A_329 = arith.mulf %gather3A_254, %add3A_311 : vector<16xf32>
      %sub3A_330 = arith.subf %mul3A_328, %mul3A_329 : vector<16xf32>
      %mul3A_331 = arith.mulf %div3A_307, %sub3A_324 : vector<16xf32>
      %add3A_332 = arith.addf %get3A_286, %mul3A_331 : vector<16xf32>
      %add3A_333 = arith.addf %add3A_332, %gather3A_262 : vector<16xf32>
      %mul3A_334 = arith.mulf %div3A_307, %sub3A_327 : vector<16xf32>
      %add3A_335 = arith.addf %get3A_292, %mul3A_334 : vector<16xf32>
      %add3A_336 = arith.addf %add3A_335, %gather3A_266 : vector<16xf32>
      %mul3A_337 = arith.mulf %div3A_307, %sub3A_330 : vector<16xf32>
      %add3A_338 = arith.addf %get3A_298, %mul3A_337 : vector<16xf32>
      %add3A_339 = arith.addf %add3A_338, %gather3A_270 : vector<16xf32>
      %div3A_340 = arith.constant -1.000000e+00 : f32
      %div3A_341 = vector.broadcast %div3A_340 : f32 to vector<16xf32>
      %div3A_342 = arith.divf %div3A_341, %add3A_339 : vector<16xf32>
      %mul3A_343 = arith.mulf %add3A_333, %div3A_342 : vector<16xf32>
      %mul3A_344 = arith.mulf %add3A_336, %div3A_342 : vector<16xf32>
      %mul3A_345 = arith.mulf %mul3A_343, %mul3A_343 : vector<16xf32>
      %mul3A_346 = arith.mulf %mul3A_344, %mul3A_344 : vector<16xf32>
      %add3A_347 = arith.addf %mul3A_345, %mul3A_346 : vector<16xf32>
      %mul3A_348 = arith.mulf %gather3A_278, %add3A_347 : vector<16xf32>
      %add3A_349 = arith.constant 1.000000e+00 : f32
      %add3A_350 = vector.broadcast %add3A_349 : f32 to vector<16xf32>
      %add3A_351 = arith.addf %add3A_350, %mul3A_348 : vector<16xf32>
      %mul3A_352 = arith.mulf %add3A_347, %add3A_347 : vector<16xf32>
      %mul3A_353 = arith.mulf %gather3A_282, %mul3A_352 : vector<16xf32>
      %add3A_354 = arith.addf %add3A_351, %mul3A_353 : vector<16xf32>
      %mul3A_355 = arith.mulf %add3A_354, %gather3A_274 : vector<16xf32>
      %mul3A_356 = arith.mulf %mul3A_343, %mul3A_355 : vector<16xf32>
      %mul3A_357 = arith.constant 16 : i32
      %mul3A_358 = arith.muli %scan3A_240, %mul3A_357 : i32
      %swap3A = arith.index_cast %mul3A_358 : i32 to index
      %swap3A_359 = tpu.vector_load %arg18[%swap3A] {strides = array<i32>} : memref<3136xf32, #tpu.memory_space<vmem>>, vector<16xf32>,
      tpu.vector_store %arg18[%swap3A], %mul3A_356 {strides = array<i32>} : memref<3136xf32, #tpu.memory_space<vmem>>, vector<16xf32>,
      %mul3A_360 = arith.mulf %mul3A_344, %mul3A_355 : vector<16xf32>
      %mul3A_361 = arith.constant 16 : i32
      %mul3A_362 = arith.muli %scan3A_240, %mul3A_361 : i32
      %swap3A_363 = arith.index_cast %mul3A_362 : i32 to index
      %swap3A_364 = tpu.vector_load %arg20[%swap3A_363] {strides = array<i32>} : memref<3136xf32, #tpu.memory_space<vmem>>, vector<16xf32>,
      tpu.vector_store %arg20[%swap3A_363], %mul3A_360 {strides = array<i32>} : memref<3136xf32, #tpu.memory_space<vmem>>, vector<16xf32>,
    }
    %scan3A_115 = arith.constant 196 : i32
    %add3A_116 = arith.constant 9408 : i32
    %add3A_117 = arith.addi %min3A_3, %add3A_116 : i32
    %multiple_of3A_118 = tpu.assume_multiple %add3A_117, 16 : i32
    %dma_start3A_119 = tpu.memref_slice %arg6[%multiple_of3A_118] : memref<800000xf32, #tpu.memory_space<hbm>> -> memref<3136xf32, #tpu.memory_space<hbm>>
    %dma_start3A_120 = tpu.memref_slice %arg6[%multiple_of3A_118] : memref<800000xf32, #tpu.memory_space<hbm>> -> memref<3136xf32, #tpu.memory_space<hbm>>
    tpu.enqueue_dma source(%arg18 : memref<3136xf32, #tpu.memory_space<vmem>>) target(%dma_start3A_120 : memref<3136xf32, #tpu.memory_space<hbm>>) target_semaphore(%arg22 : memref<!tpu.dma_semaphore, #tpu.memory_space<semaphore_mem>>)
    %dma_start3A_121 = tpu.memref_slice %arg7[%multiple_of3A_118] : memref<800000xf32, #tpu.memory_space<hbm>> -> memref<3136xf32, #tpu.memory_space<hbm>>
    %dma_start3A_122 = tpu.memref_slice %arg7[%multiple_of3A_118] : memref<800000xf32, #tpu.memory_space<hbm>> -> memref<3136xf32, #tpu.memory_space<hbm>>
    tpu.enqueue_dma source(%arg20 : memref<3136xf32, #tpu.memory_space<vmem>>) target(%dma_start3A_122 : memref<3136xf32, #tpu.memory_space<hbm>>) target_semaphore(%arg22 : memref<!tpu.dma_semaphore, #tpu.memory_space<semaphore_mem>>)
    %add3A_123 = arith.constant 15680 : i32
    %add3A_124 = arith.addi %min3A_3, %add3A_123 : i32
    %multiple_of3A_125 = tpu.assume_multiple %add3A_124, 16 : i32
    "tpu.region"() ({
      %run_scoped3A = tpu.sem_alloc : memref<!tpu.dma_semaphore, #tpu.memory_space<semaphore_mem>>
      %dma_start3A_240 = tpu.memref_slice %arg3[%multiple_of3A_125] : memref<800000xi32, #tpu.memory_space<hbm>> -> memref<3136xi32, #tpu.memory_space<hbm>>
      %dma_start3A_241 = tpu.memref_slice %arg3[%multiple_of3A_125] : memref<800000xi32, #tpu.memory_space<hbm>> -> memref<3136xi32, #tpu.memory_space<hbm>>
      tpu.enqueue_dma source(%dma_start3A_241 : memref<3136xi32, #tpu.memory_space<hbm>>) target(%arg12 : memref<3136xi32, #tpu.memory_space<vmem>>) target_semaphore(%run_scoped3A : memref<!tpu.dma_semaphore, #tpu.memory_space<semaphore_mem>>)
      %dma_wait3A_242 = tpu.memref_slice %arg3[%multiple_of3A_125] : memref<800000xi32, #tpu.memory_space<hbm>> -> memref<3136xi32, #tpu.memory_space<hbm>>
      %dma_wait3A_243 = tpu.memref_slice %arg3[%multiple_of3A_125] : memref<800000xi32, #tpu.memory_space<hbm>> -> memref<3136xi32, #tpu.memory_space<hbm>>
      tpu.wait_dma2 semaphore(%run_scoped3A : memref<!tpu.dma_semaphore, #tpu.memory_space<semaphore_mem>>) src(%dma_wait3A_243 : memref<3136xi32, #tpu.memory_space<hbm>>) dst(%arg12 : memref<3136xi32, #tpu.memory_space<vmem>>)
      tpu.yield
    }) : () -> ()
    %scan3A_126 = arith.constant 0 : i32
    %scan3A_127 = arith.constant 0 : i32
    %scan3A_128 = arith.constant 196 : i32
    %scan3A_129 = arith.addi %scan3A_127, %scan3A_128 : i32
    %scan3A_130 = arith.constant 1 : i32
    scf.for %scan3A_240 = %scan3A_127 to %scan3A_129 step %scan3A_130  : i32 {
      %mul3A_241 = arith.constant 16 : i32
      %mul3A_242 = arith.muli %scan3A_240, %mul3A_241 : i32
      %get3A = arith.index_cast %mul3A_242 : i32 to index
      %get3A_243 = tpu.vector_load %arg12[%get3A] {strides = array<i32>} : memref<3136xi32, #tpu.memory_space<vmem>>, vector<16xi32>,
      %mul3A_244 = arith.constant 16 : i32
      %mul3A_245 = arith.muli %scan3A_240, %mul3A_244 : i32
      %swap3A = arith.index_cast %mul3A_245 : i32 to index
      %swap3A_246 = tpu.vector_load %arg14[%swap3A] {strides = array<i32>} : memref<9408xi32, #tpu.memory_space<vmem>>, vector<16xi32>,
      tpu.vector_store %arg14[%swap3A], %get3A_243 {strides = array<i32>} : memref<9408xi32, #tpu.memory_space<vmem>>, vector<16xi32>,
      %add3A_247 = arith.constant 200000 : i32
      %add3A_248 = vector.broadcast %add3A_247 : i32 to vector<16xi32>
      %add3A_249 = arith.addi %get3A_243, %add3A_248 : vector<16xi32>
      %mul3A_250 = arith.constant 16 : i32
      %mul3A_251 = arith.muli %scan3A_240, %mul3A_250 : i32
      %add3A_252 = arith.constant 3136 : i32
      %add3A_253 = arith.addi %add3A_252, %mul3A_251 : i32
      %swap3A_254 = arith.index_cast %add3A_253 : i32 to index
      %swap3A_255 = tpu.vector_load %arg14[%swap3A_254] {strides = array<i32>} : memref<9408xi32, #tpu.memory_space<vmem>>, vector<16xi32>,
      tpu.vector_store %arg14[%swap3A_254], %add3A_249 {strides = array<i32>} : memref<9408xi32, #tpu.memory_space<vmem>>, vector<16xi32>,
      %add3A_256 = arith.constant 400000 : i32
      %add3A_257 = vector.broadcast %add3A_256 : i32 to vector<16xi32>
      %add3A_258 = arith.addi %get3A_243, %add3A_257 : vector<16xi32>
      %mul3A_259 = arith.constant 16 : i32
      %mul3A_260 = arith.muli %scan3A_240, %mul3A_259 : i32
      %add3A_261 = arith.constant 6272 : i32
      %add3A_262 = arith.addi %add3A_261, %mul3A_260 : i32
      %swap3A_263 = arith.index_cast %add3A_262 : i32 to index
      %swap3A_264 = tpu.vector_load %arg14[%swap3A_263] {strides = array<i32>} : memref<9408xi32, #tpu.memory_space<vmem>>, vector<16xi32>,
      tpu.vector_store %arg14[%swap3A_263], %add3A_258 {strides = array<i32>} : memref<9408xi32, #tpu.memory_space<vmem>>, vector<16xi32>,
    }
    %scan3A_131 = arith.constant 196 : i32
    %dma_start3A_132 = arith.constant 0 : i32
    %dma_start3A_133 = tpu.memref_slice %arg5[%dma_start3A_132] : memref<600000xf32, #tpu.memory_space<hbm>> -> memref<600000xf32, #tpu.memory_space<hbm>>
    tpu.enqueue_indirect_dma source(%dma_start3A_133 : memref<600000xf32, #tpu.memory_space<hbm>>) target(%arg16 : memref<9408xf32, #tpu.memory_space<vmem>>) offsets(%arg14 : memref<9408xi32, #tpu.memory_space<vmem>>) semaphore(%arg21 : memref<!tpu.dma_semaphore, #tpu.memory_space<semaphore_mem>>)
    "tpu.region"() ({
      %run_scoped3A = tpu.sem_alloc : memref<!tpu.dma_semaphore, #tpu.memory_space<semaphore_mem>>
      %dma_start3A_240 = tpu.memref_slice %arg2[%multiple_of3A_125] : memref<800000xi32, #tpu.memory_space<hbm>> -> memref<3136xi32, #tpu.memory_space<hbm>>
      %dma_start3A_241 = tpu.memref_slice %arg2[%multiple_of3A_125] : memref<800000xi32, #tpu.memory_space<hbm>> -> memref<3136xi32, #tpu.memory_space<hbm>>
      tpu.enqueue_dma source(%dma_start3A_241 : memref<3136xi32, #tpu.memory_space<hbm>>) target(%arg10 : memref<3136xi32, #tpu.memory_space<vmem>>) target_semaphore(%run_scoped3A : memref<!tpu.dma_semaphore, #tpu.memory_space<semaphore_mem>>)
      %dma_wait3A_242 = tpu.memref_slice %arg2[%multiple_of3A_125] : memref<800000xi32, #tpu.memory_space<hbm>> -> memref<3136xi32, #tpu.memory_space<hbm>>
      %dma_wait3A_243 = tpu.memref_slice %arg2[%multiple_of3A_125] : memref<800000xi32, #tpu.memory_space<hbm>> -> memref<3136xi32, #tpu.memory_space<hbm>>
      tpu.wait_dma2 semaphore(%run_scoped3A : memref<!tpu.dma_semaphore, #tpu.memory_space<semaphore_mem>>) src(%dma_wait3A_243 : memref<3136xi32, #tpu.memory_space<hbm>>) dst(%arg10 : memref<3136xi32, #tpu.memory_space<vmem>>)
      tpu.yield
    }) : () -> ()
    %dma_wait3A_134 = arith.constant 0 : i32
    %dma_wait3A_135 = tpu.memref_slice %arg5[%dma_wait3A_134] : memref<600000xf32, #tpu.memory_space<hbm>> -> memref<600000xf32, #tpu.memory_space<hbm>>
    tpu.wait_indirect_dma semaphore(%arg21 : memref<!tpu.dma_semaphore, #tpu.memory_space<semaphore_mem>>) src(%dma_wait3A_135 : memref<600000xf32, #tpu.memory_space<hbm>>) dst(%arg15 : memref<9408xf32, #tpu.memory_space<vmem>>)
    %dma_wait3A_136 = tpu.memref_slice %arg6[%multiple_of3A_88] : memref<800000xf32, #tpu.memory_space<hbm>> -> memref<3136xf32, #tpu.memory_space<hbm>>
    %dma_wait3A_137 = tpu.memref_slice %arg6[%multiple_of3A_88] : memref<800000xf32, #tpu.memory_space<hbm>> -> memref<3136xf32, #tpu.memory_space<hbm>>
    tpu.wait_dma2 semaphore(%arg22 : memref<!tpu.dma_semaphore, #tpu.memory_space<semaphore_mem>>) src(%arg17 : memref<3136xf32, #tpu.memory_space<vmem>>) dst(%dma_wait3A_137 : memref<3136xf32, #tpu.memory_space<hbm>>)
    %dma_wait3A_138 = tpu.memref_slice %arg7[%multiple_of3A_88] : memref<800000xf32, #tpu.memory_space<hbm>> -> memref<3136xf32, #tpu.memory_space<hbm>>
    %dma_wait3A_139 = tpu.memref_slice %arg7[%multiple_of3A_88] : memref<800000xf32, #tpu.memory_space<hbm>> -> memref<3136xf32, #tpu.memory_space<hbm>>
    tpu.wait_dma2 semaphore(%arg22 : memref<!tpu.dma_semaphore, #tpu.memory_space<semaphore_mem>>) src(%arg19 : memref<3136xf32, #tpu.memory_space<vmem>>) dst(%dma_wait3A_139 : memref<3136xf32, #tpu.memory_space<hbm>>)
    %scan3A_140 = arith.constant 0 : i32
    %scan3A_141 = arith.constant 0 : i32
    %scan3A_142 = arith.constant 196 : i32
    %scan3A_143 = arith.addi %scan3A_141, %scan3A_142 : i32
    %scan3A_144 = arith.constant 1 : i32
    scf.for %scan3A_240 = %scan3A_141 to %scan3A_143 step %scan3A_144  : i32 {
      %mul3A_241 = arith.constant 16 : i32
      %mul3A_242 = arith.muli %scan3A_240, %mul3A_241 : i32
      %get3A = arith.index_cast %mul3A_242 : i32 to index
      %get3A_243 = tpu.vector_load %arg9[%get3A] {strides = array<i32>} : memref<3136xi32, #tpu.memory_space<vmem>>, vector<16xi32>,
      %mul3A_244 = arith.constant 10 : i32
      %mul3A_245 = vector.broadcast %mul3A_244 : i32 to vector<16xi32>
      %mul3A_246 = arith.muli %get3A_243, %mul3A_245 : vector<16xi32>
      %gather3A = tpu.vector_load_idx %arg8[%mul3A_246] : memref<10000xf32, #tpu.memory_space<vmem>>[vector<16xi32>], vector<16xf32>,
      %add3A_247 = arith.constant 1 : i32
      %add3A_248 = vector.broadcast %add3A_247 : i32 to vector<16xi32>
      %add3A_249 = arith.addi %mul3A_246, %add3A_248 : vector<16xi32>
      %gather3A_250 = tpu.vector_load_idx %arg8[%add3A_249] : memref<10000xf32, #tpu.memory_space<vmem>>[vector<16xi32>], vector<16xf32>,
      %add3A_251 = arith.constant 2 : i32
      %add3A_252 = vector.broadcast %add3A_251 : i32 to vector<16xi32>
      %add3A_253 = arith.addi %mul3A_246, %add3A_252 : vector<16xi32>
      %gather3A_254 = tpu.vector_load_idx %arg8[%add3A_253] : memref<10000xf32, #tpu.memory_space<vmem>>[vector<16xi32>], vector<16xf32>,
      %add3A_255 = arith.constant 3 : i32
      %add3A_256 = vector.broadcast %add3A_255 : i32 to vector<16xi32>
      %add3A_257 = arith.addi %mul3A_246, %add3A_256 : vector<16xi32>
      %gather3A_258 = tpu.vector_load_idx %arg8[%add3A_257] : memref<10000xf32, #tpu.memory_space<vmem>>[vector<16xi32>], vector<16xf32>,
      %add3A_259 = arith.constant 4 : i32
      %add3A_260 = vector.broadcast %add3A_259 : i32 to vector<16xi32>
      %add3A_261 = arith.addi %mul3A_246, %add3A_260 : vector<16xi32>
      %gather3A_262 = tpu.vector_load_idx %arg8[%add3A_261] : memref<10000xf32, #tpu.memory_space<vmem>>[vector<16xi32>], vector<16xf32>,
      %add3A_263 = arith.constant 5 : i32
      %add3A_264 = vector.broadcast %add3A_263 : i32 to vector<16xi32>
      %add3A_265 = arith.addi %mul3A_246, %add3A_264 : vector<16xi32>
      %gather3A_266 = tpu.vector_load_idx %arg8[%add3A_265] : memref<10000xf32, #tpu.memory_space<vmem>>[vector<16xi32>], vector<16xf32>,
      %add3A_267 = arith.constant 6 : i32
      %add3A_268 = vector.broadcast %add3A_267 : i32 to vector<16xi32>
      %add3A_269 = arith.addi %mul3A_246, %add3A_268 : vector<16xi32>
      %gather3A_270 = tpu.vector_load_idx %arg8[%add3A_269] : memref<10000xf32, #tpu.memory_space<vmem>>[vector<16xi32>], vector<16xf32>,
      %add3A_271 = arith.constant 7 : i32
      %add3A_272 = vector.broadcast %add3A_271 : i32 to vector<16xi32>
      %add3A_273 = arith.addi %mul3A_246, %add3A_272 : vector<16xi32>
      %gather3A_274 = tpu.vector_load_idx %arg8[%add3A_273] : memref<10000xf32, #tpu.memory_space<vmem>>[vector<16xi32>], vector<16xf32>,
      %add3A_275 = arith.constant 8 : i32
      %add3A_276 = vector.broadcast %add3A_275 : i32 to vector<16xi32>
      %add3A_277 = arith.addi %mul3A_246, %add3A_276 : vector<16xi32>
      %gather3A_278 = tpu.vector_load_idx %arg8[%add3A_277] : memref<10000xf32, #tpu.memory_space<vmem>>[vector<16xi32>], vector<16xf32>,
      %add3A_279 = arith.constant 9 : i32
      %add3A_280 = vector.broadcast %add3A_279 : i32 to vector<16xi32>
      %add3A_281 = arith.addi %mul3A_246, %add3A_280 : vector<16xi32>
      %gather3A_282 = tpu.vector_load_idx %arg8[%add3A_281] : memref<10000xf32, #tpu.memory_space<vmem>>[vector<16xi32>], vector<16xf32>,
      %mul3A_283 = arith.constant 16 : i32
      %mul3A_284 = arith.muli %scan3A_240, %mul3A_283 : i32
      %get3A_285 = arith.index_cast %mul3A_284 : i32 to index
      %get3A_286 = tpu.vector_load %arg15[%get3A_285] {strides = array<i32>} : memref<9408xf32, #tpu.memory_space<vmem>>, vector<16xf32>,
      %mul3A_287 = arith.constant 16 : i32
      %mul3A_288 = arith.muli %scan3A_240, %mul3A_287 : i32
      %add3A_289 = arith.constant 3136 : i32
      %add3A_290 = arith.addi %add3A_289, %mul3A_288 : i32
      %get3A_291 = arith.index_cast %add3A_290 : i32 to index
      %get3A_292 = tpu.vector_load %arg15[%get3A_291] {strides = array<i32>} : memref<9408xf32, #tpu.memory_space<vmem>>, vector<16xf32>,
      %mul3A_293 = arith.constant 16 : i32
      %mul3A_294 = arith.muli %scan3A_240, %mul3A_293 : i32
      %add3A_295 = arith.constant 6272 : i32
      %add3A_296 = arith.addi %add3A_295, %mul3A_294 : i32
      %get3A_297 = arith.index_cast %add3A_296 : i32 to index
      %get3A_298 = tpu.vector_load %arg15[%get3A_297] {strides = array<i32>} : memref<9408xf32, #tpu.memory_space<vmem>>, vector<16xf32>,
      %mul3A_299 = arith.mulf %gather3A, %gather3A : vector<16xf32>
      %mul3A_300 = arith.mulf %gather3A_250, %gather3A_250 : vector<16xf32>
      %add3A_301 = arith.addf %mul3A_299, %mul3A_300 : vector<16xf32>
      %mul3A_302 = arith.mulf %gather3A_254, %gather3A_254 : vector<16xf32>
      %add3A_303 = arith.addf %add3A_301, %mul3A_302 : vector<16xf32>
      %mul3A_304 = arith.mulf %gather3A_258, %gather3A_258 : vector<16xf32>
      %add3A_305 = arith.addf %add3A_303, %mul3A_304 : vector<16xf32>
      %div3A = arith.constant 2.000000e+00 : f32
      %div3A_306 = vector.broadcast %div3A : f32 to vector<16xf32>
      %div3A_307 = arith.divf %div3A_306, %add3A_305 : vector<16xf32>
      %mul3A_308 = arith.mulf %gather3A_254, %get3A_298 : vector<16xf32>
      %mul3A_309 = arith.mulf %gather3A_258, %get3A_292 : vector<16xf32>
      %sub3A = arith.subf %mul3A_308, %mul3A_309 : vector<16xf32>
      %mul3A_310 = arith.mulf %gather3A, %get3A_286 : vector<16xf32>
      %add3A_311 = arith.addf %sub3A, %mul3A_310 : vector<16xf32>
      %mul3A_312 = arith.mulf %gather3A_258, %get3A_286 : vector<16xf32>
      %mul3A_313 = arith.mulf %gather3A_250, %get3A_298 : vector<16xf32>
      %sub3A_314 = arith.subf %mul3A_312, %mul3A_313 : vector<16xf32>
      %mul3A_315 = arith.mulf %gather3A, %get3A_292 : vector<16xf32>
      %add3A_316 = arith.addf %sub3A_314, %mul3A_315 : vector<16xf32>
      %mul3A_317 = arith.mulf %gather3A_250, %get3A_292 : vector<16xf32>
      %mul3A_318 = arith.mulf %gather3A_254, %get3A_286 : vector<16xf32>
      %sub3A_319 = arith.subf %mul3A_317, %mul3A_318 : vector<16xf32>
      %mul3A_320 = arith.mulf %gather3A, %get3A_298 : vector<16xf32>
      %add3A_321 = arith.addf %sub3A_319, %mul3A_320 : vector<16xf32>
      %mul3A_322 = arith.mulf %gather3A_254, %add3A_321 : vector<16xf32>
      %mul3A_323 = arith.mulf %gather3A_258, %add3A_316 : vector<16xf32>
      %sub3A_324 = arith.subf %mul3A_322, %mul3A_323 : vector<16xf32>
      %mul3A_325 = arith.mulf %gather3A_258, %add3A_311 : vector<16xf32>
      %mul3A_326 = arith.mulf %gather3A_250, %add3A_321 : vector<16xf32>
      %sub3A_327 = arith.subf %mul3A_325, %mul3A_326 : vector<16xf32>
      %mul3A_328 = arith.mulf %gather3A_250, %add3A_316 : vector<16xf32>
      %mul3A_329 = arith.mulf %gather3A_254, %add3A_311 : vector<16xf32>
      %sub3A_330 = arith.subf %mul3A_328, %mul3A_329 : vector<16xf32>
      %mul3A_331 = arith.mulf %div3A_307, %sub3A_324 : vector<16xf32>
      %add3A_332 = arith.addf %get3A_286, %mul3A_331 : vector<16xf32>
      %add3A_333 = arith.addf %add3A_332, %gather3A_262 : vector<16xf32>
      %mul3A_334 = arith.mulf %div3A_307, %sub3A_327 : vector<16xf32>
      %add3A_335 = arith.addf %get3A_292, %mul3A_334 : vector<16xf32>
      %add3A_336 = arith.addf %add3A_335, %gather3A_266 : vector<16xf32>
      %mul3A_337 = arith.mulf %div3A_307, %sub3A_330 : vector<16xf32>
      %add3A_338 = arith.addf %get3A_298, %mul3A_337 : vector<16xf32>
      %add3A_339 = arith.addf %add3A_338, %gather3A_270 : vector<16xf32>
      %div3A_340 = arith.constant -1.000000e+00 : f32
      %div3A_341 = vector.broadcast %div3A_340 : f32 to vector<16xf32>
      %div3A_342 = arith.divf %div3A_341, %add3A_339 : vector<16xf32>
      %mul3A_343 = arith.mulf %add3A_333, %div3A_342 : vector<16xf32>
      %mul3A_344 = arith.mulf %add3A_336, %div3A_342 : vector<16xf32>
      %mul3A_345 = arith.mulf %mul3A_343, %mul3A_343 : vector<16xf32>
      %mul3A_346 = arith.mulf %mul3A_344, %mul3A_344 : vector<16xf32>
      %add3A_347 = arith.addf %mul3A_345, %mul3A_346 : vector<16xf32>
      %mul3A_348 = arith.mulf %gather3A_278, %add3A_347 : vector<16xf32>
      %add3A_349 = arith.constant 1.000000e+00 : f32
      %add3A_350 = vector.broadcast %add3A_349 : f32 to vector<16xf32>
      %add3A_351 = arith.addf %add3A_350, %mul3A_348 : vector<16xf32>
      %mul3A_352 = arith.mulf %add3A_347, %add3A_347 : vector<16xf32>
      %mul3A_353 = arith.mulf %gather3A_282, %mul3A_352 : vector<16xf32>
      %add3A_354 = arith.addf %add3A_351, %mul3A_353 : vector<16xf32>
      %mul3A_355 = arith.mulf %add3A_354, %gather3A_274 : vector<16xf32>
      %mul3A_356 = arith.mulf %mul3A_343, %mul3A_355 : vector<16xf32>
      %mul3A_357 = arith.constant 16 : i32
      %mul3A_358 = arith.muli %scan3A_240, %mul3A_357 : i32
      %swap3A = arith.index_cast %mul3A_358 : i32 to index
      %swap3A_359 = tpu.vector_load %arg17[%swap3A] {strides = array<i32>} : memref<3136xf32, #tpu.memory_space<vmem>>, vector<16xf32>,
      tpu.vector_store %arg17[%swap3A], %mul3A_356 {strides = array<i32>} : memref<3136xf32, #tpu.memory_space<vmem>>, vector<16xf32>,
      %mul3A_360 = arith.mulf %mul3A_344, %mul3A_355 : vector<16xf32>
      %mul3A_361 = arith.constant 16 : i32
      %mul3A_362 = arith.muli %scan3A_240, %mul3A_361 : i32
      %swap3A_363 = arith.index_cast %mul3A_362 : i32 to index
      %swap3A_364 = tpu.vector_load %arg19[%swap3A_363] {strides = array<i32>} : memref<3136xf32, #tpu.memory_space<vmem>>, vector<16xf32>,
      tpu.vector_store %arg19[%swap3A_363], %mul3A_360 {strides = array<i32>} : memref<3136xf32, #tpu.memory_space<vmem>>, vector<16xf32>,
    }
    %scan3A_145 = arith.constant 196 : i32
    %add3A_146 = arith.constant 12544 : i32
    %add3A_147 = arith.addi %min3A_3, %add3A_146 : i32
    %multiple_of3A_148 = tpu.assume_multiple %add3A_147, 16 : i32
    %dma_start3A_149 = tpu.memref_slice %arg6[%multiple_of3A_148] : memref<800000xf32, #tpu.memory_space<hbm>> -> memref<3136xf32, #tpu.memory_space<hbm>>
    %dma_start3A_150 = tpu.memref_slice %arg6[%multiple_of3A_148] : memref<800000xf32, #tpu.memory_space<hbm>> -> memref<3136xf32, #tpu.memory_space<hbm>>
    tpu.enqueue_dma source(%arg17 : memref<3136xf32, #tpu.memory_space<vmem>>) target(%dma_start3A_150 : memref<3136xf32, #tpu.memory_space<hbm>>) target_semaphore(%arg22 : memref<!tpu.dma_semaphore, #tpu.memory_space<semaphore_mem>>)
    %dma_start3A_151 = tpu.memref_slice %arg7[%multiple_of3A_148] : memref<800000xf32, #tpu.memory_space<hbm>> -> memref<3136xf32, #tpu.memory_space<hbm>>
    %dma_start3A_152 = tpu.memref_slice %arg7[%multiple_of3A_148] : memref<800000xf32, #tpu.memory_space<hbm>> -> memref<3136xf32, #tpu.memory_space<hbm>>
    tpu.enqueue_dma source(%arg19 : memref<3136xf32, #tpu.memory_space<vmem>>) target(%dma_start3A_152 : memref<3136xf32, #tpu.memory_space<hbm>>) target_semaphore(%arg22 : memref<!tpu.dma_semaphore, #tpu.memory_space<semaphore_mem>>)
    %add3A_153 = arith.constant 18816 : i32
    %add3A_154 = arith.addi %min3A_3, %add3A_153 : i32
    %multiple_of3A_155 = tpu.assume_multiple %add3A_154, 16 : i32
    "tpu.region"() ({
      %run_scoped3A = tpu.sem_alloc : memref<!tpu.dma_semaphore, #tpu.memory_space<semaphore_mem>>
      %dma_start3A_240 = tpu.memref_slice %arg3[%multiple_of3A_155] : memref<800000xi32, #tpu.memory_space<hbm>> -> memref<3136xi32, #tpu.memory_space<hbm>>
      %dma_start3A_241 = tpu.memref_slice %arg3[%multiple_of3A_155] : memref<800000xi32, #tpu.memory_space<hbm>> -> memref<3136xi32, #tpu.memory_space<hbm>>
      tpu.enqueue_dma source(%dma_start3A_241 : memref<3136xi32, #tpu.memory_space<hbm>>) target(%arg11 : memref<3136xi32, #tpu.memory_space<vmem>>) target_semaphore(%run_scoped3A : memref<!tpu.dma_semaphore, #tpu.memory_space<semaphore_mem>>)
      %dma_wait3A_242 = tpu.memref_slice %arg3[%multiple_of3A_155] : memref<800000xi32, #tpu.memory_space<hbm>> -> memref<3136xi32, #tpu.memory_space<hbm>>
      %dma_wait3A_243 = tpu.memref_slice %arg3[%multiple_of3A_155] : memref<800000xi32, #tpu.memory_space<hbm>> -> memref<3136xi32, #tpu.memory_space<hbm>>
      tpu.wait_dma2 semaphore(%run_scoped3A : memref<!tpu.dma_semaphore, #tpu.memory_space<semaphore_mem>>) src(%dma_wait3A_243 : memref<3136xi32, #tpu.memory_space<hbm>>) dst(%arg11 : memref<3136xi32, #tpu.memory_space<vmem>>)
      tpu.yield
    }) : () -> ()
    %scan3A_156 = arith.constant 0 : i32
    %scan3A_157 = arith.constant 0 : i32
    %scan3A_158 = arith.constant 196 : i32
    %scan3A_159 = arith.addi %scan3A_157, %scan3A_158 : i32
    %scan3A_160 = arith.constant 1 : i32
    scf.for %scan3A_240 = %scan3A_157 to %scan3A_159 step %scan3A_160  : i32 {
      %mul3A_241 = arith.constant 16 : i32
      %mul3A_242 = arith.muli %scan3A_240, %mul3A_241 : i32
      %get3A = arith.index_cast %mul3A_242 : i32 to index
      %get3A_243 = tpu.vector_load %arg11[%get3A] {strides = array<i32>} : memref<3136xi32, #tpu.memory_space<vmem>>, vector<16xi32>,
      %mul3A_244 = arith.constant 16 : i32
      %mul3A_245 = arith.muli %scan3A_240, %mul3A_244 : i32
      %swap3A = arith.index_cast %mul3A_245 : i32 to index
      %swap3A_246 = tpu.vector_load %arg13[%swap3A] {strides = array<i32>} : memref<9408xi32, #tpu.memory_space<vmem>>, vector<16xi32>,
      tpu.vector_store %arg13[%swap3A], %get3A_243 {strides = array<i32>} : memref<9408xi32, #tpu.memory_space<vmem>>, vector<16xi32>,
      %add3A_247 = arith.constant 200000 : i32
      %add3A_248 = vector.broadcast %add3A_247 : i32 to vector<16xi32>
      %add3A_249 = arith.addi %get3A_243, %add3A_248 : vector<16xi32>
      %mul3A_250 = arith.constant 16 : i32
      %mul3A_251 = arith.muli %scan3A_240, %mul3A_250 : i32
      %add3A_252 = arith.constant 3136 : i32
      %add3A_253 = arith.addi %add3A_252, %mul3A_251 : i32
      %swap3A_254 = arith.index_cast %add3A_253 : i32 to index
      %swap3A_255 = tpu.vector_load %arg13[%swap3A_254] {strides = array<i32>} : memref<9408xi32, #tpu.memory_space<vmem>>, vector<16xi32>,
      tpu.vector_store %arg13[%swap3A_254], %add3A_249 {strides = array<i32>} : memref<9408xi32, #tpu.memory_space<vmem>>, vector<16xi32>,
      %add3A_256 = arith.constant 400000 : i32
      %add3A_257 = vector.broadcast %add3A_256 : i32 to vector<16xi32>
      %add3A_258 = arith.addi %get3A_243, %add3A_257 : vector<16xi32>
      %mul3A_259 = arith.constant 16 : i32
      %mul3A_260 = arith.muli %scan3A_240, %mul3A_259 : i32
      %add3A_261 = arith.constant 6272 : i32
      %add3A_262 = arith.addi %add3A_261, %mul3A_260 : i32
      %swap3A_263 = arith.index_cast %add3A_262 : i32 to index
      %swap3A_264 = tpu.vector_load %arg13[%swap3A_263] {strides = array<i32>} : memref<9408xi32, #tpu.memory_space<vmem>>, vector<16xi32>,
      tpu.vector_store %arg13[%swap3A_263], %add3A_258 {strides = array<i32>} : memref<9408xi32, #tpu.memory_space<vmem>>, vector<16xi32>,
    }
    %scan3A_161 = arith.constant 196 : i32
    %dma_start3A_162 = arith.constant 0 : i32
    %dma_start3A_163 = tpu.memref_slice %arg5[%dma_start3A_162] : memref<600000xf32, #tpu.memory_space<hbm>> -> memref<600000xf32, #tpu.memory_space<hbm>>
    tpu.enqueue_indirect_dma source(%dma_start3A_163 : memref<600000xf32, #tpu.memory_space<hbm>>) target(%arg15 : memref<9408xf32, #tpu.memory_space<vmem>>) offsets(%arg13 : memref<9408xi32, #tpu.memory_space<vmem>>) semaphore(%arg21 : memref<!tpu.dma_semaphore, #tpu.memory_space<semaphore_mem>>)
    "tpu.region"() ({
      %run_scoped3A = tpu.sem_alloc : memref<!tpu.dma_semaphore, #tpu.memory_space<semaphore_mem>>
      %dma_start3A_240 = tpu.memref_slice %arg2[%multiple_of3A_155] : memref<800000xi32, #tpu.memory_space<hbm>> -> memref<3136xi32, #tpu.memory_space<hbm>>
      %dma_start3A_241 = tpu.memref_slice %arg2[%multiple_of3A_155] : memref<800000xi32, #tpu.memory_space<hbm>> -> memref<3136xi32, #tpu.memory_space<hbm>>
      tpu.enqueue_dma source(%dma_start3A_241 : memref<3136xi32, #tpu.memory_space<hbm>>) target(%arg9 : memref<3136xi32, #tpu.memory_space<vmem>>) target_semaphore(%run_scoped3A : memref<!tpu.dma_semaphore, #tpu.memory_space<semaphore_mem>>)
      %dma_wait3A_242 = tpu.memref_slice %arg2[%multiple_of3A_155] : memref<800000xi32, #tpu.memory_space<hbm>> -> memref<3136xi32, #tpu.memory_space<hbm>>
      %dma_wait3A_243 = tpu.memref_slice %arg2[%multiple_of3A_155] : memref<800000xi32, #tpu.memory_space<hbm>> -> memref<3136xi32, #tpu.memory_space<hbm>>
      tpu.wait_dma2 semaphore(%run_scoped3A : memref<!tpu.dma_semaphore, #tpu.memory_space<semaphore_mem>>) src(%dma_wait3A_243 : memref<3136xi32, #tpu.memory_space<hbm>>) dst(%arg9 : memref<3136xi32, #tpu.memory_space<vmem>>)
      tpu.yield
    }) : () -> ()
    %dma_wait3A_164 = arith.constant 0 : i32
    %dma_wait3A_165 = tpu.memref_slice %arg5[%dma_wait3A_164] : memref<600000xf32, #tpu.memory_space<hbm>> -> memref<600000xf32, #tpu.memory_space<hbm>>
    tpu.wait_indirect_dma semaphore(%arg21 : memref<!tpu.dma_semaphore, #tpu.memory_space<semaphore_mem>>) src(%dma_wait3A_165 : memref<600000xf32, #tpu.memory_space<hbm>>) dst(%arg16 : memref<9408xf32, #tpu.memory_space<vmem>>)
    %dma_wait3A_166 = tpu.memref_slice %arg6[%multiple_of3A_118] : memref<800000xf32, #tpu.memory_space<hbm>> -> memref<3136xf32, #tpu.memory_space<hbm>>
    %dma_wait3A_167 = tpu.memref_slice %arg6[%multiple_of3A_118] : memref<800000xf32, #tpu.memory_space<hbm>> -> memref<3136xf32, #tpu.memory_space<hbm>>
    tpu.wait_dma2 semaphore(%arg22 : memref<!tpu.dma_semaphore, #tpu.memory_space<semaphore_mem>>) src(%arg18 : memref<3136xf32, #tpu.memory_space<vmem>>) dst(%dma_wait3A_167 : memref<3136xf32, #tpu.memory_space<hbm>>)
    %dma_wait3A_168 = tpu.memref_slice %arg7[%multiple_of3A_118] : memref<800000xf32, #tpu.memory_space<hbm>> -> memref<3136xf32, #tpu.memory_space<hbm>>
    %dma_wait3A_169 = tpu.memref_slice %arg7[%multiple_of3A_118] : memref<800000xf32, #tpu.memory_space<hbm>> -> memref<3136xf32, #tpu.memory_space<hbm>>
    tpu.wait_dma2 semaphore(%arg22 : memref<!tpu.dma_semaphore, #tpu.memory_space<semaphore_mem>>) src(%arg20 : memref<3136xf32, #tpu.memory_space<vmem>>) dst(%dma_wait3A_169 : memref<3136xf32, #tpu.memory_space<hbm>>)
    %scan3A_170 = arith.constant 0 : i32
    %scan3A_171 = arith.constant 0 : i32
    %scan3A_172 = arith.constant 196 : i32
    %scan3A_173 = arith.addi %scan3A_171, %scan3A_172 : i32
    %scan3A_174 = arith.constant 1 : i32
    scf.for %scan3A_240 = %scan3A_171 to %scan3A_173 step %scan3A_174  : i32 {
      %mul3A_241 = arith.constant 16 : i32
      %mul3A_242 = arith.muli %scan3A_240, %mul3A_241 : i32
      %get3A = arith.index_cast %mul3A_242 : i32 to index
      %get3A_243 = tpu.vector_load %arg10[%get3A] {strides = array<i32>} : memref<3136xi32, #tpu.memory_space<vmem>>, vector<16xi32>,
      %mul3A_244 = arith.constant 10 : i32
      %mul3A_245 = vector.broadcast %mul3A_244 : i32 to vector<16xi32>
      %mul3A_246 = arith.muli %get3A_243, %mul3A_245 : vector<16xi32>
      %gather3A = tpu.vector_load_idx %arg8[%mul3A_246] : memref<10000xf32, #tpu.memory_space<vmem>>[vector<16xi32>], vector<16xf32>,
      %add3A_247 = arith.constant 1 : i32
      %add3A_248 = vector.broadcast %add3A_247 : i32 to vector<16xi32>
      %add3A_249 = arith.addi %mul3A_246, %add3A_248 : vector<16xi32>
      %gather3A_250 = tpu.vector_load_idx %arg8[%add3A_249] : memref<10000xf32, #tpu.memory_space<vmem>>[vector<16xi32>], vector<16xf32>,
      %add3A_251 = arith.constant 2 : i32
      %add3A_252 = vector.broadcast %add3A_251 : i32 to vector<16xi32>
      %add3A_253 = arith.addi %mul3A_246, %add3A_252 : vector<16xi32>
      %gather3A_254 = tpu.vector_load_idx %arg8[%add3A_253] : memref<10000xf32, #tpu.memory_space<vmem>>[vector<16xi32>], vector<16xf32>,
      %add3A_255 = arith.constant 3 : i32
      %add3A_256 = vector.broadcast %add3A_255 : i32 to vector<16xi32>
      %add3A_257 = arith.addi %mul3A_246, %add3A_256 : vector<16xi32>
      %gather3A_258 = tpu.vector_load_idx %arg8[%add3A_257] : memref<10000xf32, #tpu.memory_space<vmem>>[vector<16xi32>], vector<16xf32>,
      %add3A_259 = arith.constant 4 : i32
      %add3A_260 = vector.broadcast %add3A_259 : i32 to vector<16xi32>
      %add3A_261 = arith.addi %mul3A_246, %add3A_260 : vector<16xi32>
      %gather3A_262 = tpu.vector_load_idx %arg8[%add3A_261] : memref<10000xf32, #tpu.memory_space<vmem>>[vector<16xi32>], vector<16xf32>,
      %add3A_263 = arith.constant 5 : i32
      %add3A_264 = vector.broadcast %add3A_263 : i32 to vector<16xi32>
      %add3A_265 = arith.addi %mul3A_246, %add3A_264 : vector<16xi32>
      %gather3A_266 = tpu.vector_load_idx %arg8[%add3A_265] : memref<10000xf32, #tpu.memory_space<vmem>>[vector<16xi32>], vector<16xf32>,
      %add3A_267 = arith.constant 6 : i32
      %add3A_268 = vector.broadcast %add3A_267 : i32 to vector<16xi32>
      %add3A_269 = arith.addi %mul3A_246, %add3A_268 : vector<16xi32>
      %gather3A_270 = tpu.vector_load_idx %arg8[%add3A_269] : memref<10000xf32, #tpu.memory_space<vmem>>[vector<16xi32>], vector<16xf32>,
      %add3A_271 = arith.constant 7 : i32
      %add3A_272 = vector.broadcast %add3A_271 : i32 to vector<16xi32>
      %add3A_273 = arith.addi %mul3A_246, %add3A_272 : vector<16xi32>
      %gather3A_274 = tpu.vector_load_idx %arg8[%add3A_273] : memref<10000xf32, #tpu.memory_space<vmem>>[vector<16xi32>], vector<16xf32>,
      %add3A_275 = arith.constant 8 : i32
      %add3A_276 = vector.broadcast %add3A_275 : i32 to vector<16xi32>
      %add3A_277 = arith.addi %mul3A_246, %add3A_276 : vector<16xi32>
      %gather3A_278 = tpu.vector_load_idx %arg8[%add3A_277] : memref<10000xf32, #tpu.memory_space<vmem>>[vector<16xi32>], vector<16xf32>,
      %add3A_279 = arith.constant 9 : i32
      %add3A_280 = vector.broadcast %add3A_279 : i32 to vector<16xi32>
      %add3A_281 = arith.addi %mul3A_246, %add3A_280 : vector<16xi32>
      %gather3A_282 = tpu.vector_load_idx %arg8[%add3A_281] : memref<10000xf32, #tpu.memory_space<vmem>>[vector<16xi32>], vector<16xf32>,
      %mul3A_283 = arith.constant 16 : i32
      %mul3A_284 = arith.muli %scan3A_240, %mul3A_283 : i32
      %get3A_285 = arith.index_cast %mul3A_284 : i32 to index
      %get3A_286 = tpu.vector_load %arg16[%get3A_285] {strides = array<i32>} : memref<9408xf32, #tpu.memory_space<vmem>>, vector<16xf32>,
      %mul3A_287 = arith.constant 16 : i32
      %mul3A_288 = arith.muli %scan3A_240, %mul3A_287 : i32
      %add3A_289 = arith.constant 3136 : i32
      %add3A_290 = arith.addi %add3A_289, %mul3A_288 : i32
      %get3A_291 = arith.index_cast %add3A_290 : i32 to index
      %get3A_292 = tpu.vector_load %arg16[%get3A_291] {strides = array<i32>} : memref<9408xf32, #tpu.memory_space<vmem>>, vector<16xf32>,
      %mul3A_293 = arith.constant 16 : i32
      %mul3A_294 = arith.muli %scan3A_240, %mul3A_293 : i32
      %add3A_295 = arith.constant 6272 : i32
      %add3A_296 = arith.addi %add3A_295, %mul3A_294 : i32
      %get3A_297 = arith.index_cast %add3A_296 : i32 to index
      %get3A_298 = tpu.vector_load %arg16[%get3A_297] {strides = array<i32>} : memref<9408xf32, #tpu.memory_space<vmem>>, vector<16xf32>,
      %mul3A_299 = arith.mulf %gather3A, %gather3A : vector<16xf32>
      %mul3A_300 = arith.mulf %gather3A_250, %gather3A_250 : vector<16xf32>
      %add3A_301 = arith.addf %mul3A_299, %mul3A_300 : vector<16xf32>
      %mul3A_302 = arith.mulf %gather3A_254, %gather3A_254 : vector<16xf32>
      %add3A_303 = arith.addf %add3A_301, %mul3A_302 : vector<16xf32>
      %mul3A_304 = arith.mulf %gather3A_258, %gather3A_258 : vector<16xf32>
      %add3A_305 = arith.addf %add3A_303, %mul3A_304 : vector<16xf32>
      %div3A = arith.constant 2.000000e+00 : f32
      %div3A_306 = vector.broadcast %div3A : f32 to vector<16xf32>
      %div3A_307 = arith.divf %div3A_306, %add3A_305 : vector<16xf32>
      %mul3A_308 = arith.mulf %gather3A_254, %get3A_298 : vector<16xf32>
      %mul3A_309 = arith.mulf %gather3A_258, %get3A_292 : vector<16xf32>
      %sub3A = arith.subf %mul3A_308, %mul3A_309 : vector<16xf32>
      %mul3A_310 = arith.mulf %gather3A, %get3A_286 : vector<16xf32>
      %add3A_311 = arith.addf %sub3A, %mul3A_310 : vector<16xf32>
      %mul3A_312 = arith.mulf %gather3A_258, %get3A_286 : vector<16xf32>
      %mul3A_313 = arith.mulf %gather3A_250, %get3A_298 : vector<16xf32>
      %sub3A_314 = arith.subf %mul3A_312, %mul3A_313 : vector<16xf32>
      %mul3A_315 = arith.mulf %gather3A, %get3A_292 : vector<16xf32>
      %add3A_316 = arith.addf %sub3A_314, %mul3A_315 : vector<16xf32>
      %mul3A_317 = arith.mulf %gather3A_250, %get3A_292 : vector<16xf32>
      %mul3A_318 = arith.mulf %gather3A_254, %get3A_286 : vector<16xf32>
      %sub3A_319 = arith.subf %mul3A_317, %mul3A_318 : vector<16xf32>
      %mul3A_320 = arith.mulf %gather3A, %get3A_298 : vector<16xf32>
      %add3A_321 = arith.addf %sub3A_319, %mul3A_320 : vector<16xf32>
      %mul3A_322 = arith.mulf %gather3A_254, %add3A_321 : vector<16xf32>
      %mul3A_323 = arith.mulf %gather3A_258, %add3A_316 : vector<16xf32>
      %sub3A_324 = arith.subf %mul3A_322, %mul3A_323 : vector<16xf32>
      %mul3A_325 = arith.mulf %gather3A_258, %add3A_311 : vector<16xf32>
      %mul3A_326 = arith.mulf %gather3A_250, %add3A_321 : vector<16xf32>
      %sub3A_327 = arith.subf %mul3A_325, %mul3A_326 : vector<16xf32>
      %mul3A_328 = arith.mulf %gather3A_250, %add3A_316 : vector<16xf32>
      %mul3A_329 = arith.mulf %gather3A_254, %add3A_311 : vector<16xf32>
      %sub3A_330 = arith.subf %mul3A_328, %mul3A_329 : vector<16xf32>
      %mul3A_331 = arith.mulf %div3A_307, %sub3A_324 : vector<16xf32>
      %add3A_332 = arith.addf %get3A_286, %mul3A_331 : vector<16xf32>
      %add3A_333 = arith.addf %add3A_332, %gather3A_262 : vector<16xf32>
      %mul3A_334 = arith.mulf %div3A_307, %sub3A_327 : vector<16xf32>
      %add3A_335 = arith.addf %get3A_292, %mul3A_334 : vector<16xf32>
      %add3A_336 = arith.addf %add3A_335, %gather3A_266 : vector<16xf32>
      %mul3A_337 = arith.mulf %div3A_307, %sub3A_330 : vector<16xf32>
      %add3A_338 = arith.addf %get3A_298, %mul3A_337 : vector<16xf32>
      %add3A_339 = arith.addf %add3A_338, %gather3A_270 : vector<16xf32>
      %div3A_340 = arith.constant -1.000000e+00 : f32
      %div3A_341 = vector.broadcast %div3A_340 : f32 to vector<16xf32>
      %div3A_342 = arith.divf %div3A_341, %add3A_339 : vector<16xf32>
      %mul3A_343 = arith.mulf %add3A_333, %div3A_342 : vector<16xf32>
      %mul3A_344 = arith.mulf %add3A_336, %div3A_342 : vector<16xf32>
      %mul3A_345 = arith.mulf %mul3A_343, %mul3A_343 : vector<16xf32>
      %mul3A_346 = arith.mulf %mul3A_344, %mul3A_344 : vector<16xf32>
      %add3A_347 = arith.addf %mul3A_345, %mul3A_346 : vector<16xf32>
      %mul3A_348 = arith.mulf %gather3A_278, %add3A_347 : vector<16xf32>
      %add3A_349 = arith.constant 1.000000e+00 : f32
      %add3A_350 = vector.broadcast %add3A_349 : f32 to vector<16xf32>
      %add3A_351 = arith.addf %add3A_350, %mul3A_348 : vector<16xf32>
      %mul3A_352 = arith.mulf %add3A_347, %add3A_347 : vector<16xf32>
      %mul3A_353 = arith.mulf %gather3A_282, %mul3A_352 : vector<16xf32>
      %add3A_354 = arith.addf %add3A_351, %mul3A_353 : vector<16xf32>
      %mul3A_355 = arith.mulf %add3A_354, %gather3A_274 : vector<16xf32>
      %mul3A_356 = arith.mulf %mul3A_343, %mul3A_355 : vector<16xf32>
      %mul3A_357 = arith.constant 16 : i32
      %mul3A_358 = arith.muli %scan3A_240, %mul3A_357 : i32
      %swap3A = arith.index_cast %mul3A_358 : i32 to index
      %swap3A_359 = tpu.vector_load %arg18[%swap3A] {strides = array<i32>} : memref<3136xf32, #tpu.memory_space<vmem>>, vector<16xf32>,
      tpu.vector_store %arg18[%swap3A], %mul3A_356 {strides = array<i32>} : memref<3136xf32, #tpu.memory_space<vmem>>, vector<16xf32>,
      %mul3A_360 = arith.mulf %mul3A_344, %mul3A_355 : vector<16xf32>
      %mul3A_361 = arith.constant 16 : i32
      %mul3A_362 = arith.muli %scan3A_240, %mul3A_361 : i32
      %swap3A_363 = arith.index_cast %mul3A_362 : i32 to index
      %swap3A_364 = tpu.vector_load %arg20[%swap3A_363] {strides = array<i32>} : memref<3136xf32, #tpu.memory_space<vmem>>, vector<16xf32>,
      tpu.vector_store %arg20[%swap3A_363], %mul3A_360 {strides = array<i32>} : memref<3136xf32, #tpu.memory_space<vmem>>, vector<16xf32>,
    }
    %scan3A_175 = arith.constant 196 : i32
    %add3A_176 = arith.constant 15680 : i32
    %add3A_177 = arith.addi %min3A_3, %add3A_176 : i32
    %multiple_of3A_178 = tpu.assume_multiple %add3A_177, 16 : i32
    %dma_start3A_179 = tpu.memref_slice %arg6[%multiple_of3A_178] : memref<800000xf32, #tpu.memory_space<hbm>> -> memref<3136xf32, #tpu.memory_space<hbm>>
    %dma_start3A_180 = tpu.memref_slice %arg6[%multiple_of3A_178] : memref<800000xf32, #tpu.memory_space<hbm>> -> memref<3136xf32, #tpu.memory_space<hbm>>
    tpu.enqueue_dma source(%arg18 : memref<3136xf32, #tpu.memory_space<vmem>>) target(%dma_start3A_180 : memref<3136xf32, #tpu.memory_space<hbm>>) target_semaphore(%arg22 : memref<!tpu.dma_semaphore, #tpu.memory_space<semaphore_mem>>)
    %dma_start3A_181 = tpu.memref_slice %arg7[%multiple_of3A_178] : memref<800000xf32, #tpu.memory_space<hbm>> -> memref<3136xf32, #tpu.memory_space<hbm>>
    %dma_start3A_182 = tpu.memref_slice %arg7[%multiple_of3A_178] : memref<800000xf32, #tpu.memory_space<hbm>> -> memref<3136xf32, #tpu.memory_space<hbm>>
    tpu.enqueue_dma source(%arg20 : memref<3136xf32, #tpu.memory_space<vmem>>) target(%dma_start3A_182 : memref<3136xf32, #tpu.memory_space<hbm>>) target_semaphore(%arg22 : memref<!tpu.dma_semaphore, #tpu.memory_space<semaphore_mem>>)
    %add3A_183 = arith.constant 21952 : i32
    %add3A_184 = arith.addi %min3A_3, %add3A_183 : i32
    %multiple_of3A_185 = tpu.assume_multiple %add3A_184, 16 : i32
    "tpu.region"() ({
      %run_scoped3A = tpu.sem_alloc : memref<!tpu.dma_semaphore, #tpu.memory_space<semaphore_mem>>
      %dma_start3A_240 = tpu.memref_slice %arg3[%multiple_of3A_185] : memref<800000xi32, #tpu.memory_space<hbm>> -> memref<3136xi32, #tpu.memory_space<hbm>>
      %dma_start3A_241 = tpu.memref_slice %arg3[%multiple_of3A_185] : memref<800000xi32, #tpu.memory_space<hbm>> -> memref<3136xi32, #tpu.memory_space<hbm>>
      tpu.enqueue_dma source(%dma_start3A_241 : memref<3136xi32, #tpu.memory_space<hbm>>) target(%arg12 : memref<3136xi32, #tpu.memory_space<vmem>>) target_semaphore(%run_scoped3A : memref<!tpu.dma_semaphore, #tpu.memory_space<semaphore_mem>>)
      %dma_wait3A_242 = tpu.memref_slice %arg3[%multiple_of3A_185] : memref<800000xi32, #tpu.memory_space<hbm>> -> memref<3136xi32, #tpu.memory_space<hbm>>
      %dma_wait3A_243 = tpu.memref_slice %arg3[%multiple_of3A_185] : memref<800000xi32, #tpu.memory_space<hbm>> -> memref<3136xi32, #tpu.memory_space<hbm>>
      tpu.wait_dma2 semaphore(%run_scoped3A : memref<!tpu.dma_semaphore, #tpu.memory_space<semaphore_mem>>) src(%dma_wait3A_243 : memref<3136xi32, #tpu.memory_space<hbm>>) dst(%arg12 : memref<3136xi32, #tpu.memory_space<vmem>>)
      tpu.yield
    }) : () -> ()
    %scan3A_186 = arith.constant 0 : i32
    %scan3A_187 = arith.constant 0 : i32
    %scan3A_188 = arith.constant 196 : i32
    %scan3A_189 = arith.addi %scan3A_187, %scan3A_188 : i32
    %scan3A_190 = arith.constant 1 : i32
    scf.for %scan3A_240 = %scan3A_187 to %scan3A_189 step %scan3A_190  : i32 {
      %mul3A_241 = arith.constant 16 : i32
      %mul3A_242 = arith.muli %scan3A_240, %mul3A_241 : i32
      %get3A = arith.index_cast %mul3A_242 : i32 to index
      %get3A_243 = tpu.vector_load %arg12[%get3A] {strides = array<i32>} : memref<3136xi32, #tpu.memory_space<vmem>>, vector<16xi32>,
      %mul3A_244 = arith.constant 16 : i32
      %mul3A_245 = arith.muli %scan3A_240, %mul3A_244 : i32
      %swap3A = arith.index_cast %mul3A_245 : i32 to index
      %swap3A_246 = tpu.vector_load %arg14[%swap3A] {strides = array<i32>} : memref<9408xi32, #tpu.memory_space<vmem>>, vector<16xi32>,
      tpu.vector_store %arg14[%swap3A], %get3A_243 {strides = array<i32>} : memref<9408xi32, #tpu.memory_space<vmem>>, vector<16xi32>,
      %add3A_247 = arith.constant 200000 : i32
      %add3A_248 = vector.broadcast %add3A_247 : i32 to vector<16xi32>
      %add3A_249 = arith.addi %get3A_243, %add3A_248 : vector<16xi32>
      %mul3A_250 = arith.constant 16 : i32
      %mul3A_251 = arith.muli %scan3A_240, %mul3A_250 : i32
      %add3A_252 = arith.constant 3136 : i32
      %add3A_253 = arith.addi %add3A_252, %mul3A_251 : i32
      %swap3A_254 = arith.index_cast %add3A_253 : i32 to index
      %swap3A_255 = tpu.vector_load %arg14[%swap3A_254] {strides = array<i32>} : memref<9408xi32, #tpu.memory_space<vmem>>, vector<16xi32>,
      tpu.vector_store %arg14[%swap3A_254], %add3A_249 {strides = array<i32>} : memref<9408xi32, #tpu.memory_space<vmem>>, vector<16xi32>,
      %add3A_256 = arith.constant 400000 : i32
      %add3A_257 = vector.broadcast %add3A_256 : i32 to vector<16xi32>
      %add3A_258 = arith.addi %get3A_243, %add3A_257 : vector<16xi32>
      %mul3A_259 = arith.constant 16 : i32
      %mul3A_260 = arith.muli %scan3A_240, %mul3A_259 : i32
      %add3A_261 = arith.constant 6272 : i32
      %add3A_262 = arith.addi %add3A_261, %mul3A_260 : i32
      %swap3A_263 = arith.index_cast %add3A_262 : i32 to index
      %swap3A_264 = tpu.vector_load %arg14[%swap3A_263] {strides = array<i32>} : memref<9408xi32, #tpu.memory_space<vmem>>, vector<16xi32>,
      tpu.vector_store %arg14[%swap3A_263], %add3A_258 {strides = array<i32>} : memref<9408xi32, #tpu.memory_space<vmem>>, vector<16xi32>,
    }
    %scan3A_191 = arith.constant 196 : i32
    %dma_start3A_192 = arith.constant 0 : i32
    %dma_start3A_193 = tpu.memref_slice %arg5[%dma_start3A_192] : memref<600000xf32, #tpu.memory_space<hbm>> -> memref<600000xf32, #tpu.memory_space<hbm>>
    tpu.enqueue_indirect_dma source(%dma_start3A_193 : memref<600000xf32, #tpu.memory_space<hbm>>) target(%arg16 : memref<9408xf32, #tpu.memory_space<vmem>>) offsets(%arg14 : memref<9408xi32, #tpu.memory_space<vmem>>) semaphore(%arg21 : memref<!tpu.dma_semaphore, #tpu.memory_space<semaphore_mem>>)
    "tpu.region"() ({
      %run_scoped3A = tpu.sem_alloc : memref<!tpu.dma_semaphore, #tpu.memory_space<semaphore_mem>>
      %dma_start3A_240 = tpu.memref_slice %arg2[%multiple_of3A_185] : memref<800000xi32, #tpu.memory_space<hbm>> -> memref<3136xi32, #tpu.memory_space<hbm>>
      %dma_start3A_241 = tpu.memref_slice %arg2[%multiple_of3A_185] : memref<800000xi32, #tpu.memory_space<hbm>> -> memref<3136xi32, #tpu.memory_space<hbm>>
      tpu.enqueue_dma source(%dma_start3A_241 : memref<3136xi32, #tpu.memory_space<hbm>>) target(%arg10 : memref<3136xi32, #tpu.memory_space<vmem>>) target_semaphore(%run_scoped3A : memref<!tpu.dma_semaphore, #tpu.memory_space<semaphore_mem>>)
      %dma_wait3A_242 = tpu.memref_slice %arg2[%multiple_of3A_185] : memref<800000xi32, #tpu.memory_space<hbm>> -> memref<3136xi32, #tpu.memory_space<hbm>>
      %dma_wait3A_243 = tpu.memref_slice %arg2[%multiple_of3A_185] : memref<800000xi32, #tpu.memory_space<hbm>> -> memref<3136xi32, #tpu.memory_space<hbm>>
      tpu.wait_dma2 semaphore(%run_scoped3A : memref<!tpu.dma_semaphore, #tpu.memory_space<semaphore_mem>>) src(%dma_wait3A_243 : memref<3136xi32, #tpu.memory_space<hbm>>) dst(%arg10 : memref<3136xi32, #tpu.memory_space<vmem>>)
      tpu.yield
    }) : () -> ()
    %dma_wait3A_194 = arith.constant 0 : i32
    %dma_wait3A_195 = tpu.memref_slice %arg5[%dma_wait3A_194] : memref<600000xf32, #tpu.memory_space<hbm>> -> memref<600000xf32, #tpu.memory_space<hbm>>
    tpu.wait_indirect_dma semaphore(%arg21 : memref<!tpu.dma_semaphore, #tpu.memory_space<semaphore_mem>>) src(%dma_wait3A_195 : memref<600000xf32, #tpu.memory_space<hbm>>) dst(%arg15 : memref<9408xf32, #tpu.memory_space<vmem>>)
    %dma_wait3A_196 = tpu.memref_slice %arg6[%multiple_of3A_148] : memref<800000xf32, #tpu.memory_space<hbm>> -> memref<3136xf32, #tpu.memory_space<hbm>>
    %dma_wait3A_197 = tpu.memref_slice %arg6[%multiple_of3A_148] : memref<800000xf32, #tpu.memory_space<hbm>> -> memref<3136xf32, #tpu.memory_space<hbm>>
    tpu.wait_dma2 semaphore(%arg22 : memref<!tpu.dma_semaphore, #tpu.memory_space<semaphore_mem>>) src(%arg17 : memref<3136xf32, #tpu.memory_space<vmem>>) dst(%dma_wait3A_197 : memref<3136xf32, #tpu.memory_space<hbm>>)
    %dma_wait3A_198 = tpu.memref_slice %arg7[%multiple_of3A_148] : memref<800000xf32, #tpu.memory_space<hbm>> -> memref<3136xf32, #tpu.memory_space<hbm>>
    %dma_wait3A_199 = tpu.memref_slice %arg7[%multiple_of3A_148] : memref<800000xf32, #tpu.memory_space<hbm>> -> memref<3136xf32, #tpu.memory_space<hbm>>
    tpu.wait_dma2 semaphore(%arg22 : memref<!tpu.dma_semaphore, #tpu.memory_space<semaphore_mem>>) src(%arg19 : memref<3136xf32, #tpu.memory_space<vmem>>) dst(%dma_wait3A_199 : memref<3136xf32, #tpu.memory_space<hbm>>)
    %scan3A_200 = arith.constant 0 : i32
    %scan3A_201 = arith.constant 0 : i32
    %scan3A_202 = arith.constant 196 : i32
    %scan3A_203 = arith.addi %scan3A_201, %scan3A_202 : i32
    %scan3A_204 = arith.constant 1 : i32
    scf.for %scan3A_240 = %scan3A_201 to %scan3A_203 step %scan3A_204  : i32 {
      %mul3A_241 = arith.constant 16 : i32
      %mul3A_242 = arith.muli %scan3A_240, %mul3A_241 : i32
      %get3A = arith.index_cast %mul3A_242 : i32 to index
      %get3A_243 = tpu.vector_load %arg9[%get3A] {strides = array<i32>} : memref<3136xi32, #tpu.memory_space<vmem>>, vector<16xi32>,
      %mul3A_244 = arith.constant 10 : i32
      %mul3A_245 = vector.broadcast %mul3A_244 : i32 to vector<16xi32>
      %mul3A_246 = arith.muli %get3A_243, %mul3A_245 : vector<16xi32>
      %gather3A = tpu.vector_load_idx %arg8[%mul3A_246] : memref<10000xf32, #tpu.memory_space<vmem>>[vector<16xi32>], vector<16xf32>,
      %add3A_247 = arith.constant 1 : i32
      %add3A_248 = vector.broadcast %add3A_247 : i32 to vector<16xi32>
      %add3A_249 = arith.addi %mul3A_246, %add3A_248 : vector<16xi32>
      %gather3A_250 = tpu.vector_load_idx %arg8[%add3A_249] : memref<10000xf32, #tpu.memory_space<vmem>>[vector<16xi32>], vector<16xf32>,
      %add3A_251 = arith.constant 2 : i32
      %add3A_252 = vector.broadcast %add3A_251 : i32 to vector<16xi32>
      %add3A_253 = arith.addi %mul3A_246, %add3A_252 : vector<16xi32>
      %gather3A_254 = tpu.vector_load_idx %arg8[%add3A_253] : memref<10000xf32, #tpu.memory_space<vmem>>[vector<16xi32>], vector<16xf32>,
      %add3A_255 = arith.constant 3 : i32
      %add3A_256 = vector.broadcast %add3A_255 : i32 to vector<16xi32>
      %add3A_257 = arith.addi %mul3A_246, %add3A_256 : vector<16xi32>
      %gather3A_258 = tpu.vector_load_idx %arg8[%add3A_257] : memref<10000xf32, #tpu.memory_space<vmem>>[vector<16xi32>], vector<16xf32>,
      %add3A_259 = arith.constant 4 : i32
      %add3A_260 = vector.broadcast %add3A_259 : i32 to vector<16xi32>
      %add3A_261 = arith.addi %mul3A_246, %add3A_260 : vector<16xi32>
      %gather3A_262 = tpu.vector_load_idx %arg8[%add3A_261] : memref<10000xf32, #tpu.memory_space<vmem>>[vector<16xi32>], vector<16xf32>,
      %add3A_263 = arith.constant 5 : i32
      %add3A_264 = vector.broadcast %add3A_263 : i32 to vector<16xi32>
      %add3A_265 = arith.addi %mul3A_246, %add3A_264 : vector<16xi32>
      %gather3A_266 = tpu.vector_load_idx %arg8[%add3A_265] : memref<10000xf32, #tpu.memory_space<vmem>>[vector<16xi32>], vector<16xf32>,
      %add3A_267 = arith.constant 6 : i32
      %add3A_268 = vector.broadcast %add3A_267 : i32 to vector<16xi32>
      %add3A_269 = arith.addi %mul3A_246, %add3A_268 : vector<16xi32>
      %gather3A_270 = tpu.vector_load_idx %arg8[%add3A_269] : memref<10000xf32, #tpu.memory_space<vmem>>[vector<16xi32>], vector<16xf32>,
      %add3A_271 = arith.constant 7 : i32
      %add3A_272 = vector.broadcast %add3A_271 : i32 to vector<16xi32>
      %add3A_273 = arith.addi %mul3A_246, %add3A_272 : vector<16xi32>
      %gather3A_274 = tpu.vector_load_idx %arg8[%add3A_273] : memref<10000xf32, #tpu.memory_space<vmem>>[vector<16xi32>], vector<16xf32>,
      %add3A_275 = arith.constant 8 : i32
      %add3A_276 = vector.broadcast %add3A_275 : i32 to vector<16xi32>
      %add3A_277 = arith.addi %mul3A_246, %add3A_276 : vector<16xi32>
      %gather3A_278 = tpu.vector_load_idx %arg8[%add3A_277] : memref<10000xf32, #tpu.memory_space<vmem>>[vector<16xi32>], vector<16xf32>,
      %add3A_279 = arith.constant 9 : i32
      %add3A_280 = vector.broadcast %add3A_279 : i32 to vector<16xi32>
      %add3A_281 = arith.addi %mul3A_246, %add3A_280 : vector<16xi32>
      %gather3A_282 = tpu.vector_load_idx %arg8[%add3A_281] : memref<10000xf32, #tpu.memory_space<vmem>>[vector<16xi32>], vector<16xf32>,
      %mul3A_283 = arith.constant 16 : i32
      %mul3A_284 = arith.muli %scan3A_240, %mul3A_283 : i32
      %get3A_285 = arith.index_cast %mul3A_284 : i32 to index
      %get3A_286 = tpu.vector_load %arg15[%get3A_285] {strides = array<i32>} : memref<9408xf32, #tpu.memory_space<vmem>>, vector<16xf32>,
      %mul3A_287 = arith.constant 16 : i32
      %mul3A_288 = arith.muli %scan3A_240, %mul3A_287 : i32
      %add3A_289 = arith.constant 3136 : i32
      %add3A_290 = arith.addi %add3A_289, %mul3A_288 : i32
      %get3A_291 = arith.index_cast %add3A_290 : i32 to index
      %get3A_292 = tpu.vector_load %arg15[%get3A_291] {strides = array<i32>} : memref<9408xf32, #tpu.memory_space<vmem>>, vector<16xf32>,
      %mul3A_293 = arith.constant 16 : i32
      %mul3A_294 = arith.muli %scan3A_240, %mul3A_293 : i32
      %add3A_295 = arith.constant 6272 : i32
      %add3A_296 = arith.addi %add3A_295, %mul3A_294 : i32
      %get3A_297 = arith.index_cast %add3A_296 : i32 to index
      %get3A_298 = tpu.vector_load %arg15[%get3A_297] {strides = array<i32>} : memref<9408xf32, #tpu.memory_space<vmem>>, vector<16xf32>,
      %mul3A_299 = arith.mulf %gather3A, %gather3A : vector<16xf32>
      %mul3A_300 = arith.mulf %gather3A_250, %gather3A_250 : vector<16xf32>
      %add3A_301 = arith.addf %mul3A_299, %mul3A_300 : vector<16xf32>
      %mul3A_302 = arith.mulf %gather3A_254, %gather3A_254 : vector<16xf32>
      %add3A_303 = arith.addf %add3A_301, %mul3A_302 : vector<16xf32>
      %mul3A_304 = arith.mulf %gather3A_258, %gather3A_258 : vector<16xf32>
      %add3A_305 = arith.addf %add3A_303, %mul3A_304 : vector<16xf32>
      %div3A = arith.constant 2.000000e+00 : f32
      %div3A_306 = vector.broadcast %div3A : f32 to vector<16xf32>
      %div3A_307 = arith.divf %div3A_306, %add3A_305 : vector<16xf32>
      %mul3A_308 = arith.mulf %gather3A_254, %get3A_298 : vector<16xf32>
      %mul3A_309 = arith.mulf %gather3A_258, %get3A_292 : vector<16xf32>
      %sub3A = arith.subf %mul3A_308, %mul3A_309 : vector<16xf32>
      %mul3A_310 = arith.mulf %gather3A, %get3A_286 : vector<16xf32>
      %add3A_311 = arith.addf %sub3A, %mul3A_310 : vector<16xf32>
      %mul3A_312 = arith.mulf %gather3A_258, %get3A_286 : vector<16xf32>
      %mul3A_313 = arith.mulf %gather3A_250, %get3A_298 : vector<16xf32>
      %sub3A_314 = arith.subf %mul3A_312, %mul3A_313 : vector<16xf32>
      %mul3A_315 = arith.mulf %gather3A, %get3A_292 : vector<16xf32>
      %add3A_316 = arith.addf %sub3A_314, %mul3A_315 : vector<16xf32>
      %mul3A_317 = arith.mulf %gather3A_250, %get3A_292 : vector<16xf32>
      %mul3A_318 = arith.mulf %gather3A_254, %get3A_286 : vector<16xf32>
      %sub3A_319 = arith.subf %mul3A_317, %mul3A_318 : vector<16xf32>
      %mul3A_320 = arith.mulf %gather3A, %get3A_298 : vector<16xf32>
      %add3A_321 = arith.addf %sub3A_319, %mul3A_320 : vector<16xf32>
      %mul3A_322 = arith.mulf %gather3A_254, %add3A_321 : vector<16xf32>
      %mul3A_323 = arith.mulf %gather3A_258, %add3A_316 : vector<16xf32>
      %sub3A_324 = arith.subf %mul3A_322, %mul3A_323 : vector<16xf32>
      %mul3A_325 = arith.mulf %gather3A_258, %add3A_311 : vector<16xf32>
      %mul3A_326 = arith.mulf %gather3A_250, %add3A_321 : vector<16xf32>
      %sub3A_327 = arith.subf %mul3A_325, %mul3A_326 : vector<16xf32>
      %mul3A_328 = arith.mulf %gather3A_250, %add3A_316 : vector<16xf32>
      %mul3A_329 = arith.mulf %gather3A_254, %add3A_311 : vector<16xf32>
      %sub3A_330 = arith.subf %mul3A_328, %mul3A_329 : vector<16xf32>
      %mul3A_331 = arith.mulf %div3A_307, %sub3A_324 : vector<16xf32>
      %add3A_332 = arith.addf %get3A_286, %mul3A_331 : vector<16xf32>
      %add3A_333 = arith.addf %add3A_332, %gather3A_262 : vector<16xf32>
      %mul3A_334 = arith.mulf %div3A_307, %sub3A_327 : vector<16xf32>
      %add3A_335 = arith.addf %get3A_292, %mul3A_334 : vector<16xf32>
      %add3A_336 = arith.addf %add3A_335, %gather3A_266 : vector<16xf32>
      %mul3A_337 = arith.mulf %div3A_307, %sub3A_330 : vector<16xf32>
      %add3A_338 = arith.addf %get3A_298, %mul3A_337 : vector<16xf32>
      %add3A_339 = arith.addf %add3A_338, %gather3A_270 : vector<16xf32>
      %div3A_340 = arith.constant -1.000000e+00 : f32
      %div3A_341 = vector.broadcast %div3A_340 : f32 to vector<16xf32>
      %div3A_342 = arith.divf %div3A_341, %add3A_339 : vector<16xf32>
      %mul3A_343 = arith.mulf %add3A_333, %div3A_342 : vector<16xf32>
      %mul3A_344 = arith.mulf %add3A_336, %div3A_342 : vector<16xf32>
      %mul3A_345 = arith.mulf %mul3A_343, %mul3A_343 : vector<16xf32>
      %mul3A_346 = arith.mulf %mul3A_344, %mul3A_344 : vector<16xf32>
      %add3A_347 = arith.addf %mul3A_345, %mul3A_346 : vector<16xf32>
      %mul3A_348 = arith.mulf %gather3A_278, %add3A_347 : vector<16xf32>
      %add3A_349 = arith.constant 1.000000e+00 : f32
      %add3A_350 = vector.broadcast %add3A_349 : f32 to vector<16xf32>
      %add3A_351 = arith.addf %add3A_350, %mul3A_348 : vector<16xf32>
      %mul3A_352 = arith.mulf %add3A_347, %add3A_347 : vector<16xf32>
      %mul3A_353 = arith.mulf %gather3A_282, %mul3A_352 : vector<16xf32>
      %add3A_354 = arith.addf %add3A_351, %mul3A_353 : vector<16xf32>
      %mul3A_355 = arith.mulf %add3A_354, %gather3A_274 : vector<16xf32>
      %mul3A_356 = arith.mulf %mul3A_343, %mul3A_355 : vector<16xf32>
      %mul3A_357 = arith.constant 16 : i32
      %mul3A_358 = arith.muli %scan3A_240, %mul3A_357 : i32
      %swap3A = arith.index_cast %mul3A_358 : i32 to index
      %swap3A_359 = tpu.vector_load %arg17[%swap3A] {strides = array<i32>} : memref<3136xf32, #tpu.memory_space<vmem>>, vector<16xf32>,
      tpu.vector_store %arg17[%swap3A], %mul3A_356 {strides = array<i32>} : memref<3136xf32, #tpu.memory_space<vmem>>, vector<16xf32>,
      %mul3A_360 = arith.mulf %mul3A_344, %mul3A_355 : vector<16xf32>
      %mul3A_361 = arith.constant 16 : i32
      %mul3A_362 = arith.muli %scan3A_240, %mul3A_361 : i32
      %swap3A_363 = arith.index_cast %mul3A_362 : i32 to index
      %swap3A_364 = tpu.vector_load %arg19[%swap3A_363] {strides = array<i32>} : memref<3136xf32, #tpu.memory_space<vmem>>, vector<16xf32>,
      tpu.vector_store %arg19[%swap3A_363], %mul3A_360 {strides = array<i32>} : memref<3136xf32, #tpu.memory_space<vmem>>, vector<16xf32>,
    }
    %scan3A_205 = arith.constant 196 : i32
    %add3A_206 = arith.constant 18816 : i32
    %add3A_207 = arith.addi %min3A_3, %add3A_206 : i32
    %multiple_of3A_208 = tpu.assume_multiple %add3A_207, 16 : i32
    %dma_start3A_209 = tpu.memref_slice %arg6[%multiple_of3A_208] : memref<800000xf32, #tpu.memory_space<hbm>> -> memref<3136xf32, #tpu.memory_space<hbm>>
    %dma_start3A_210 = tpu.memref_slice %arg6[%multiple_of3A_208] : memref<800000xf32, #tpu.memory_space<hbm>> -> memref<3136xf32, #tpu.memory_space<hbm>>
    tpu.enqueue_dma source(%arg17 : memref<3136xf32, #tpu.memory_space<vmem>>) target(%dma_start3A_210 : memref<3136xf32, #tpu.memory_space<hbm>>) target_semaphore(%arg22 : memref<!tpu.dma_semaphore, #tpu.memory_space<semaphore_mem>>)
    %dma_start3A_211 = tpu.memref_slice %arg7[%multiple_of3A_208] : memref<800000xf32, #tpu.memory_space<hbm>> -> memref<3136xf32, #tpu.memory_space<hbm>>
    %dma_start3A_212 = tpu.memref_slice %arg7[%multiple_of3A_208] : memref<800000xf32, #tpu.memory_space<hbm>> -> memref<3136xf32, #tpu.memory_space<hbm>>
    tpu.enqueue_dma source(%arg19 : memref<3136xf32, #tpu.memory_space<vmem>>) target(%dma_start3A_212 : memref<3136xf32, #tpu.memory_space<hbm>>) target_semaphore(%arg22 : memref<!tpu.dma_semaphore, #tpu.memory_space<semaphore_mem>>)
    %dma_wait3A_213 = arith.constant 0 : i32
    %dma_wait3A_214 = tpu.memref_slice %arg5[%dma_wait3A_213] : memref<600000xf32, #tpu.memory_space<hbm>> -> memref<600000xf32, #tpu.memory_space<hbm>>
    tpu.wait_indirect_dma semaphore(%arg21 : memref<!tpu.dma_semaphore, #tpu.memory_space<semaphore_mem>>) src(%dma_wait3A_214 : memref<600000xf32, #tpu.memory_space<hbm>>) dst(%arg16 : memref<9408xf32, #tpu.memory_space<vmem>>)
    %dma_wait3A_215 = tpu.memref_slice %arg6[%multiple_of3A_178] : memref<800000xf32, #tpu.memory_space<hbm>> -> memref<3136xf32, #tpu.memory_space<hbm>>
    %dma_wait3A_216 = tpu.memref_slice %arg6[%multiple_of3A_178] : memref<800000xf32, #tpu.memory_space<hbm>> -> memref<3136xf32, #tpu.memory_space<hbm>>
    tpu.wait_dma2 semaphore(%arg22 : memref<!tpu.dma_semaphore, #tpu.memory_space<semaphore_mem>>) src(%arg18 : memref<3136xf32, #tpu.memory_space<vmem>>) dst(%dma_wait3A_216 : memref<3136xf32, #tpu.memory_space<hbm>>)
    %dma_wait3A_217 = tpu.memref_slice %arg7[%multiple_of3A_178] : memref<800000xf32, #tpu.memory_space<hbm>> -> memref<3136xf32, #tpu.memory_space<hbm>>
    %dma_wait3A_218 = tpu.memref_slice %arg7[%multiple_of3A_178] : memref<800000xf32, #tpu.memory_space<hbm>> -> memref<3136xf32, #tpu.memory_space<hbm>>
    tpu.wait_dma2 semaphore(%arg22 : memref<!tpu.dma_semaphore, #tpu.memory_space<semaphore_mem>>) src(%arg20 : memref<3136xf32, #tpu.memory_space<vmem>>) dst(%dma_wait3A_218 : memref<3136xf32, #tpu.memory_space<hbm>>)
    %scan3A_219 = arith.constant 0 : i32
    %scan3A_220 = arith.constant 0 : i32
    %scan3A_221 = arith.constant 196 : i32
    %scan3A_222 = arith.addi %scan3A_220, %scan3A_221 : i32
    %scan3A_223 = arith.constant 1 : i32
    scf.for %scan3A_240 = %scan3A_220 to %scan3A_222 step %scan3A_223  : i32 {
      %mul3A_241 = arith.constant 16 : i32
      %mul3A_242 = arith.muli %scan3A_240, %mul3A_241 : i32
      %get3A = arith.index_cast %mul3A_242 : i32 to index
      %get3A_243 = tpu.vector_load %arg10[%get3A] {strides = array<i32>} : memref<3136xi32, #tpu.memory_space<vmem>>, vector<16xi32>,
      %mul3A_244 = arith.constant 10 : i32
      %mul3A_245 = vector.broadcast %mul3A_244 : i32 to vector<16xi32>
      %mul3A_246 = arith.muli %get3A_243, %mul3A_245 : vector<16xi32>
      %gather3A = tpu.vector_load_idx %arg8[%mul3A_246] : memref<10000xf32, #tpu.memory_space<vmem>>[vector<16xi32>], vector<16xf32>,
      %add3A_247 = arith.constant 1 : i32
      %add3A_248 = vector.broadcast %add3A_247 : i32 to vector<16xi32>
      %add3A_249 = arith.addi %mul3A_246, %add3A_248 : vector<16xi32>
      %gather3A_250 = tpu.vector_load_idx %arg8[%add3A_249] : memref<10000xf32, #tpu.memory_space<vmem>>[vector<16xi32>], vector<16xf32>,
      %add3A_251 = arith.constant 2 : i32
      %add3A_252 = vector.broadcast %add3A_251 : i32 to vector<16xi32>
      %add3A_253 = arith.addi %mul3A_246, %add3A_252 : vector<16xi32>
      %gather3A_254 = tpu.vector_load_idx %arg8[%add3A_253] : memref<10000xf32, #tpu.memory_space<vmem>>[vector<16xi32>], vector<16xf32>,
      %add3A_255 = arith.constant 3 : i32
      %add3A_256 = vector.broadcast %add3A_255 : i32 to vector<16xi32>
      %add3A_257 = arith.addi %mul3A_246, %add3A_256 : vector<16xi32>
      %gather3A_258 = tpu.vector_load_idx %arg8[%add3A_257] : memref<10000xf32, #tpu.memory_space<vmem>>[vector<16xi32>], vector<16xf32>,
      %add3A_259 = arith.constant 4 : i32
      %add3A_260 = vector.broadcast %add3A_259 : i32 to vector<16xi32>
      %add3A_261 = arith.addi %mul3A_246, %add3A_260 : vector<16xi32>
      %gather3A_262 = tpu.vector_load_idx %arg8[%add3A_261] : memref<10000xf32, #tpu.memory_space<vmem>>[vector<16xi32>], vector<16xf32>,
      %add3A_263 = arith.constant 5 : i32
      %add3A_264 = vector.broadcast %add3A_263 : i32 to vector<16xi32>
      %add3A_265 = arith.addi %mul3A_246, %add3A_264 : vector<16xi32>
      %gather3A_266 = tpu.vector_load_idx %arg8[%add3A_265] : memref<10000xf32, #tpu.memory_space<vmem>>[vector<16xi32>], vector<16xf32>,
      %add3A_267 = arith.constant 6 : i32
      %add3A_268 = vector.broadcast %add3A_267 : i32 to vector<16xi32>
      %add3A_269 = arith.addi %mul3A_246, %add3A_268 : vector<16xi32>
      %gather3A_270 = tpu.vector_load_idx %arg8[%add3A_269] : memref<10000xf32, #tpu.memory_space<vmem>>[vector<16xi32>], vector<16xf32>,
      %add3A_271 = arith.constant 7 : i32
      %add3A_272 = vector.broadcast %add3A_271 : i32 to vector<16xi32>
      %add3A_273 = arith.addi %mul3A_246, %add3A_272 : vector<16xi32>
      %gather3A_274 = tpu.vector_load_idx %arg8[%add3A_273] : memref<10000xf32, #tpu.memory_space<vmem>>[vector<16xi32>], vector<16xf32>,
      %add3A_275 = arith.constant 8 : i32
      %add3A_276 = vector.broadcast %add3A_275 : i32 to vector<16xi32>
      %add3A_277 = arith.addi %mul3A_246, %add3A_276 : vector<16xi32>
      %gather3A_278 = tpu.vector_load_idx %arg8[%add3A_277] : memref<10000xf32, #tpu.memory_space<vmem>>[vector<16xi32>], vector<16xf32>,
      %add3A_279 = arith.constant 9 : i32
      %add3A_280 = vector.broadcast %add3A_279 : i32 to vector<16xi32>
      %add3A_281 = arith.addi %mul3A_246, %add3A_280 : vector<16xi32>
      %gather3A_282 = tpu.vector_load_idx %arg8[%add3A_281] : memref<10000xf32, #tpu.memory_space<vmem>>[vector<16xi32>], vector<16xf32>,
      %mul3A_283 = arith.constant 16 : i32
      %mul3A_284 = arith.muli %scan3A_240, %mul3A_283 : i32
      %get3A_285 = arith.index_cast %mul3A_284 : i32 to index
      %get3A_286 = tpu.vector_load %arg16[%get3A_285] {strides = array<i32>} : memref<9408xf32, #tpu.memory_space<vmem>>, vector<16xf32>,
      %mul3A_287 = arith.constant 16 : i32
      %mul3A_288 = arith.muli %scan3A_240, %mul3A_287 : i32
      %add3A_289 = arith.constant 3136 : i32
      %add3A_290 = arith.addi %add3A_289, %mul3A_288 : i32
      %get3A_291 = arith.index_cast %add3A_290 : i32 to index
      %get3A_292 = tpu.vector_load %arg16[%get3A_291] {strides = array<i32>} : memref<9408xf32, #tpu.memory_space<vmem>>, vector<16xf32>,
      %mul3A_293 = arith.constant 16 : i32
      %mul3A_294 = arith.muli %scan3A_240, %mul3A_293 : i32
      %add3A_295 = arith.constant 6272 : i32
      %add3A_296 = arith.addi %add3A_295, %mul3A_294 : i32
      %get3A_297 = arith.index_cast %add3A_296 : i32 to index
      %get3A_298 = tpu.vector_load %arg16[%get3A_297] {strides = array<i32>} : memref<9408xf32, #tpu.memory_space<vmem>>, vector<16xf32>,
      %mul3A_299 = arith.mulf %gather3A, %gather3A : vector<16xf32>
      %mul3A_300 = arith.mulf %gather3A_250, %gather3A_250 : vector<16xf32>
      %add3A_301 = arith.addf %mul3A_299, %mul3A_300 : vector<16xf32>
      %mul3A_302 = arith.mulf %gather3A_254, %gather3A_254 : vector<16xf32>
      %add3A_303 = arith.addf %add3A_301, %mul3A_302 : vector<16xf32>
      %mul3A_304 = arith.mulf %gather3A_258, %gather3A_258 : vector<16xf32>
      %add3A_305 = arith.addf %add3A_303, %mul3A_304 : vector<16xf32>
      %div3A = arith.constant 2.000000e+00 : f32
      %div3A_306 = vector.broadcast %div3A : f32 to vector<16xf32>
      %div3A_307 = arith.divf %div3A_306, %add3A_305 : vector<16xf32>
      %mul3A_308 = arith.mulf %gather3A_254, %get3A_298 : vector<16xf32>
      %mul3A_309 = arith.mulf %gather3A_258, %get3A_292 : vector<16xf32>
      %sub3A = arith.subf %mul3A_308, %mul3A_309 : vector<16xf32>
      %mul3A_310 = arith.mulf %gather3A, %get3A_286 : vector<16xf32>
      %add3A_311 = arith.addf %sub3A, %mul3A_310 : vector<16xf32>
      %mul3A_312 = arith.mulf %gather3A_258, %get3A_286 : vector<16xf32>
      %mul3A_313 = arith.mulf %gather3A_250, %get3A_298 : vector<16xf32>
      %sub3A_314 = arith.subf %mul3A_312, %mul3A_313 : vector<16xf32>
      %mul3A_315 = arith.mulf %gather3A, %get3A_292 : vector<16xf32>
      %add3A_316 = arith.addf %sub3A_314, %mul3A_315 : vector<16xf32>
      %mul3A_317 = arith.mulf %gather3A_250, %get3A_292 : vector<16xf32>
      %mul3A_318 = arith.mulf %gather3A_254, %get3A_286 : vector<16xf32>
      %sub3A_319 = arith.subf %mul3A_317, %mul3A_318 : vector<16xf32>
      %mul3A_320 = arith.mulf %gather3A, %get3A_298 : vector<16xf32>
      %add3A_321 = arith.addf %sub3A_319, %mul3A_320 : vector<16xf32>
      %mul3A_322 = arith.mulf %gather3A_254, %add3A_321 : vector<16xf32>
      %mul3A_323 = arith.mulf %gather3A_258, %add3A_316 : vector<16xf32>
      %sub3A_324 = arith.subf %mul3A_322, %mul3A_323 : vector<16xf32>
      %mul3A_325 = arith.mulf %gather3A_258, %add3A_311 : vector<16xf32>
      %mul3A_326 = arith.mulf %gather3A_250, %add3A_321 : vector<16xf32>
      %sub3A_327 = arith.subf %mul3A_325, %mul3A_326 : vector<16xf32>
      %mul3A_328 = arith.mulf %gather3A_250, %add3A_316 : vector<16xf32>
      %mul3A_329 = arith.mulf %gather3A_254, %add3A_311 : vector<16xf32>
      %sub3A_330 = arith.subf %mul3A_328, %mul3A_329 : vector<16xf32>
      %mul3A_331 = arith.mulf %div3A_307, %sub3A_324 : vector<16xf32>
      %add3A_332 = arith.addf %get3A_286, %mul3A_331 : vector<16xf32>
      %add3A_333 = arith.addf %add3A_332, %gather3A_262 : vector<16xf32>
      %mul3A_334 = arith.mulf %div3A_307, %sub3A_327 : vector<16xf32>
      %add3A_335 = arith.addf %get3A_292, %mul3A_334 : vector<16xf32>
      %add3A_336 = arith.addf %add3A_335, %gather3A_266 : vector<16xf32>
      %mul3A_337 = arith.mulf %div3A_307, %sub3A_330 : vector<16xf32>
      %add3A_338 = arith.addf %get3A_298, %mul3A_337 : vector<16xf32>
      %add3A_339 = arith.addf %add3A_338, %gather3A_270 : vector<16xf32>
      %div3A_340 = arith.constant -1.000000e+00 : f32
      %div3A_341 = vector.broadcast %div3A_340 : f32 to vector<16xf32>
      %div3A_342 = arith.divf %div3A_341, %add3A_339 : vector<16xf32>
      %mul3A_343 = arith.mulf %add3A_333, %div3A_342 : vector<16xf32>
      %mul3A_344 = arith.mulf %add3A_336, %div3A_342 : vector<16xf32>
      %mul3A_345 = arith.mulf %mul3A_343, %mul3A_343 : vector<16xf32>
      %mul3A_346 = arith.mulf %mul3A_344, %mul3A_344 : vector<16xf32>
      %add3A_347 = arith.addf %mul3A_345, %mul3A_346 : vector<16xf32>
      %mul3A_348 = arith.mulf %gather3A_278, %add3A_347 : vector<16xf32>
      %add3A_349 = arith.constant 1.000000e+00 : f32
      %add3A_350 = vector.broadcast %add3A_349 : f32 to vector<16xf32>
      %add3A_351 = arith.addf %add3A_350, %mul3A_348 : vector<16xf32>
      %mul3A_352 = arith.mulf %add3A_347, %add3A_347 : vector<16xf32>
      %mul3A_353 = arith.mulf %gather3A_282, %mul3A_352 : vector<16xf32>
      %add3A_354 = arith.addf %add3A_351, %mul3A_353 : vector<16xf32>
      %mul3A_355 = arith.mulf %add3A_354, %gather3A_274 : vector<16xf32>
      %mul3A_356 = arith.mulf %mul3A_343, %mul3A_355 : vector<16xf32>
      %mul3A_357 = arith.constant 16 : i32
      %mul3A_358 = arith.muli %scan3A_240, %mul3A_357 : i32
      %swap3A = arith.index_cast %mul3A_358 : i32 to index
      %swap3A_359 = tpu.vector_load %arg18[%swap3A] {strides = array<i32>} : memref<3136xf32, #tpu.memory_space<vmem>>, vector<16xf32>,
      tpu.vector_store %arg18[%swap3A], %mul3A_356 {strides = array<i32>} : memref<3136xf32, #tpu.memory_space<vmem>>, vector<16xf32>,
      %mul3A_360 = arith.mulf %mul3A_344, %mul3A_355 : vector<16xf32>
      %mul3A_361 = arith.constant 16 : i32
      %mul3A_362 = arith.muli %scan3A_240, %mul3A_361 : i32
      %swap3A_363 = arith.index_cast %mul3A_362 : i32 to index
      %swap3A_364 = tpu.vector_load %arg20[%swap3A_363] {strides = array<i32>} : memref<3136xf32, #tpu.memory_space<vmem>>, vector<16xf32>,
      tpu.vector_store %arg20[%swap3A_363], %mul3A_360 {strides = array<i32>} : memref<3136xf32, #tpu.memory_space<vmem>>, vector<16xf32>,
    }
    %scan3A_224 = arith.constant 196 : i32
    %add3A_225 = arith.constant 21952 : i32
    %add3A_226 = arith.addi %min3A_3, %add3A_225 : i32
    %multiple_of3A_227 = tpu.assume_multiple %add3A_226, 16 : i32
    %dma_start3A_228 = tpu.memref_slice %arg6[%multiple_of3A_227] : memref<800000xf32, #tpu.memory_space<hbm>> -> memref<3136xf32, #tpu.memory_space<hbm>>
    %dma_start3A_229 = tpu.memref_slice %arg6[%multiple_of3A_227] : memref<800000xf32, #tpu.memory_space<hbm>> -> memref<3136xf32, #tpu.memory_space<hbm>>
    tpu.enqueue_dma source(%arg18 : memref<3136xf32, #tpu.memory_space<vmem>>) target(%dma_start3A_229 : memref<3136xf32, #tpu.memory_space<hbm>>) target_semaphore(%arg22 : memref<!tpu.dma_semaphore, #tpu.memory_space<semaphore_mem>>)
    %dma_start3A_230 = tpu.memref_slice %arg7[%multiple_of3A_227] : memref<800000xf32, #tpu.memory_space<hbm>> -> memref<3136xf32, #tpu.memory_space<hbm>>
    %dma_start3A_231 = tpu.memref_slice %arg7[%multiple_of3A_227] : memref<800000xf32, #tpu.memory_space<hbm>> -> memref<3136xf32, #tpu.memory_space<hbm>>
    tpu.enqueue_dma source(%arg20 : memref<3136xf32, #tpu.memory_space<vmem>>) target(%dma_start3A_231 : memref<3136xf32, #tpu.memory_space<hbm>>) target_semaphore(%arg22 : memref<!tpu.dma_semaphore, #tpu.memory_space<semaphore_mem>>)
    %dma_wait3A_232 = tpu.memref_slice %arg6[%multiple_of3A_208] : memref<800000xf32, #tpu.memory_space<hbm>> -> memref<3136xf32, #tpu.memory_space<hbm>>
    %dma_wait3A_233 = tpu.memref_slice %arg6[%multiple_of3A_208] : memref<800000xf32, #tpu.memory_space<hbm>> -> memref<3136xf32, #tpu.memory_space<hbm>>
    tpu.wait_dma2 semaphore(%arg22 : memref<!tpu.dma_semaphore, #tpu.memory_space<semaphore_mem>>) src(%arg17 : memref<3136xf32, #tpu.memory_space<vmem>>) dst(%dma_wait3A_233 : memref<3136xf32, #tpu.memory_space<hbm>>)
    %dma_wait3A_234 = tpu.memref_slice %arg7[%multiple_of3A_208] : memref<800000xf32, #tpu.memory_space<hbm>> -> memref<3136xf32, #tpu.memory_space<hbm>>
    %dma_wait3A_235 = tpu.memref_slice %arg7[%multiple_of3A_208] : memref<800000xf32, #tpu.memory_space<hbm>> -> memref<3136xf32, #tpu.memory_space<hbm>>
    tpu.wait_dma2 semaphore(%arg22 : memref<!tpu.dma_semaphore, #tpu.memory_space<semaphore_mem>>) src(%arg19 : memref<3136xf32, #tpu.memory_space<vmem>>) dst(%dma_wait3A_235 : memref<3136xf32, #tpu.memory_space<hbm>>)
    %dma_wait3A_236 = tpu.memref_slice %arg6[%multiple_of3A_227] : memref<800000xf32, #tpu.memory_space<hbm>> -> memref<3136xf32, #tpu.memory_space<hbm>>
    %dma_wait3A_237 = tpu.memref_slice %arg6[%multiple_of3A_227] : memref<800000xf32, #tpu.memory_space<hbm>> -> memref<3136xf32, #tpu.memory_space<hbm>>
    tpu.wait_dma2 semaphore(%arg22 : memref<!tpu.dma_semaphore, #tpu.memory_space<semaphore_mem>>) src(%arg18 : memref<3136xf32, #tpu.memory_space<vmem>>) dst(%dma_wait3A_237 : memref<3136xf32, #tpu.memory_space<hbm>>)
    %dma_wait3A_238 = tpu.memref_slice %arg7[%multiple_of3A_227] : memref<800000xf32, #tpu.memory_space<hbm>> -> memref<3136xf32, #tpu.memory_space<hbm>>
    %dma_wait3A_239 = tpu.memref_slice %arg7[%multiple_of3A_227] : memref<800000xf32, #tpu.memory_space<hbm>> -> memref<3136xf32, #tpu.memory_space<hbm>>
    tpu.wait_dma2 semaphore(%arg22 : memref<!tpu.dma_semaphore, #tpu.memory_space<semaphore_mem>>) src(%arg20 : memref<3136xf32, #tpu.memory_space<vmem>>) dst(%dma_wait3A_239 : memref<3136xf32, #tpu.memory_space<hbm>>)
    return
  }
}

</mosaic_0001>

<sc_bundles>
// kernel: kernel.3.cloned.1.call-start
scs
__scs_entry_jumppad:
0x0: {  	(pc) =	sbr.rel $0x88, $3  }
0x1: {  	(tag) =	ssettag $0x0;
	lr =	simm.s32 $0x1  }
0x2: {  	[smem:$0x3F9C] =	sst lr;
	_ =	strace $0xD0000000  }
0x3: {  	_ = 	snop  }
0x4: {  	_ = 	snop  }
0x5: {  	_ = 	snop  }
0x6: {  	_ = 	snop  }
0x7: {  	_ = 	snop  }
__scs_overlays_trampoline_lowered:
0x8: {  	[smem:$0x3FAB] =	sst s0  }
0x9: {  	[smem:$0x3FAC] =	sst s1  }
0xa: {  	[smem:$0x3FAD] =	sst s2  }
0xb: {  	[smem:$0x3FAE] =	sst s3  }
0xc: {  	[smem:$0x3FAF] =	sst s4  }
0xd: {  	[smem:$0x3FB0] =	sst s5  }
0xe: {  	[smem:$0x3FB1] =	sst s6  }
0xf: {  	[smem:$0x3FB2] =	sst s7  }
0x10: {  	[smem:$0x3FB3] =	sst s8  }
0x11: {  	[smem:$0x3FB4] =	sst s9;
	s0 =	simm.s32 @!p0 $0x0  }
0x12: {  	s1 =	sld [smem:$0x3F9A];
	s0 =	simm.s32 @p0 $0x1  }
0x13: {  	[smem:$0x3FB5] =	sst s0;
	s0 =	simm.s32 @!p1 $0x0  }
0x14: {  	s2 =	sld [smem:$0x3F99];
	s0 =	simm.s32 @p1 $0x1  }
0x15: {  	[smem:$0x3FB6] =	sst s0;
	s0 =	simm.s32 @!p2 $0x0  }
0x16: {  	s3 =	sld [smem:$0x3FDB];
	s0 =	simm.s32 @p2 $0x1  }
0x17: {  	s4 =	simm.s32 $0x1BF5;
	[smem:$0x3FB8] =	sst s0  }
0x18: {  	s0 =	sld [smem:$0x3F9B];
	_ =	swait.ge [sflag:s4], $0x0  }
0x19: {  	s7 =	sld [smem:$0x3F9C]  }
0x1a: {  	s8 =	sadd.s32 $0xFFFFE003, lr  }
0x1b: {  	s9 =	sadd.s32 $0xFFFFFEF7, lr;
	s5 =	simm.s32 $0xFFFFFFFF;
	p2 =	slt.u32 s8, $0xFFFFF086  }
0x1c: {  	p1 =	slt.u32 s9, $0xF7A;
	s5 =	simm.s32 @!p2 $0x0  }
0x1d: {  	s5 =	simm.s32 @p1 $0x1;
	p0 =	seq.s32 s7, s2  }
0x1e: {  	s7 =	smul.u32 @!p0 $0xF7A, s2;
	p2 =	seq.s32 @!p0 s5, $0x0  }
0x1f: {  	s9 =	smul.u32 $0xF7A, s1;
	s8 =	simm.s32 @!p0 $0x1BF5;
	p2 =	por !p2, p0  }
0x20: {  	[sflag:s8] =	ssyncset.s32 @!p0 $0xFFFFF086;
	s6 =	sadd.s32 @!p0 s3, s7;
	s7 =	simm.s32 @!p0 $0x108  }
0x21: {  	s3 =	sadd.s32 s3, s9;
	s6 =	sadd.s32 @!p0 $0x88, s6;
	s7 =	simm.s32 @p2 $0x1082  }
0x22: {  	[simem:s7], [sflag:s8] =	dma.local @!p0 [hbm:s6], $0xF7A  }
0x23: {  	s9 =	sor.u32 $0xD0000000, s2;
	s6 =	simm.s32 $0x108;
	_ =	swait.ge @!p0 [sflag:s8], $0x0  }
0x24: {  	s3 =	sadd.s32 $0x88, s3;
	s6 =	simm.s32 @!p1 $0x1082;
	[sflag:s4] =	ssyncset.s32 $0xFFFFF086  }
0x25: {  	[simem:s6], [sflag:s4] =	dma.local [hbm:s3], $0xF7A  }
0x26: {  	[smem:$0x3F9C] =	sst s1;
	(tag) =	ssettag s2;
	_ =	strace s9  }
0x27: {  	s1 =	sld [smem:$0x3FAC]  }
0x28: {  	s2 =	sld [smem:$0x3FAD]  }
0x29: {  	s4 =	sld [smem:$0x3FAF]  }
0x2a: {  	p0 =	seq.s32 s5, $0x0;
	s5 =	sld [smem:$0x3FB0]  }
0x2b: {  	s6 =	sld [smem:$0x3FB1]  }
0x2c: {  	s7 =	sld [smem:$0x3FB2]  }
0x2d: {  	s3 =	simm.s32 $0x108;
	s8 =	sld [smem:$0x3FB3]  }
0x2e: {  	s3 =	simm.s32 @!p0 $0x1082;
	s9 =	sld [smem:$0x3FB4]  }
0x2f: {  	lr =	sadd.s32 s0, s3;
	s0 =	sld [smem:$0x3FAB]  }
0x30: {  	s3 =	sld [smem:$0x3FAE]  }
0x31: {  	[smem:$0x3FB7] =	sst s10  }
0x32: {  	s10 =	sld [smem:$0x3FB5];
	_ =	sdelay $0x3  }
0x33: {  	p0 =	seq.s32 s10, $0x1;
	s10 =	sld [smem:$0x3FB7];
	_ =	sdelay $0x3  }
0x34: {  	[smem:$0x3FB7] =	sst s10  }
0x35: {  	s10 =	sld [smem:$0x3FB6];
	_ =	sdelay $0x3  }
0x36: {  	p1 =	seq.s32 s10, $0x1;
	s10 =	sld [smem:$0x3FB7];
	_ =	sdelay $0x3  }
0x37: {  	[smem:$0x3FB7] =	sst s10  }
0x38: {  	s10 =	sld [smem:$0x3FB8]  }
0x39: {  	_ = 	snop;
	(pc) =	sbr.ind lr, $3  }
0x3a: {  	_ = 	snop  }
0x3b: {  	_ = 	snop  }
0x3c: {  	p2 =	seq.s32 s10, $0x1;
	s10 =	sld [smem:$0x3FB7]  }
0x3d: {  	_ =	shalt  }
0x3e: {  	_ =	shalt  }
0x3f: {  	_ =	shalt  }
0x40: {  	_ =	shalt  }
0x41: {  	_ =	shalt  }
0x42: {  	_ =	shalt  }
0x43: {  	_ =	shalt  }
0x44: {  	_ =	shalt  }
0x45: {  	_ =	shalt  }
0x46: {  	_ =	shalt  }
0x47: {  	_ =	shalt  }
0x48: {  	_ =	shalt  }
0x49: {  	_ =	shalt  }
0x4a: {  	_ =	shalt  }
0x4b: {  	_ =	shalt  }
0x4c: {  	_ =	shalt  }
0x4d: {  	_ =	shalt  }
0x4e: {  	_ =	shalt  }
0x4f: {  	_ =	shalt  }
0x50: {  	_ =	shalt  }
0x51: {  	_ =	shalt  }
0x52: {  	_ =	shalt  }
0x53: {  	_ =	shalt  }
0x54: {  	_ =	shalt  }
0x55: {  	_ =	shalt  }
0x56: {  	_ =	shalt  }
0x57: {  	_ =	shalt  }
0x58: {  	_ =	shalt  }
0x59: {  	_ =	shalt  }
0x5a: {  	_ =	shalt  }
0x5b: {  	_ =	shalt  }
0x5c: {  	_ =	shalt  }
0x5d: {  	_ =	shalt  }
0x5e: {  	_ =	shalt  }
0x5f: {  	_ =	shalt  }
0x60: {  	_ =	shalt  }
0x61: {  	_ =	shalt  }
0x62: {  	_ =	shalt  }
0x63: {  	_ =	shalt  }
0x64: {  	_ =	shalt  }
0x65: {  	_ =	shalt  }
0x66: {  	_ =	shalt  }
0x67: {  	_ =	shalt  }
0x68: {  	_ =	shalt  }
0x69: {  	_ =	shalt  }
0x6a: {  	_ =	shalt  }
0x6b: {  	_ =	shalt  }
0x6c: {  	_ =	shalt  }
0x6d: {  	_ =	shalt  }
0x6e: {  	_ =	shalt  }
0x6f: {  	_ =	shalt  }
0x70: {  	_ =	shalt  }
0x71: {  	_ =	shalt  }
0x72: {  	_ =	shalt  }
0x73: {  	_ =	shalt  }
0x74: {  	_ =	shalt  }
0x75: {  	_ =	shalt  }
0x76: {  	_ =	shalt  }
0x77: {  	_ =	shalt  }
0x78: {  	_ =	shalt  }
0x79: {  	_ =	shalt  }
0x7a: {  	_ =	shalt  }
0x7b: {  	_ =	shalt  }
0x7c: {  	_ =	shalt  }
0x7d: {  	_ =	shalt  }
0x7e: {  	_ =	shalt  }
0x7f: {  	_ =	shalt  }
0x80: {  	_ =	shalt  }
0x81: {  	_ =	shalt  }
0x82: {  	_ =	shalt  }
0x83: {  	_ =	shalt  }
0x84: {  	_ =	shalt  }
0x85: {  	_ =	shalt  }
0x86: {  	_ =	shalt  }
0x87: {  	_ =	shalt  }
.Lfunc_end0:
.L_simem_size_0:
called_computation_lowered:
.L_overlay_start_0:
0x88: {  	s2 =	sld [smem:$0x3FD9]  }
0x89: {  	s3 =	sld [smem:$0x3FFE];
	_ =	sdelay $0x1  }
0x8a: {  	s1 =	srdreg.scid  }
0x8b: {  	s0 =	sand.u32 $0x1, s1  }
0x8c: {  	s17 =	sshll.u32 s0, $0xA;
	s2 =	sadd.s32 s3, s2  }
0x8d: {  	s2 =	sadd.s32 s2, s17  }
0x8e: {  	[smem:$0x3FC3] =	sst s2  }
0x8f: {  	_ = 	snop  }
0x90: {  	s2 =	sld [smem:$0x3FC8]  }
0x91: {  	s18 =	sld [smem:$0x3FC7]  }
0x92: {  	s4 =	sld [smem:$0x3FD0];
	(tm) =	ssettm $0x1  }
0x93: {  	s5 =	sld [smem:$0x3FFB];
	_ =	sdelay $0x3  }
0x94: {  	_ =	strace s5  }
0x95: {  	s5 =	sld [smem:$0x3FFC];
	_ =	sdelay $0x3  }
0x96: {  	_ =	strace s5  }
0x97: {  	s5 =	sld [smem:$0x3FFD];
	_ =	sdelay $0x3  }
0x98: {  	_ =	strace s5  }
0x99: {  	_ =	strace $0x8FFFFFFF  }
0x9a: {  	s19 =	sld [smem:$0x3FDB];
	_ =	sdelay $0x1  }
0x9b: {  	s6 =	simm.s32 $_scs_section_size  }
0x9c: {  	s7 =	simm.s32 $_size__tile_overlayer_lowered;
	s8 =	simm.s32 $_tile_overlayer_lowered  }
0x9d: {  	s22 =	simm.s32 $0x1BFF;
	s21 =	sshll.u32 s8, $0x1;
	s5 =	sadd.s32 s6, s19  }
0x9e: {  	s9 =	simm.s32 $0x0;
	s20 =	sshll.u32 s7, $0x1;
	s7 =	sadd.s32 s21, s5  }
0x9f: {  	[timem:s9], [sflag:s22] =	dma.local [hbm:s7], s20  }
0xa0: {  	_ =	swait.ge [sflag:s22], s20  }
0xa1: {  	s6 =	ssub.s32 $0x0, s20;
	[sflag:s22] =	ssyncset.done $0x0  }
0xa2: {  	[sflag:s22] =	ssyncadd.s32 s6;
	_ =	sdelay $0x1  }
0xa3: {  	s23 =	simm.s32 $0x1B8B  }
0xa4: {  	_ =	swait.ge [sflag:s23], $0x1  }
0xa5: {  	[sflag:s23] =	ssyncset.done $0x0  }
0xa6: {  	s25 =	simm.s32 $0x1B8E;
	s24 =	sld [smem:$0x3FFE];
	[sflag:s23] =	ssyncadd.s32 $0xFFFFFFFF  }
0xa7: {  	s26 =	simm.s32 $execute0_lowered;
	[smem:$0x3FD2] =	sst s25  }
0xa8: {  	s7 =	sshll.u32 s26, $0x1;
	_ =	strace $0x80000046;
	[dreg:$0x1] =	wrdreg $0xFFFFFFFF  }
0xa9: {  	s28 =	simm.s32 $_size_execute0_lowered;
	s5 =	sadd.s32 s5, s7;
	[dreg:$0x0] =	wrdreg $0x0  }
0xaa: {  	s7 =	sshll.u32 s28, $0x1;
	[dreg:$0x2] =	wrdreg s5  }
0xab: {  	[dreg:$0x3] =	wrdreg s7  }
0xac: {  	[dreg:$0x4] =	wrdreg $0xC0  }
0xad: {  	_ =	task [dreg:s9], $0x5FFFF  }
0xae: {  	[dreg:$0x1] =	wrdreg $0xFFFFFFFF  }
0xaf: {  	[dreg:$0x0] =	wrdreg $0x60  }
0xb0: {  	[dreg:$0x2] =	wrdreg s2  }
0xb1: {  	[dreg:$0x3] =	wrdreg s18  }
0xb2: {  	[dreg:$0x4] =	wrdreg s24  }
0xb3: {  	[dreg:$0x5] =	wrdreg s4  }
0xb4: {  	[dreg:$0x6] =	wrdreg $0x9  }
0xb5: {  	_ =	task.clear_ibuf [dreg:s9], $0x7FFFF;
	_ =	strace $0x90000046  }
0xb6: {  	s29 =	simm.s32 $0x9;
	_ =	strace $0x80000048  }
0xb7: {  	_ =	swait.ge [sflag:s29], $0x1  }
0xb8: {  	[sflag:s29] =	ssyncadd.s32 $0xFFFFFFFF  }
0xb9: {  	_ =	strace $0x90000048  }
0xba: {  	_ =	sfence  }
0xbb: {  	s30 =	sld [smem:$0x0];
	_ =	sdelay $0x2  }
0xbc: {  	s31 =	sshll.u32 s1, $0xD;
	s1 =	sshrl.u32 s1, $0x2  }
0xbd: {  	s3 =	sand.u32 $0x4000, s31;
	s1 =	sadd.s32 s1, s30  }
0xbe: {  	s0 =	sor.u32 s3, s0;
	s1 =	sshll.u32 s1, $0x11  }
0xbf: {  	s0 =	sor.u32 s1, s0  }
0xc0: {  	s0 =	sadd.s32 $0x8F2B, s0  }
0xc1: {  	[sflag:s0] =	ssyncadd.remote.s32 $0x1  }
0xc2: {  	_ =	sfence.sel $0xFFFF  }
0xc3: {  	[dreg:$0x0] =	wrdreg $0xFFFFFFFF;
	(pc) =	sbr.abs _section_cstart, $3  }
0xc4: {  	[dreg:$0x1] =	wrdreg $0xFFFFFFFF  }
0xc5: {  	_ =	task.clear_ibuf [dreg:s9], $0x2FFFF;
	_ =	strace $0x9FFFFFFF  }
0xc6: {  	(tm) =	ssettm $0x7FFFFFFF  }
0xc7: {  	_ =	shalt  }
tec
execute0_lowered:
.L_overlay_start_1:
0x0: {  	(tag) =	ssettag $0x1  }
0x1: {  	s0 =	srdreg.scid;
	s1 =	stileid.u32  }
0x2: {  	s0 =	sand.u32 $0x1, s0;
	s1 =	sshll.u32 s1, $0x1  }
0x3: {  	s1 =	sor.u32 s0, s1  }
0x4: {  	s4 =	smul.u32 $0x61B0, s1  }
0x5: {  	s2 =	rddreg [dreg:$0x0]  }
0x6: {  	s3 =	rddreg [dreg:$0x1];
	s4 =	smin.u32 s4, $0xBD300  }
0x7: {  	s5 =	rddreg [dreg:$0x2];
	s4 =	sshrl.u32 s4, $0x3  }
0x8: {  	s6 =	rddreg [dreg:$0x3];
	s1 =	simm.s32 $0x0;
	s18 =	sadd.s32 $0x188, s4  }
0x9: {  	s8 =	sadd.s32 $0x13E00, s5;
	[smem:$0x7FF] =	sst s1;
	s9 =	sadd.s32 s3, s18  }
0xa: {  	s20 =	sadd.s32 $0x310, s4;
	s19 =	sadd.s32 s2, s18;
	[dreg:$0x5] =	wrdreg s9  }
0xb: {  	s0 =	ssub.s32 $0x2, s0;
	s10 =	sadd.s32 s3, s20;
	[dreg:$0x6] =	wrdreg s19  }
0xc: {  	s7 =	sshrl.u32 s0, $0x1;
	s21 =	sadd.s32 s2, s20;
	[dreg:$0x7] =	wrdreg s10  }
0xd: {  	s7 =	ssub.s32 s0, s7;
	s11 =	sadd.s32 s6, s18;
	[dreg:$0x8] =	wrdreg s21  }
0xe: {  	s22 =	sadd.s32 $0x498, s4;
	s0 =	sadd.s32 s8, s18;
	[dreg:$0x9] =	wrdreg s11  }
0xf: {  	s23 =	sadd.s32 s3, s22;
	[dreg:$0xa] =	wrdreg s0  }
0x10: {  	s24 =	sadd.s32 s2, s22;
	[dreg:$0xb] =	wrdreg s23  }
0x11: {  	s26 =	sadd.s32 $0x620, s4;
	s25 =	sadd.s32 s6, s20;
	[dreg:$0xc] =	wrdreg s24  }
0x12: {  	s12 =	sadd.s32 s2, s26;
	[dreg:$0xd] =	wrdreg s25  }
0x13: {  	s13 =	sadd.s32 s6, s22;
	[dreg:$0x10] =	wrdreg s12  }
0x14: {  	s14 =	sadd.s32 s8, s22;
	[dreg:$0x11] =	wrdreg s13  }
0x15: {  	s15 =	sadd.s32 $0x7A8, s4;
	s16 =	sadd.s32 s6, s26;
	[dreg:$0x12] =	wrdreg s14  }
0x16: {  	s17 =	sadd.s32 s3, s15;
	[dreg:$0x13] =	wrdreg s16  }
0x17: {  	s18 =	sadd.s32 s2, s15;
	[dreg:$0x15] =	wrdreg s17  }
0x18: {  	s22 =	sadd.s32 s2, s4;
	s9 =	sadd.s32 s8, s20;
	[dreg:$0x16] =	wrdreg s18  }
0x19: {  	s11 =	sadd.s32 s3, s26;
	s0 =	sadd.s32 s8, s26;
	[dreg:$0x1a] =	wrdreg s22  }
0x1a: {  	s19 =	sadd.s32 s6, s15;
	s20 =	sadd.s32 s8, s15;
	[dreg:$0xe] =	wrdreg s9  }
0x1b: {  	s21 =	sadd.s32 s3, s4;
	s23 =	sadd.s32 s6, s4;
	[dreg:$0xf] =	wrdreg s11  }
0x1c: {  	s24 =	sadd.s32 s8, s4;
	s25 =	sadd.s32 $0x930, s4;
	[dreg:$0x14] =	wrdreg s0  }
0x1d: {  	s4 =	sadd.s32 $0xAB8, s4;
	s10 =	simm.s32 $0x5810;
	[dreg:$0x17] =	wrdreg s19  }
0x1e: {  	s12 =	simm.s32 $0x2710;
	s13 =	simm.s32 $0x4BD0;
	[dreg:$0x18] =	wrdreg s20  }
0x1f: {  	s14 =	simm.s32 $0x7CD0;
	s15 =	simm.s32 $0xC650;
	[dreg:$0x19] =	wrdreg s21  }
0x20: {  	s16 =	simm.s32 $0x3350;
	s17 =	simm.s32 $0x1;
	[dreg:$0x1b] =	wrdreg s23  }
0x21: {  	s18 =	simm.s32 $0xEB10;
	s22 =	simm.s32 $0x2;
	[dreg:$0x1c] =	wrdreg s24  }
0x22: {  	s26 =	sadd.s32 s3, s25;
	s28 =	sadd.s32 s3, s4;
	s30 =	sadd.s32 s2, s25  }
0x23: {  	s31 =	sadd.s32 s2, s4;
	s29 =	sadd.s32 s6, s25;
	s0 =	sadd.s32 s8, s25  }
0x24: {  	s2 =	sadd.s32 s6, s4;
	s3 =	sadd.s32 s8, s4;
	s4 =	sadd.s32 $0x1200, s5  }
0x25: {  	s5 =	sadd.s32 $0x1800, s5;
	s6 =	smax.u32 s7, $0x1;
	s7 =	simm.s32 $0x3  }
0x26: {  	s8 =	simm.s32 $0x3F90;
	s9 =	simm.s32 $0x24C0;
	s11 =	simm.s32 $0xA190  }
0x27: {  	s19 =	simm.s32 $0x10390;
	s20 =	simm.s32 $0xF750;
	[dreg:$0x1d] =	wrdreg s26  }
0x28: {  	s21 =	simm.s32 $0x10FD0;
	s23 =	simm.s32 $0x0;
	_ =	strace $0x80000047  }
.LBB2_1:
0x29: {  	[tilespmem:s1], [sflag:$0x3] =	stream.linear.gather [hbm4b:s4+s1], $0x2710, $0x38;
	[tilespmem:$0x11C10] =	vst v63  }
0x2a: {  	_ =	swait.ge [sflag:s7], $0x2710  }
0x2b: {  	[sflag:s7] =	ssyncset.done $0x0  }
0x2c: {  	s24 =	rddreg [dreg:$0x19];
	[sflag:s7] =	ssyncadd.s32 $0xFFFFD8F0  }
0x2d: {  	[tilespmem:s8], [sflag:$0x3] =	stream.linear.gather [hbm4b:s24+s1], $0xC40, $0x38;
	[tilespmem:$0x11C10] =	vst v63  }
0x2e: {  	_ =	swait.ge [sflag:s7], $0xC40  }
0x2f: {  	[sflag:s7] =	ssyncset.done $0x0  }
0x30: {  	s24 =	simm.s32 $0x0;
	[sflag:s7] =	ssyncadd.s32 $0xFFFFF3C0  }
0x31: {  	v0 =	vld [tilespmem:s24+$0x3F90]  }
0x32: {  	s25 =	simm.s32 $0x40  }
.LBB2_2:
0x33: {  	p0 =	sne.s32 s25, $0x30C0  }
.Ltmp0:
0x34: {  	_ = 	snop;
	(pc) =	sbr.rel @p0 .LBB2_2-.Ltmp0, $4  }
0x35: {  	_ = 	snop  }
0x36: {  	s26 =	sshra.s32 s25, $0x2;
	s25 =	sadd.s32 $0x40, s25;
	[tilespmem:s24+$0x5810] =	vst v0;
	v1 =	vadd.s32 $0x30D40, v0;
	v2 =	vadd.s32 $0x61A80, v0  }
0x37: {  	v0 =	vld [tilespmem:s26+$0x3F90];
	[tilespmem:s24+$0x7090] =	vst v2  }
0x38: {  	[tilespmem:s24+$0x6450] =	vst v1;
	s24 =	smov.u32 s26  }
0x39: {  	_ =	sdelay $0x2  }
0x3a: {  	[tilespmem:s24+$0x5810] =	vst v0;
	v1 =	vadd.s32 $0x61A80, v0  }
0x3b: {  	v0 =	vadd.s32 $0x30D40, v0;
	[tilespmem:s24+$0x7090] =	vst v1  }
0x3c: {  	[tilespmem:s24+$0x6450] =	vst v0  }
0x3d: {  	[tilespmem:s11], [sflag:$0x1] =	stream.indirect.gather [hbm4b:s5+s9], $0x1, s10, s9, $0xb8;
	[tilespmem:$0x11C10] =	vst v63  }
0x3e: {  	s25 =	rddreg [dreg:$0x1a];
	s24 =	simm.s32 $0x0  }
0x3f: {  	[tilespmem:s12], [sflag:$0x3] =	stream.linear.gather [hbm4b:s25+s24], $0xC40, $0x38;
	[tilespmem:$0x11C10] =	vst v63  }
0x40: {  	_ =	swait.ge [sflag:s7], $0xC40  }
0x41: {  	[sflag:s7] =	ssyncset.done $0x0  }
0x42: {  	s26 =	rddreg [dreg:$0x5];
	[sflag:s7] =	ssyncadd.s32 $0xFFFFF3C0  }
0x43: {  	[tilespmem:s13], [sflag:$0x3] =	stream.linear.gather [hbm4b:s26+s24], $0xC40, $0x38;
	[tilespmem:$0x11C10] =	vst v63  }
0x44: {  	_ =	swait.ge [sflag:s7], $0xC40  }
0x45: {  	[sflag:s7] =	ssyncset.done $0x0  }
0x46: {  	s24 =	simm.s32 $0x0;
	[sflag:s7] =	ssyncadd.s32 $0xFFFFF3C0  }
0x47: {  	v0 =	vld [tilespmem:s24+$0x4BD0]  }
0x48: {  	s25 =	simm.s32 $0x40  }
.LBB2_4:
0x49: {  	p0 =	sne.s32 s25, $0x30C0  }
.Ltmp1:
0x4a: {  	_ = 	snop;
	(pc) =	sbr.rel @p0 .LBB2_4-.Ltmp1, $4  }
0x4b: {  	_ = 	snop  }
0x4c: {  	s26 =	sshra.s32 s25, $0x2;
	s25 =	sadd.s32 $0x40, s25;
	[tilespmem:s24+$0x7CD0] =	vst v0;
	v1 =	vadd.s32 $0x30D40, v0;
	v2 =	vadd.s32 $0x61A80, v0  }
0x4d: {  	v0 =	vld [tilespmem:s26+$0x4BD0];
	[tilespmem:s24+$0x9550] =	vst v2  }
0x4e: {  	[tilespmem:s24+$0x8910] =	vst v1;
	s24 =	smov.u32 s26  }
0x4f: {  	_ =	sdelay $0x2  }
0x50: {  	[tilespmem:s24+$0x7CD0] =	vst v0;
	v1 =	vadd.s32 $0x61A80, v0  }
0x51: {  	v0 =	vadd.s32 $0x30D40, v0;
	[tilespmem:s24+$0x9550] =	vst v1  }
0x52: {  	[tilespmem:s24+$0x8910] =	vst v0  }
0x53: {  	[tilespmem:s15], [sflag:$0x1] =	stream.indirect.gather [hbm4b:s5+s9], $0x1, s14, s9, $0xb8;
	[tilespmem:$0x11C10] =	vst v63  }
0x54: {  	s26 =	simm.s32 $0x0;
	s25 =	rddreg [dreg:$0x6]  }
0x55: {  	[tilespmem:s16], [sflag:$0x3] =	stream.linear.gather [hbm4b:s25+s26], $0xC40, $0x38;
	[tilespmem:$0x11C10] =	vst v63  }
0x56: {  	_ =	swait.ge [sflag:s7], $0xC40  }
0x57: {  	[sflag:s7] =	ssyncset.done $0x0  }
0x58: {  	[sflag:s7] =	ssyncadd.s32 $0xFFFFF3C0  }
0x59: {  	_ =	swait.ge [sflag:s17], $0x24C0  }
0x5a: {  	[sflag:s17] =	ssyncset.done $0x0  }
0x5b: {  	s24 =	simm.s32 $0x0;
	[sflag:s17] =	ssyncadd.s32 $0xFFFFDB40  }
0x5c: {  	v0 =	vld [tilespmem:s24+$0x2710];
	_ =	sdelay $0x4  }
0x5d: {  	v0 =	vmul.u32 $0xA, v0;
	_ =	sdelay $0x1  }
0x5e: {  	v1 =	vor.u32 $0x1, v0;
	_ =	sdelay $0x1  }
0x5f: {  	v2 =	vadd.s32 $0x2, v0;
	_ =	sdelay $0x1  }
0x60: {  	v3 =	vadd.s32 $0x3, v0;
	v4 =	vld.idx.msk [tilespmem:v0+s1+$0x0], $0xffff  }
0x61: {  	v1 =	vld.idx.msk [tilespmem:v1+s1+$0x0], $0xffff;
	_ =	sdelay $0x1  }
0x62: {  	v2 =	vld.idx.msk [tilespmem:v2+s1+$0x0], $0xffff;
	_ =	sdelay $0x1  }
0x63: {  	v3 =	vld.idx.msk [tilespmem:v3+s1+$0x0], $0xffff  }
0x64: {  	v5 =	vmul.f32 v4, v4;
	v6 =	vmul.f32 v1, v1;
	_ =	sdelay $0x1  }
0x65: {  	v5 =	vadd.f32 v6, v5;
	v6 =	vmul.f32 v2, v2  }
0x66: {  	v8 =	vld [tilespmem:s24+$0xBA10]  }
0x67: {  	v9 =	vld [tilespmem:s24+$0xA190];
	v5 =	vadd.f32 v6, v5;
	v6 =	vmul.f32 v3, v3  }
0x68: {  	v7 =	vld [tilespmem:s24+$0xADD0]  }
0x69: {  	v5 =	vadd.f32 v6, v5;
	_ =	sdelay $0x1  }
0x6a: {  	(erf) = vrcp.f32 v5  }
0x6b: {  	v10 =	vmul.f32 v9, v3;
	v11 =	vmul.f32 v8, v1  }
0x6c: {  	v6 =	vmul.f32 v7, v3;
	v5 =	vmul.f32 v8, v2  }
0x6d: {  	v58 =	vmul.f32 v7, v4  }
0x6e: {  	v10 =	vsub.f32 v10, v11;
	v5 =	vsub.f32 v5, v6;
	v6 =	vmul.f32 v9, v4;
	_ =	sdelay $0x1  }
0x6f: {  	v12 =	vadd.s32 $0x6, v0;
	v5 =	vadd.f32 v5, v6;
	v6 =	vadd.f32 v10, v58;
	_ =	sdelay $0x1  }
0x70: {  	v10 =	vmul.f32 v6, v1;
	v59 =	vmul.f32 v5, v2  }
0x71: {  	v13 =	vpop (erf)  }
0x72: {  	v10 =	vsub.f32 v10, v59;
	v13 =	vadd.f32 v13, v13  }
0x73: {  	v60 =	vld.idx.msk [tilespmem:v12+s1+$0x0], $0xffff;
	v61 =	vmul.f32 v7, v1;
	v14 =	vmul.f32 v9, v2  }
0x74: {  	v10 =	vmul.f32 v10, v13  }
0x75: {  	v12 =	vsub.f32 v61, v14;
	v4 =	vmul.f32 v8, v4  }
0x76: {  	v8 =	vadd.f32 v10, v8  }
0x77: {  	v4 =	vadd.f32 v4, v12  }
0x78: {  	v62 =	vadd.s32 $0x4, v0;
	v8 =	vadd.f32 v8, v60  }
0x79: {  	v63 =	vadd.s32 $0x5, v0;
	v2 =	vmul.f32 v4, v2  }
0x7a: {  	v6 =	vmul.f32 v6, v3;
	(erf) = vrcp.f32 v8  }
0x7b: {  	v3 =	vmul.f32 v5, v3;
	v1 =	vmul.f32 v4, v1;
	_ =	sdelay $0x1  }
0x7c: {  	v4 =	vld.idx.msk [tilespmem:v62+s1+$0x0], $0xffff;
	v2 =	vsub.f32 v2, v6;
	v1 =	vsub.f32 v3, v1  }
0x7d: {  	v3 =	vld.idx.msk [tilespmem:v63+s1+$0x0], $0xffff  }
0x7e: {  	v2 =	vmul.f32 v2, v13;
	v1 =	vmul.f32 v1, v13;
	_ =	sdelay $0x1  }
0x7f: {  	v5 =	vadd.s32 $0x8, v0;
	v2 =	vadd.f32 v2, v9;
	v1 =	vadd.f32 v1, v7;
	_ =	sdelay $0x1  }
0x80: {  	v2 =	vadd.f32 v2, v4;
	v1 =	vadd.f32 v1, v3;
	v4 =	vadd.s32 $0x9, v0;
	v3 =	vpop (erf)  }
0x81: {  	v3 =	vxor.u32 $0x80000000, v3  }
0x82: {  	v0 =	vadd.s32 $0x7, v0;
	v2 =	vmul.f32 v3, v2;
	v3 =	vmul.f32 v3, v1  }
0x83: {  	v5 =	vld.idx.msk [tilespmem:v5+s1+$0x0], $0xffff  }
0x84: {  	v6 =	vmul.f32 v2, v2;
	v7 =	vmul.f32 v3, v3  }
0x85: {  	v1 =	vld.idx.msk [tilespmem:v4+s1+$0x0], $0xffff  }
0x86: {  	v6 =	vadd.f32 v7, v6  }
0x87: {  	s26 =	simm.s32 $0x10;
	v0 =	vld.idx.msk [tilespmem:v0+s1+$0x0], $0xffff  }
0x88: {  	s25 =	simm.s32 $0x80;
	v4 =	vld [tilespmem:s26+$0x2710];
	v5 =	vmul.f32 v6, v5;
	v6 =	vmul.f32 v6, v6  }
.LBB2_6:
0x89: {  	p0 =	sne.s32 s25, $0x30C0  }
0x8a: {  	v5 =	vadd.f32 $1.000000000e+00, v5;
	v1 =	vmul.f32 v6, v1;
	_ =	sdelay $0x1  }
0x8b: {  	v1 =	vadd.f32 v1, v5  }
0x8c: {  	v4 =	vmul.u32 $0xA, v4  }
0x8d: {  	v0 =	vmul.f32 v1, v0  }
0x8e: {  	v1 =	vor.u32 $0x1, v4  }
0x8f: {  	v2 =	vmul.f32 v0, v2;
	v0 =	vmul.f32 v0, v3  }
0x90: {  	v3 =	vadd.s32 $0x2, v4  }
0x91: {  	v5 =	vadd.s32 $0x3, v4;
	[tilespmem:s24+$0x10390] =	vst v0  }
0x92: {  	v0 =	vadd.s32 $0x6, v4;
	[tilespmem:s24+$0xEB10] =	vst v2;
	s24 =	smov.u32 s26  }
0x93: {  	v2 =	vld.idx.msk [tilespmem:v1+s1+$0x0], $0xffff;
	v1 =	vadd.s32 $0x4, v4  }
0x94: {  	v7 =	vadd.s32 $0x5, v4;
	v6 =	vld.idx.msk [tilespmem:v4+s1+$0x0], $0xffff  }
0x95: {  	v8 =	vadd.s32 $0x8, v4;
	v3 =	vld.idx.msk [tilespmem:v3+s1+$0x0], $0xffff  }
0x96: {  	v9 =	vadd.s32 $0x9, v4;
	v5 =	vld.idx.msk [tilespmem:v5+s1+$0x0], $0xffff  }
0x97: {  	v10 =	vld.idx.msk [tilespmem:v0+s1+$0x0], $0xffff;
	v0 =	vadd.s32 $0x7, v4  }
0x98: {  	v4 =	vld.idx.msk [tilespmem:v1+s1+$0x0], $0xffff  }
0x99: {  	v7 =	vld.idx.msk [tilespmem:v7+s1+$0x0], $0xffff  }
0x9a: {  	v12 =	vmul.f32 v2, v2;
	v11 =	vmul.f32 v6, v6;
	v8 =	vld.idx.msk [tilespmem:v8+s1+$0x0], $0xffff  }
0x9b: {  	v1 =	vld.idx.msk [tilespmem:v9+s1+$0x0], $0xffff  }
0x9c: {  	v9 =	vadd.f32 v12, v11;
	v11 =	vmul.f32 v3, v3;
	v0 =	vld.idx.msk [tilespmem:v0+s1+$0x0], $0xffff  }
0x9d: {  	v12 =	vld [tilespmem:s24+$0xADD0]  }
0x9e: {  	v9 =	vadd.f32 v11, v9;
	v11 =	vmul.f32 v5, v5;
	v13 =	vld [tilespmem:s24+$0xBA10]  }
0x9f: {  	v14 =	vld [tilespmem:s24+$0xA190]  }
0xa0: {  	v9 =	vadd.f32 v11, v9;
	_ =	sdelay $0x1  }
0xa1: {  	(erf) = vrcp.f32 v9  }
0xa2: {  	v11 =	vmul.f32 v12, v5;
	v9 =	vmul.f32 v13, v3  }
0xa3: {  	v16 =	vmul.f32 v13, v2;
	v15 =	vmul.f32 v14, v5  }
0xa4: {  	v9 =	vsub.f32 v9, v11  }
0xa5: {  	v11 =	vmul.f32 v14, v6;
	v15 =	vsub.f32 v15, v16;
	v16 =	vmul.f32 v12, v6;
	_ =	sdelay $0x1  }
0xa6: {  	v9 =	vadd.f32 v9, v11;
	v11 =	vadd.f32 v15, v16;
	_ =	sdelay $0x1  }
0xa7: {  	v16 =	vmul.f32 v9, v3;
	v15 =	vmul.f32 v11, v2  }
0xa8: {  	v17 =	vpop (erf)  }
0xa9: {  	v17 =	vadd.f32 v17, v17;
	v15 =	vsub.f32 v15, v16  }
0xaa: {  	v18 =	vmul.f32 v14, v3;
	v16 =	vmul.f32 v12, v2  }
0xab: {  	v15 =	vmul.f32 v15, v17  }
0xac: {  	v6 =	vmul.f32 v13, v6;
	v16 =	vsub.f32 v16, v18  }
0xad: {  	v13 =	vadd.f32 v15, v13  }
0xae: {  	v6 =	vadd.f32 v6, v16  }
0xaf: {  	v10 =	vadd.f32 v13, v10  }
0xb0: {  	v3 =	vmul.f32 v6, v3  }
0xb1: {  	v11 =	vmul.f32 v11, v5;
	(erf) = vrcp.f32 v10  }
0xb2: {  	v5 =	vmul.f32 v9, v5;
	v2 =	vmul.f32 v6, v2;
	_ =	sdelay $0x1  }
0xb3: {  	v3 =	vsub.f32 v3, v11;
	v2 =	vsub.f32 v5, v2;
	_ =	sdelay $0x1  }
0xb4: {  	v3 =	vmul.f32 v3, v17;
	v2 =	vmul.f32 v2, v17;
	_ =	sdelay $0x1  }
0xb5: {  	v3 =	vadd.f32 v3, v14;
	v5 =	vadd.f32 v2, v12;
	_ =	sdelay $0x1  }
0xb6: {  	v3 =	vadd.f32 v3, v4;
	v4 =	vadd.f32 v5, v7;
	v2 =	vpop (erf)  }
0xb7: {  	v5 =	vxor.u32 $0x80000000, v2  }
0xb8: {  	v2 =	vmul.f32 v5, v3;
	v3 =	vmul.f32 v5, v4;
	_ =	sdelay $0x1  }
.Ltmp2:
0xb9: {  	v4 =	vmul.f32 v2, v2;
	v5 =	vmul.f32 v3, v3;
	(pc) =	sbr.rel @p0 .LBB2_6-.Ltmp2, $4  }
0xba: {  	_ = 	snop  }
0xbb: {  	v6 =	vadd.f32 v5, v4  }
0xbc: {  	s26 =	sshra.s32 s25, $0x2  }
0xbd: {  	s25 =	sadd.s32 $0x40, s25;
	v4 =	vld [tilespmem:s26+$0x2710];
	v5 =	vmul.f32 v6, v8;
	v6 =	vmul.f32 v6, v6  }
0xbe: {  	_ = 	snop  }
0xbf: {  	v5 =	vadd.f32 $1.000000000e+00, v5;
	v1 =	vmul.f32 v6, v1;
	_ =	sdelay $0x1  }
0xc0: {  	v1 =	vadd.f32 v1, v5;
	_ =	sdelay $0x1  }
0xc1: {  	v4 =	vmul.u32 $0xA, v4;
	v0 =	vmul.f32 v1, v0;
	_ =	sdelay $0x1  }
0xc2: {  	v1 =	vor.u32 $0x1, v4;
	v3 =	vmul.f32 v0, v3  }
0xc3: {  	v0 =	vmul.f32 v0, v2  }
0xc4: {  	v2 =	vadd.s32 $0x2, v4;
	[tilespmem:s24+$0x10390] =	vst v3  }
0xc5: {  	[tilespmem:s24+$0xEB10] =	vst v0  }
0xc6: {  	v0 =	vadd.s32 $0x3, v4;
	v3 =	vld.idx.msk [tilespmem:v4+s1+$0x0], $0xffff  }
0xc7: {  	v1 =	vld.idx.msk [tilespmem:v1+s1+$0x0], $0xffff;
	_ =	sdelay $0x1  }
0xc8: {  	v2 =	vld.idx.msk [tilespmem:v2+s1+$0x0], $0xffff;
	_ =	sdelay $0x1  }
0xc9: {  	v0 =	vld.idx.msk [tilespmem:v0+s1+$0x0], $0xffff  }
0xca: {  	v46 =	vmul.f32 v3, v3;
	v47 =	vmul.f32 v1, v1;
	_ =	sdelay $0x1  }
0xcb: {  	v48 =	vmul.f32 v2, v2;
	v5 =	vadd.f32 v47, v46  }
0xcc: {  	v7 =	vld [tilespmem:s26+$0xADD0]  }
0xcd: {  	v8 =	vld [tilespmem:s26+$0xBA10];
	v49 =	vmul.f32 v0, v0;
	v5 =	vadd.f32 v48, v5  }
0xce: {  	v9 =	vld [tilespmem:s26+$0xA190]  }
0xcf: {  	v5 =	vadd.f32 v49, v5;
	_ =	sdelay $0x1  }
0xd0: {  	(erf) = vrcp.f32 v5  }
0xd1: {  	v11 =	vmul.f32 v8, v1;
	v50 =	vmul.f32 v8, v2  }
0xd2: {  	v51 =	vmul.f32 v7, v0;
	v10 =	vmul.f32 v9, v0  }
0xd3: {  	v52 =	vmul.f32 v9, v3  }
0xd4: {  	v53 =	vmul.f32 v7, v3;
	v10 =	vsub.f32 v10, v11;
	v5 =	vsub.f32 v50, v51;
	_ =	sdelay $0x1  }
0xd5: {  	v12 =	vadd.s32 $0x6, v4;
	v54 =	vadd.f32 v10, v53;
	v5 =	vadd.f32 v5, v52;
	_ =	sdelay $0x1  }
0xd6: {  	v10 =	vmul.f32 v54, v1;
	v55 =	vmul.f32 v5, v2  }
0xd7: {  	v13 =	vpop (erf)  }
0xd8: {  	v10 =	vsub.f32 v10, v55;
	v13 =	vadd.f32 v13, v13  }
0xd9: {  	v56 =	vld.idx.msk [tilespmem:v12+s1+$0x0], $0xffff;
	v57 =	vmul.f32 v7, v1  }
0xda: {  	v14 =	vmul.f32 v9, v2;
	v10 =	vmul.f32 v10, v13;
	_ =	sdelay $0x1  }
0xdb: {  	v3 =	vmul.f32 v8, v3;
	v12 =	vsub.f32 v57, v14;
	v8 =	vadd.f32 v10, v8;
	_ =	sdelay $0x1  }
0xdc: {  	v58 =	vadd.s32 $0x4, v4;
	v3 =	vadd.f32 v3, v12;
	v8 =	vadd.f32 v8, v56  }
0xdd: {  	v59 =	vadd.s32 $0x5, v4;
	v6 =	vmul.f32 v54, v0  }
0xde: {  	v1 =	vmul.f32 v3, v1;
	(erf) = vrcp.f32 v8  }
0xdf: {  	v2 =	vmul.f32 v3, v2;
	v0 =	vmul.f32 v5, v0;
	_ =	sdelay $0x1  }
0xe0: {  	v3 =	vld.idx.msk [tilespmem:v58+s1+$0x0], $0xffff;
	v2 =	vsub.f32 v2, v6;
	v0 =	vsub.f32 v0, v1  }
0xe1: {  	v1 =	vld.idx.msk [tilespmem:v59+s1+$0x0], $0xffff  }
0xe2: {  	v2 =	vmul.f32 v2, v13;
	v0 =	vmul.f32 v0, v13;
	_ =	sdelay $0x1  }
0xe3: {  	v60 =	vadd.s32 $0x8, v4;
	v2 =	vadd.f32 v2, v9;
	v0 =	vadd.f32 v0, v7;
	_ =	sdelay $0x1  }
0xe4: {  	v61 =	vadd.s32 $0x9, v4;
	v2 =	vadd.f32 v2, v3;
	v0 =	vadd.f32 v0, v1;
	v1 =	vpop (erf)  }
0xe5: {  	v1 =	vxor.u32 $0x80000000, v1  }
0xe6: {  	v2 =	vmul.f32 v1, v2;
	v0 =	vmul.f32 v1, v0  }
0xe7: {  	v1 =	vld.idx.msk [tilespmem:v60+s1+$0x0], $0xffff  }
0xe8: {  	v3 =	vadd.s32 $0x7, v4;
	v62 =	vmul.f32 v2, v2;
	v63 =	vmul.f32 v0, v0  }
0xe9: {  	v6 =	vld.idx.msk [tilespmem:v61+s1+$0x0], $0xffff  }
0xea: {  	v4 =	vadd.f32 v63, v62;
	_ =	sdelay $0x1  }
0xeb: {  	v1 =	vmul.f32 v4, v1;
	v4 =	vmul.f32 v4, v4  }
0xec: {  	v3 =	vld.idx.msk [tilespmem:v3+s1+$0x0], $0xffff  }
0xed: {  	v1 =	vadd.f32 $1.000000000e+00, v1;
	v4 =	vmul.f32 v4, v6;
	_ =	sdelay $0x1  }
0xee: {  	v1 =	vadd.f32 v4, v1;
	_ =	sdelay $0x1  }
0xef: {  	v1 =	vmul.f32 v1, v3;
	_ =	sdelay $0x1  }
0xf0: {  	v0 =	vmul.f32 v1, v0  }
0xf1: {  	v1 =	vmul.f32 v1, v2  }
0xf2: {  	[tilespmem:s26+$0x10390] =	vst v0  }
0xf3: {  	s25 =	rddreg [dreg:$0x1b];
	s24 =	simm.s32 $0x0;
	[tilespmem:s26+$0xEB10] =	vst v1  }
0xf4: {  	[hbm4b:s25+s24] =	stream.linear.scatter [tilespmem:s18], [sflag:$0x2], $0xC40, $0x38;
	[tilespmem:$0x11C10] =	vst v63  }
0xf5: {  	s26 =	rddreg [dreg:$0x1c]  }
0xf6: {  	[hbm4b:s26+s24] =	stream.linear.scatter [tilespmem:s19], [sflag:$0x2], $0xC40, $0x38;
	[tilespmem:$0x11C10] =	vst v63  }
0xf7: {  	s26 =	rddreg [dreg:$0x7]  }
0xf8: {  	[tilespmem:s8], [sflag:$0x3] =	stream.linear.gather [hbm4b:s26+s24], $0xC40, $0x38;
	[tilespmem:$0x11C10] =	vst v63  }
0xf9: {  	_ =	swait.ge [sflag:s7], $0xC40  }
0xfa: {  	[sflag:s7] =	ssyncset.done $0x0  }
0xfb: {  	s24 =	simm.s32 $0x0;
	[sflag:s7] =	ssyncadd.s32 $0xFFFFF3C0  }
0xfc: {  	v0 =	vld [tilespmem:s24+$0x3F90]  }
0xfd: {  	s25 =	simm.s32 $0x40  }
.LBB2_8:
0xfe: {  	p0 =	sne.s32 s25, $0x30C0  }
.Ltmp3:
0xff: {  	_ = 	snop;
	(pc) =	sbr.rel @p0 .LBB2_8-.Ltmp3, $4  }
0x100: {  	_ = 	snop  }
0x101: {  	s26 =	sshra.s32 s25, $0x2;
	s25 =	sadd.s32 $0x40, s25;
	[tilespmem:s24+$0x5810] =	vst v0;
	v1 =	vadd.s32 $0x30D40, v0;
	v2 =	vadd.s32 $0x61A80, v0  }
0x102: {  	v0 =	vld [tilespmem:s26+$0x3F90];
	[tilespmem:s24+$0x7090] =	vst v2  }
0x103: {  	[tilespmem:s24+$0x6450] =	vst v1;
	s24 =	smov.u32 s26  }
0x104: {  	_ =	sdelay $0x2  }
0x105: {  	[tilespmem:s24+$0x5810] =	vst v0;
	v1 =	vadd.s32 $0x61A80, v0  }
0x106: {  	v0 =	vadd.s32 $0x30D40, v0;
	[tilespmem:s24+$0x7090] =	vst v1  }
0x107: {  	[tilespmem:s24+$0x6450] =	vst v0  }
0x108: {  	[tilespmem:s11], [sflag:$0x1] =	stream.indirect.gather [hbm4b:s5+s9], $0x1, s10, s9, $0xb8;
	[tilespmem:$0x11C10] =	vst v63  }
0x109: {  	s26 =	simm.s32 $0x0;
	s25 =	rddreg [dreg:$0x8]  }
0x10a: {  	[tilespmem:s12], [sflag:$0x3] =	stream.linear.gather [hbm4b:s25+s26], $0xC40, $0x38;
	[tilespmem:$0x11C10] =	vst v63  }
0x10b: {  	_ =	swait.ge [sflag:s7], $0xC40  }
0x10c: {  	[sflag:s7] =	ssyncset.done $0x0  }
0x10d: {  	[sflag:s7] =	ssyncadd.s32 $0xFFFFF3C0  }
0x10e: {  	_ =	swait.ge [sflag:s17], $0x24C0  }
0x10f: {  	[sflag:s17] =	ssyncset.done $0x0  }
0x110: {  	s24 =	simm.s32 $0x0;
	[sflag:s17] =	ssyncadd.s32 $0xFFFFDB40  }
0x111: {  	v0 =	vld [tilespmem:s24+$0x3350];
	_ =	sdelay $0x4  }
0x112: {  	v0 =	vmul.u32 $0xA, v0;
	_ =	sdelay $0x1  }
0x113: {  	v1 =	vor.u32 $0x1, v0;
	_ =	sdelay $0x1  }
0x114: {  	v2 =	vadd.s32 $0x2, v0;
	_ =	sdelay $0x1  }
0x115: {  	v3 =	vadd.s32 $0x3, v0;
	v4 =	vld.idx.msk [tilespmem:v0+s1+$0x0], $0xffff  }
0x116: {  	v1 =	vld.idx.msk [tilespmem:v1+s1+$0x0], $0xffff;
	_ =	sdelay $0x1  }
0x117: {  	v2 =	vld.idx.msk [tilespmem:v2+s1+$0x0], $0xffff;
	_ =	sdelay $0x1  }
0x118: {  	v3 =	vld.idx.msk [tilespmem:v3+s1+$0x0], $0xffff  }
0x119: {  	v5 =	vmul.f32 v4, v4;
	v6 =	vmul.f32 v1, v1;
	_ =	sdelay $0x1  }
0x11a: {  	v5 =	vadd.f32 v6, v5;
	v6 =	vmul.f32 v2, v2  }
0x11b: {  	v8 =	vld [tilespmem:s24+$0xDED0]  }
0x11c: {  	v9 =	vld [tilespmem:s24+$0xC650];
	v5 =	vadd.f32 v6, v5;
	v6 =	vmul.f32 v3, v3  }
0x11d: {  	v7 =	vld [tilespmem:s24+$0xD290]  }
0x11e: {  	v5 =	vadd.f32 v6, v5;
	_ =	sdelay $0x1  }
0x11f: {  	(erf) = vrcp.f32 v5  }
0x120: {  	v10 =	vmul.f32 v9, v3;
	v11 =	vmul.f32 v8, v1  }
0x121: {  	v6 =	vmul.f32 v7, v3;
	v5 =	vmul.f32 v8, v2  }
0x122: {  	v58 =	vmul.f32 v7, v4  }
0x123: {  	v10 =	vsub.f32 v10, v11;
	v5 =	vsub.f32 v5, v6;
	v6 =	vmul.f32 v9, v4;
	_ =	sdelay $0x1  }
0x124: {  	v12 =	vadd.s32 $0x6, v0;
	v5 =	vadd.f32 v5, v6;
	v6 =	vadd.f32 v10, v58;
	_ =	sdelay $0x1  }
0x125: {  	v10 =	vmul.f32 v6, v1;
	v59 =	vmul.f32 v5, v2  }
0x126: {  	v13 =	vpop (erf)  }
0x127: {  	v10 =	vsub.f32 v10, v59;
	v13 =	vadd.f32 v13, v13  }
0x128: {  	v60 =	vld.idx.msk [tilespmem:v12+s1+$0x0], $0xffff;
	v61 =	vmul.f32 v7, v1;
	v14 =	vmul.f32 v9, v2  }
0x129: {  	v10 =	vmul.f32 v10, v13  }
0x12a: {  	v12 =	vsub.f32 v61, v14;
	v4 =	vmul.f32 v8, v4  }
0x12b: {  	v8 =	vadd.f32 v10, v8  }
0x12c: {  	v4 =	vadd.f32 v4, v12  }
0x12d: {  	v62 =	vadd.s32 $0x4, v0;
	v8 =	vadd.f32 v8, v60  }
0x12e: {  	v63 =	vadd.s32 $0x5, v0;
	v2 =	vmul.f32 v4, v2  }
0x12f: {  	v6 =	vmul.f32 v6, v3;
	(erf) = vrcp.f32 v8  }
0x130: {  	v3 =	vmul.f32 v5, v3;
	v1 =	vmul.f32 v4, v1;
	_ =	sdelay $0x1  }
0x131: {  	v4 =	vld.idx.msk [tilespmem:v62+s1+$0x0], $0xffff;
	v2 =	vsub.f32 v2, v6;
	v1 =	vsub.f32 v3, v1  }
0x132: {  	v3 =	vld.idx.msk [tilespmem:v63+s1+$0x0], $0xffff  }
0x133: {  	v2 =	vmul.f32 v2, v13;
	v1 =	vmul.f32 v1, v13;
	_ =	sdelay $0x1  }
0x134: {  	v5 =	vadd.s32 $0x8, v0;
	v2 =	vadd.f32 v2, v9;
	v1 =	vadd.f32 v1, v7;
	_ =	sdelay $0x1  }
0x135: {  	v2 =	vadd.f32 v2, v4;
	v1 =	vadd.f32 v1, v3;
	v4 =	vadd.s32 $0x9, v0;
	v3 =	vpop (erf)  }
0x136: {  	v3 =	vxor.u32 $0x80000000, v3  }
0x137: {  	v0 =	vadd.s32 $0x7, v0;
	v2 =	vmul.f32 v3, v2;
	v3 =	vmul.f32 v3, v1  }
0x138: {  	v5 =	vld.idx.msk [tilespmem:v5+s1+$0x0], $0xffff  }
0x139: {  	v6 =	vmul.f32 v2, v2;
	v7 =	vmul.f32 v3, v3  }
0x13a: {  	v1 =	vld.idx.msk [tilespmem:v4+s1+$0x0], $0xffff  }
0x13b: {  	v6 =	vadd.f32 v7, v6  }
0x13c: {  	s26 =	simm.s32 $0x10;
	v0 =	vld.idx.msk [tilespmem:v0+s1+$0x0], $0xffff  }
0x13d: {  	s25 =	simm.s32 $0x80;
	v4 =	vld [tilespmem:s26+$0x3350];
	v5 =	vmul.f32 v6, v5;
	v6 =	vmul.f32 v6, v6  }
.LBB2_10:
0x13e: {  	p0 =	sne.s32 s25, $0x30C0  }
0x13f: {  	v5 =	vadd.f32 $1.000000000e+00, v5;
	v1 =	vmul.f32 v6, v1;
	_ =	sdelay $0x1  }
0x140: {  	v1 =	vadd.f32 v1, v5  }
0x141: {  	v4 =	vmul.u32 $0xA, v4  }
0x142: {  	v0 =	vmul.f32 v1, v0  }
0x143: {  	v1 =	vor.u32 $0x1, v4  }
0x144: {  	v2 =	vmul.f32 v0, v2;
	v0 =	vmul.f32 v0, v3  }
0x145: {  	v3 =	vadd.s32 $0x2, v4  }
0x146: {  	v5 =	vadd.s32 $0x3, v4;
	[tilespmem:s24+$0x10FD0] =	vst v0  }
0x147: {  	v0 =	vadd.s32 $0x6, v4;
	[tilespmem:s24+$0xF750] =	vst v2;
	s24 =	smov.u32 s26  }
0x148: {  	v2 =	vld.idx.msk [tilespmem:v1+s1+$0x0], $0xffff;
	v1 =	vadd.s32 $0x4, v4  }
0x149: {  	v7 =	vadd.s32 $0x5, v4;
	v6 =	vld.idx.msk [tilespmem:v4+s1+$0x0], $0xffff  }
0x14a: {  	v8 =	vadd.s32 $0x8, v4;
	v3 =	vld.idx.msk [tilespmem:v3+s1+$0x0], $0xffff  }
0x14b: {  	v9 =	vadd.s32 $0x9, v4;
	v5 =	vld.idx.msk [tilespmem:v5+s1+$0x0], $0xffff  }
0x14c: {  	v10 =	vld.idx.msk [tilespmem:v0+s1+$0x0], $0xffff;
	v0 =	vadd.s32 $0x7, v4  }
0x14d: {  	v4 =	vld.idx.msk [tilespmem:v1+s1+$0x0], $0xffff  }
0x14e: {  	v7 =	vld.idx.msk [tilespmem:v7+s1+$0x0], $0xffff  }
0x14f: {  	v12 =	vmul.f32 v2, v2;
	v11 =	vmul.f32 v6, v6;
	v8 =	vld.idx.msk [tilespmem:v8+s1+$0x0], $0xffff  }
0x150: {  	v1 =	vld.idx.msk [tilespmem:v9+s1+$0x0], $0xffff  }
0x151: {  	v9 =	vadd.f32 v12, v11;
	v11 =	vmul.f32 v3, v3;
	v0 =	vld.idx.msk [tilespmem:v0+s1+$0x0], $0xffff  }
0x152: {  	v12 =	vld [tilespmem:s24+$0xD290]  }
0x153: {  	v9 =	vadd.f32 v11, v9;
	v11 =	vmul.f32 v5, v5;
	v13 =	vld [tilespmem:s24+$0xDED0]  }
0x154: {  	v14 =	vld [tilespmem:s24+$0xC650]  }
0x155: {  	v9 =	vadd.f32 v11, v9;
	_ =	sdelay $0x1  }
0x156: {  	(erf) = vrcp.f32 v9  }
0x157: {  	v11 =	vmul.f32 v12, v5;
	v9 =	vmul.f32 v13, v3  }
0x158: {  	v16 =	vmul.f32 v13, v2;
	v15 =	vmul.f32 v14, v5  }
0x159: {  	v9 =	vsub.f32 v9, v11  }
0x15a: {  	v11 =	vmul.f32 v14, v6;
	v15 =	vsub.f32 v15, v16;
	v16 =	vmul.f32 v12, v6;
	_ =	sdelay $0x1  }
0x15b: {  	v9 =	vadd.f32 v9, v11;
	v11 =	vadd.f32 v15, v16;
	_ =	sdelay $0x1  }
0x15c: {  	v16 =	vmul.f32 v9, v3;
	v15 =	vmul.f32 v11, v2  }
0x15d: {  	v17 =	vpop (erf)  }
0x15e: {  	v17 =	vadd.f32 v17, v17;
	v15 =	vsub.f32 v15, v16  }
0x15f: {  	v18 =	vmul.f32 v14, v3;
	v16 =	vmul.f32 v12, v2  }
0x160: {  	v15 =	vmul.f32 v15, v17  }
0x161: {  	v6 =	vmul.f32 v13, v6;
	v16 =	vsub.f32 v16, v18  }
0x162: {  	v13 =	vadd.f32 v15, v13  }
0x163: {  	v6 =	vadd.f32 v6, v16  }
0x164: {  	v10 =	vadd.f32 v13, v10  }
0x165: {  	v3 =	vmul.f32 v6, v3  }
0x166: {  	v11 =	vmul.f32 v11, v5;
	(erf) = vrcp.f32 v10  }
0x167: {  	v5 =	vmul.f32 v9, v5;
	v2 =	vmul.f32 v6, v2;
	_ =	sdelay $0x1  }
0x168: {  	v3 =	vsub.f32 v3, v11;
	v2 =	vsub.f32 v5, v2;
	_ =	sdelay $0x1  }
0x169: {  	v3 =	vmul.f32 v3, v17;
	v2 =	vmul.f32 v2, v17;
	_ =	sdelay $0x1  }
0x16a: {  	v3 =	vadd.f32 v3, v14;
	v5 =	vadd.f32 v2, v12;
	_ =	sdelay $0x1  }
0x16b: {  	v3 =	vadd.f32 v3, v4;
	v4 =	vadd.f32 v5, v7;
	v2 =	vpop (erf)  }
0x16c: {  	v5 =	vxor.u32 $0x80000000, v2  }
0x16d: {  	v2 =	vmul.f32 v5, v3;
	v3 =	vmul.f32 v5, v4;
	_ =	sdelay $0x1  }
.Ltmp4:
0x16e: {  	v4 =	vmul.f32 v2, v2;
	v5 =	vmul.f32 v3, v3;
	(pc) =	sbr.rel @p0 .LBB2_10-.Ltmp4, $4  }
0x16f: {  	_ = 	snop  }
0x170: {  	v6 =	vadd.f32 v5, v4  }
0x171: {  	s26 =	sshra.s32 s25, $0x2  }
0x172: {  	s25 =	sadd.s32 $0x40, s25;
	v4 =	vld [tilespmem:s26+$0x3350];
	v5 =	vmul.f32 v6, v8;
	v6 =	vmul.f32 v6, v6  }
0x173: {  	_ = 	snop  }
0x174: {  	v5 =	vadd.f32 $1.000000000e+00, v5;
	v1 =	vmul.f32 v6, v1;
	_ =	sdelay $0x1  }
0x175: {  	v1 =	vadd.f32 v1, v5;
	_ =	sdelay $0x1  }
0x176: {  	v4 =	vmul.u32 $0xA, v4;
	v0 =	vmul.f32 v1, v0;
	_ =	sdelay $0x1  }
0x177: {  	v1 =	vor.u32 $0x1, v4;
	v3 =	vmul.f32 v0, v3  }
0x178: {  	v0 =	vmul.f32 v0, v2  }
0x179: {  	v2 =	vadd.s32 $0x2, v4;
	[tilespmem:s24+$0x10FD0] =	vst v3  }
0x17a: {  	[tilespmem:s24+$0xF750] =	vst v0  }
0x17b: {  	v0 =	vadd.s32 $0x3, v4;
	v3 =	vld.idx.msk [tilespmem:v4+s1+$0x0], $0xffff  }
0x17c: {  	v1 =	vld.idx.msk [tilespmem:v1+s1+$0x0], $0xffff;
	_ =	sdelay $0x1  }
0x17d: {  	v2 =	vld.idx.msk [tilespmem:v2+s1+$0x0], $0xffff;
	_ =	sdelay $0x1  }
0x17e: {  	v0 =	vld.idx.msk [tilespmem:v0+s1+$0x0], $0xffff  }
0x17f: {  	v46 =	vmul.f32 v3, v3;
	v47 =	vmul.f32 v1, v1;
	_ =	sdelay $0x1  }
0x180: {  	v48 =	vmul.f32 v2, v2;
	v5 =	vadd.f32 v47, v46  }
0x181: {  	v7 =	vld [tilespmem:s26+$0xD290]  }
0x182: {  	v8 =	vld [tilespmem:s26+$0xDED0];
	v49 =	vmul.f32 v0, v0;
	v5 =	vadd.f32 v48, v5  }
0x183: {  	v9 =	vld [tilespmem:s26+$0xC650]  }
0x184: {  	v5 =	vadd.f32 v49, v5;
	_ =	sdelay $0x1  }
0x185: {  	(erf) = vrcp.f32 v5  }
0x186: {  	v11 =	vmul.f32 v8, v1;
	v50 =	vmul.f32 v8, v2  }
0x187: {  	v51 =	vmul.f32 v7, v0;
	v10 =	vmul.f32 v9, v0  }
0x188: {  	v52 =	vmul.f32 v9, v3  }
0x189: {  	v53 =	vmul.f32 v7, v3;
	v10 =	vsub.f32 v10, v11;
	v5 =	vsub.f32 v50, v51;
	_ =	sdelay $0x1  }
0x18a: {  	v12 =	vadd.s32 $0x6, v4;
	v54 =	vadd.f32 v10, v53;
	v5 =	vadd.f32 v5, v52;
	_ =	sdelay $0x1  }
0x18b: {  	v10 =	vmul.f32 v54, v1;
	v55 =	vmul.f32 v5, v2  }
0x18c: {  	v13 =	vpop (erf)  }
0x18d: {  	v10 =	vsub.f32 v10, v55;
	v13 =	vadd.f32 v13, v13  }
0x18e: {  	v56 =	vld.idx.msk [tilespmem:v12+s1+$0x0], $0xffff;
	v57 =	vmul.f32 v7, v1  }
0x18f: {  	v14 =	vmul.f32 v9, v2;
	v10 =	vmul.f32 v10, v13;
	_ =	sdelay $0x1  }
0x190: {  	v3 =	vmul.f32 v8, v3;
	v12 =	vsub.f32 v57, v14;
	v8 =	vadd.f32 v10, v8;
	_ =	sdelay $0x1  }
0x191: {  	v58 =	vadd.s32 $0x4, v4;
	v3 =	vadd.f32 v3, v12;
	v8 =	vadd.f32 v8, v56  }
0x192: {  	v59 =	vadd.s32 $0x5, v4;
	v6 =	vmul.f32 v54, v0  }
0x193: {  	v1 =	vmul.f32 v3, v1;
	(erf) = vrcp.f32 v8  }
0x194: {  	v2 =	vmul.f32 v3, v2;
	v0 =	vmul.f32 v5, v0;
	_ =	sdelay $0x1  }
0x195: {  	v3 =	vld.idx.msk [tilespmem:v58+s1+$0x0], $0xffff;
	v2 =	vsub.f32 v2, v6;
	v0 =	vsub.f32 v0, v1  }
0x196: {  	v1 =	vld.idx.msk [tilespmem:v59+s1+$0x0], $0xffff  }
0x197: {  	v2 =	vmul.f32 v2, v13;
	v0 =	vmul.f32 v0, v13;
	_ =	sdelay $0x1  }
0x198: {  	v60 =	vadd.s32 $0x8, v4;
	v2 =	vadd.f32 v2, v9;
	v0 =	vadd.f32 v0, v7;
	_ =	sdelay $0x1  }
0x199: {  	v61 =	vadd.s32 $0x9, v4;
	v2 =	vadd.f32 v2, v3;
	v0 =	vadd.f32 v0, v1;
	v1 =	vpop (erf)  }
0x19a: {  	v1 =	vxor.u32 $0x80000000, v1  }
0x19b: {  	v2 =	vmul.f32 v1, v2;
	v0 =	vmul.f32 v1, v0  }
0x19c: {  	v1 =	vld.idx.msk [tilespmem:v60+s1+$0x0], $0xffff  }
0x19d: {  	v3 =	vadd.s32 $0x7, v4;
	v62 =	vmul.f32 v2, v2;
	v63 =	vmul.f32 v0, v0  }
0x19e: {  	v6 =	vld.idx.msk [tilespmem:v61+s1+$0x0], $0xffff  }
0x19f: {  	v4 =	vadd.f32 v63, v62;
	_ =	sdelay $0x1  }
0x1a0: {  	v1 =	vmul.f32 v4, v1;
	v4 =	vmul.f32 v4, v4  }
0x1a1: {  	v3 =	vld.idx.msk [tilespmem:v3+s1+$0x0], $0xffff  }
0x1a2: {  	v1 =	vadd.f32 $1.000000000e+00, v1;
	v4 =	vmul.f32 v4, v6;
	_ =	sdelay $0x1  }
0x1a3: {  	v1 =	vadd.f32 v4, v1;
	_ =	sdelay $0x1  }
0x1a4: {  	v1 =	vmul.f32 v1, v3;
	_ =	sdelay $0x1  }
0x1a5: {  	v0 =	vmul.f32 v1, v0  }
0x1a6: {  	v1 =	vmul.f32 v1, v2  }
0x1a7: {  	[tilespmem:s26+$0x10FD0] =	vst v0  }
0x1a8: {  	s25 =	rddreg [dreg:$0x9];
	s24 =	simm.s32 $0x0;
	[tilespmem:s26+$0xF750] =	vst v1  }
0x1a9: {  	[hbm4b:s25+s24] =	stream.linear.scatter [tilespmem:s20], [sflag:$0x2], $0xC40, $0x38;
	[tilespmem:$0x11C10] =	vst v63  }
0x1aa: {  	s26 =	rddreg [dreg:$0xa]  }
0x1ab: {  	[hbm4b:s26+s24] =	stream.linear.scatter [tilespmem:s21], [sflag:$0x2], $0xC40, $0x38;
	[tilespmem:$0x11C10] =	vst v63  }
0x1ac: {  	s26 =	rddreg [dreg:$0xb]  }
0x1ad: {  	[tilespmem:s13], [sflag:$0x3] =	stream.linear.gather [hbm4b:s26+s24], $0xC40, $0x38;
	[tilespmem:$0x11C10] =	vst v63  }
0x1ae: {  	_ =	swait.ge [sflag:s7], $0xC40  }
0x1af: {  	[sflag:s7] =	ssyncset.done $0x0  }
0x1b0: {  	s24 =	simm.s32 $0x0;
	[sflag:s7] =	ssyncadd.s32 $0xFFFFF3C0  }
0x1b1: {  	v0 =	vld [tilespmem:s24+$0x4BD0]  }
0x1b2: {  	s25 =	simm.s32 $0x40  }
.LBB2_12:
0x1b3: {  	p0 =	sne.s32 s25, $0x30C0  }
.Ltmp5:
0x1b4: {  	_ = 	snop;
	(pc) =	sbr.rel @p0 .LBB2_12-.Ltmp5, $4  }
0x1b5: {  	_ = 	snop  }
0x1b6: {  	s26 =	sshra.s32 s25, $0x2;
	s25 =	sadd.s32 $0x40, s25;
	[tilespmem:s24+$0x7CD0] =	vst v0;
	v1 =	vadd.s32 $0x30D40, v0;
	v2 =	vadd.s32 $0x61A80, v0  }
0x1b7: {  	v0 =	vld [tilespmem:s26+$0x4BD0];
	[tilespmem:s24+$0x9550] =	vst v2  }
0x1b8: {  	[tilespmem:s24+$0x8910] =	vst v1;
	s24 =	smov.u32 s26  }
0x1b9: {  	_ =	sdelay $0x2  }
0x1ba: {  	[tilespmem:s24+$0x7CD0] =	vst v0;
	v1 =	vadd.s32 $0x61A80, v0  }
0x1bb: {  	v0 =	vadd.s32 $0x30D40, v0;
	[tilespmem:s24+$0x9550] =	vst v1  }
0x1bc: {  	[tilespmem:s24+$0x8910] =	vst v0  }
0x1bd: {  	[tilespmem:s15], [sflag:$0x1] =	stream.indirect.gather [hbm4b:s5+s9], $0x1, s14, s9, $0xb8;
	[tilespmem:$0x11C10] =	vst v63  }
0x1be: {  	s26 =	simm.s32 $0x0;
	s25 =	rddreg [dreg:$0xc]  }
0x1bf: {  	[tilespmem:s16], [sflag:$0x3] =	stream.linear.gather [hbm4b:s25+s26], $0xC40, $0x38;
	[tilespmem:$0x11C10] =	vst v63  }
0x1c0: {  	_ =	swait.ge [sflag:s7], $0xC40  }
0x1c1: {  	[sflag:s7] =	ssyncset.done $0x0  }
0x1c2: {  	[sflag:s7] =	ssyncadd.s32 $0xFFFFF3C0  }
0x1c3: {  	_ =	swait.ge [sflag:s17], $0x24C0  }
0x1c4: {  	[sflag:s17] =	ssyncset.done $0x0  }
0x1c5: {  	[sflag:s17] =	ssyncadd.s32 $0xFFFFDB40  }
0x1c6: {  	_ =	swait.ge [sflag:s22], $0xC40  }
0x1c7: {  	[sflag:s22] =	ssyncset.done $0x0  }
0x1c8: {  	[sflag:s22] =	ssyncadd.s32 $0xFFFFF3C0  }
0x1c9: {  	_ =	swait.ge [sflag:s22], $0xC40  }
0x1ca: {  	[sflag:s22] =	ssyncset.done $0x0  }
0x1cb: {  	s24 =	simm.s32 $0x0;
	[sflag:s22] =	ssyncadd.s32 $0xFFFFF3C0  }
0x1cc: {  	v0 =	vld [tilespmem:s24+$0x2710];
	_ =	sdelay $0x4  }
0x1cd: {  	v0 =	vmul.u32 $0xA, v0;
	_ =	sdelay $0x1  }
0x1ce: {  	v1 =	vor.u32 $0x1, v0;
	_ =	sdelay $0x1  }
0x1cf: {  	v2 =	vadd.s32 $0x2, v0;
	_ =	sdelay $0x1  }
0x1d0: {  	v3 =	vadd.s32 $0x3, v0;
	v4 =	vld.idx.msk [tilespmem:v0+s1+$0x0], $0xffff  }
0x1d1: {  	v1 =	vld.idx.msk [tilespmem:v1+s1+$0x0], $0xffff;
	_ =	sdelay $0x1  }
0x1d2: {  	v2 =	vld.idx.msk [tilespmem:v2+s1+$0x0], $0xffff;
	_ =	sdelay $0x1  }
0x1d3: {  	v3 =	vld.idx.msk [tilespmem:v3+s1+$0x0], $0xffff  }
0x1d4: {  	v5 =	vmul.f32 v4, v4;
	v6 =	vmul.f32 v1, v1;
	_ =	sdelay $0x1  }
0x1d5: {  	v5 =	vadd.f32 v6, v5;
	v6 =	vmul.f32 v2, v2  }
0x1d6: {  	v8 =	vld [tilespmem:s24+$0xBA10]  }
0x1d7: {  	v9 =	vld [tilespmem:s24+$0xA190];
	v5 =	vadd.f32 v6, v5;
	v6 =	vmul.f32 v3, v3  }
0x1d8: {  	v7 =	vld [tilespmem:s24+$0xADD0]  }
0x1d9: {  	v5 =	vadd.f32 v6, v5;
	_ =	sdelay $0x1  }
0x1da: {  	(erf) = vrcp.f32 v5  }
0x1db: {  	v10 =	vmul.f32 v9, v3;
	v11 =	vmul.f32 v8, v1  }
0x1dc: {  	v6 =	vmul.f32 v7, v3;
	v5 =	vmul.f32 v8, v2  }
0x1dd: {  	v58 =	vmul.f32 v7, v4  }
0x1de: {  	v10 =	vsub.f32 v10, v11;
	v5 =	vsub.f32 v5, v6;
	v6 =	vmul.f32 v9, v4;
	_ =	sdelay $0x1  }
0x1df: {  	v12 =	vadd.s32 $0x6, v0;
	v5 =	vadd.f32 v5, v6;
	v6 =	vadd.f32 v10, v58;
	_ =	sdelay $0x1  }
0x1e0: {  	v10 =	vmul.f32 v6, v1;
	v59 =	vmul.f32 v5, v2  }
0x1e1: {  	v13 =	vpop (erf)  }
0x1e2: {  	v10 =	vsub.f32 v10, v59;
	v13 =	vadd.f32 v13, v13  }
0x1e3: {  	v60 =	vld.idx.msk [tilespmem:v12+s1+$0x0], $0xffff;
	v61 =	vmul.f32 v7, v1;
	v14 =	vmul.f32 v9, v2  }
0x1e4: {  	v10 =	vmul.f32 v10, v13  }
0x1e5: {  	v12 =	vsub.f32 v61, v14;
	v4 =	vmul.f32 v8, v4  }
0x1e6: {  	v8 =	vadd.f32 v10, v8  }
0x1e7: {  	v4 =	vadd.f32 v4, v12  }
0x1e8: {  	v62 =	vadd.s32 $0x4, v0;
	v8 =	vadd.f32 v8, v60  }
0x1e9: {  	v63 =	vadd.s32 $0x5, v0;
	v2 =	vmul.f32 v4, v2  }
0x1ea: {  	v6 =	vmul.f32 v6, v3;
	(erf) = vrcp.f32 v8  }
0x1eb: {  	v3 =	vmul.f32 v5, v3;
	v1 =	vmul.f32 v4, v1;
	_ =	sdelay $0x1  }
0x1ec: {  	v4 =	vld.idx.msk [tilespmem:v62+s1+$0x0], $0xffff;
	v2 =	vsub.f32 v2, v6;
	v1 =	vsub.f32 v3, v1  }
0x1ed: {  	v3 =	vld.idx.msk [tilespmem:v63+s1+$0x0], $0xffff  }
0x1ee: {  	v2 =	vmul.f32 v2, v13;
	v1 =	vmul.f32 v1, v13;
	_ =	sdelay $0x1  }
0x1ef: {  	v5 =	vadd.s32 $0x8, v0;
	v2 =	vadd.f32 v2, v9;
	v1 =	vadd.f32 v1, v7;
	_ =	sdelay $0x1  }
0x1f0: {  	v2 =	vadd.f32 v2, v4;
	v1 =	vadd.f32 v1, v3;
	v4 =	vadd.s32 $0x9, v0;
	v3 =	vpop (erf)  }
0x1f1: {  	v3 =	vxor.u32 $0x80000000, v3  }
0x1f2: {  	v0 =	vadd.s32 $0x7, v0;
	v2 =	vmul.f32 v3, v2;
	v3 =	vmul.f32 v3, v1  }
0x1f3: {  	v5 =	vld.idx.msk [tilespmem:v5+s1+$0x0], $0xffff  }
0x1f4: {  	v6 =	vmul.f32 v2, v2;
	v7 =	vmul.f32 v3, v3  }
0x1f5: {  	v1 =	vld.idx.msk [tilespmem:v4+s1+$0x0], $0xffff  }
0x1f6: {  	v6 =	vadd.f32 v7, v6  }
0x1f7: {  	s26 =	simm.s32 $0x10;
	v0 =	vld.idx.msk [tilespmem:v0+s1+$0x0], $0xffff  }
0x1f8: {  	s25 =	simm.s32 $0x80;
	v4 =	vld [tilespmem:s26+$0x2710];
	v5 =	vmul.f32 v6, v5;
	v6 =	vmul.f32 v6, v6  }
.LBB2_14:
0x1f9: {  	p0 =	sne.s32 s25, $0x30C0  }
0x1fa: {  	v5 =	vadd.f32 $1.000000000e+00, v5;
	v1 =	vmul.f32 v6, v1;
	_ =	sdelay $0x1  }
0x1fb: {  	v1 =	vadd.f32 v1, v5  }
0x1fc: {  	v4 =	vmul.u32 $0xA, v4  }
0x1fd: {  	v0 =	vmul.f32 v1, v0  }
0x1fe: {  	v1 =	vor.u32 $0x1, v4  }
0x1ff: {  	v2 =	vmul.f32 v0, v2;
	v0 =	vmul.f32 v0, v3  }
0x200: {  	v3 =	vadd.s32 $0x2, v4  }
0x201: {  	v5 =	vadd.s32 $0x3, v4;
	[tilespmem:s24+$0x10390] =	vst v0  }
0x202: {  	v0 =	vadd.s32 $0x6, v4;
	[tilespmem:s24+$0xEB10] =	vst v2;
	s24 =	smov.u32 s26  }
0x203: {  	v2 =	vld.idx.msk [tilespmem:v1+s1+$0x0], $0xffff;
	v1 =	vadd.s32 $0x4, v4  }
0x204: {  	v7 =	vadd.s32 $0x5, v4;
	v6 =	vld.idx.msk [tilespmem:v4+s1+$0x0], $0xffff  }
0x205: {  	v8 =	vadd.s32 $0x8, v4;
	v3 =	vld.idx.msk [tilespmem:v3+s1+$0x0], $0xffff  }
0x206: {  	v9 =	vadd.s32 $0x9, v4;
	v5 =	vld.idx.msk [tilespmem:v5+s1+$0x0], $0xffff  }
0x207: {  	v10 =	vld.idx.msk [tilespmem:v0+s1+$0x0], $0xffff;
	v0 =	vadd.s32 $0x7, v4  }
0x208: {  	v4 =	vld.idx.msk [tilespmem:v1+s1+$0x0], $0xffff  }
0x209: {  	v7 =	vld.idx.msk [tilespmem:v7+s1+$0x0], $0xffff  }
0x20a: {  	v12 =	vmul.f32 v2, v2;
	v11 =	vmul.f32 v6, v6;
	v8 =	vld.idx.msk [tilespmem:v8+s1+$0x0], $0xffff  }
0x20b: {  	v1 =	vld.idx.msk [tilespmem:v9+s1+$0x0], $0xffff  }
0x20c: {  	v9 =	vadd.f32 v12, v11;
	v11 =	vmul.f32 v3, v3;
	v0 =	vld.idx.msk [tilespmem:v0+s1+$0x0], $0xffff  }
0x20d: {  	v12 =	vld [tilespmem:s24+$0xADD0]  }
0x20e: {  	v9 =	vadd.f32 v11, v9;
	v11 =	vmul.f32 v5, v5;
	v13 =	vld [tilespmem:s24+$0xBA10]  }
0x20f: {  	v14 =	vld [tilespmem:s24+$0xA190]  }
0x210: {  	v9 =	vadd.f32 v11, v9;
	_ =	sdelay $0x1  }
0x211: {  	(erf) = vrcp.f32 v9  }
0x212: {  	v11 =	vmul.f32 v12, v5;
	v9 =	vmul.f32 v13, v3  }
0x213: {  	v16 =	vmul.f32 v13, v2;
	v15 =	vmul.f32 v14, v5  }
0x214: {  	v9 =	vsub.f32 v9, v11  }
0x215: {  	v11 =	vmul.f32 v14, v6;
	v15 =	vsub.f32 v15, v16;
	v16 =	vmul.f32 v12, v6;
	_ =	sdelay $0x1  }
0x216: {  	v9 =	vadd.f32 v9, v11;
	v11 =	vadd.f32 v15, v16;
	_ =	sdelay $0x1  }
0x217: {  	v16 =	vmul.f32 v9, v3;
	v15 =	vmul.f32 v11, v2  }
0x218: {  	v17 =	vpop (erf)  }
0x219: {  	v17 =	vadd.f32 v17, v17;
	v15 =	vsub.f32 v15, v16  }
0x21a: {  	v18 =	vmul.f32 v14, v3;
	v16 =	vmul.f32 v12, v2  }
0x21b: {  	v15 =	vmul.f32 v15, v17  }
0x21c: {  	v6 =	vmul.f32 v13, v6;
	v16 =	vsub.f32 v16, v18  }
0x21d: {  	v13 =	vadd.f32 v15, v13  }
0x21e: {  	v6 =	vadd.f32 v6, v16  }
0x21f: {  	v10 =	vadd.f32 v13, v10  }
0x220: {  	v3 =	vmul.f32 v6, v3  }
0x221: {  	v11 =	vmul.f32 v11, v5;
	(erf) = vrcp.f32 v10  }
0x222: {  	v5 =	vmul.f32 v9, v5;
	v2 =	vmul.f32 v6, v2;
	_ =	sdelay $0x1  }
0x223: {  	v3 =	vsub.f32 v3, v11;
	v2 =	vsub.f32 v5, v2;
	_ =	sdelay $0x1  }
0x224: {  	v3 =	vmul.f32 v3, v17;
	v2 =	vmul.f32 v2, v17;
	_ =	sdelay $0x1  }
0x225: {  	v3 =	vadd.f32 v3, v14;
	v5 =	vadd.f32 v2, v12;
	_ =	sdelay $0x1  }
0x226: {  	v3 =	vadd.f32 v3, v4;
	v4 =	vadd.f32 v5, v7;
	v2 =	vpop (erf)  }
0x227: {  	v5 =	vxor.u32 $0x80000000, v2  }
0x228: {  	v2 =	vmul.f32 v5, v3;
	v3 =	vmul.f32 v5, v4;
	_ =	sdelay $0x1  }
.Ltmp6:
0x229: {  	v4 =	vmul.f32 v2, v2;
	v5 =	vmul.f32 v3, v3;
	(pc) =	sbr.rel @p0 .LBB2_14-.Ltmp6, $4  }
0x22a: {  	_ = 	snop  }
0x22b: {  	v6 =	vadd.f32 v5, v4  }
0x22c: {  	s26 =	sshra.s32 s25, $0x2  }
0x22d: {  	s25 =	sadd.s32 $0x40, s25;
	v4 =	vld [tilespmem:s26+$0x2710];
	v5 =	vmul.f32 v6, v8;
	v6 =	vmul.f32 v6, v6  }
0x22e: {  	_ = 	snop  }
0x22f: {  	v5 =	vadd.f32 $1.000000000e+00, v5;
	v1 =	vmul.f32 v6, v1;
	_ =	sdelay $0x1  }
0x230: {  	v1 =	vadd.f32 v1, v5;
	_ =	sdelay $0x1  }
0x231: {  	v4 =	vmul.u32 $0xA, v4;
	v0 =	vmul.f32 v1, v0;
	_ =	sdelay $0x1  }
0x232: {  	v1 =	vor.u32 $0x1, v4;
	v3 =	vmul.f32 v0, v3  }
0x233: {  	v0 =	vmul.f32 v0, v2  }
0x234: {  	v2 =	vadd.s32 $0x2, v4;
	[tilespmem:s24+$0x10390] =	vst v3  }
0x235: {  	[tilespmem:s24+$0xEB10] =	vst v0  }
0x236: {  	v0 =	vadd.s32 $0x3, v4;
	v3 =	vld.idx.msk [tilespmem:v4+s1+$0x0], $0xffff  }
0x237: {  	v1 =	vld.idx.msk [tilespmem:v1+s1+$0x0], $0xffff;
	_ =	sdelay $0x1  }
0x238: {  	v2 =	vld.idx.msk [tilespmem:v2+s1+$0x0], $0xffff;
	_ =	sdelay $0x1  }
0x239: {  	v0 =	vld.idx.msk [tilespmem:v0+s1+$0x0], $0xffff  }
0x23a: {  	v46 =	vmul.f32 v3, v3;
	v47 =	vmul.f32 v1, v1;
	_ =	sdelay $0x1  }
0x23b: {  	v48 =	vmul.f32 v2, v2;
	v5 =	vadd.f32 v47, v46  }
0x23c: {  	v7 =	vld [tilespmem:s26+$0xADD0]  }
0x23d: {  	v8 =	vld [tilespmem:s26+$0xBA10];
	v49 =	vmul.f32 v0, v0;
	v5 =	vadd.f32 v48, v5  }
0x23e: {  	v9 =	vld [tilespmem:s26+$0xA190]  }
0x23f: {  	v5 =	vadd.f32 v49, v5;
	_ =	sdelay $0x1  }
0x240: {  	(erf) = vrcp.f32 v5  }
0x241: {  	v11 =	vmul.f32 v8, v1;
	v50 =	vmul.f32 v8, v2  }
0x242: {  	v51 =	vmul.f32 v7, v0;
	v10 =	vmul.f32 v9, v0  }
0x243: {  	v52 =	vmul.f32 v9, v3  }
0x244: {  	v53 =	vmul.f32 v7, v3;
	v10 =	vsub.f32 v10, v11;
	v5 =	vsub.f32 v50, v51;
	_ =	sdelay $0x1  }
0x245: {  	v12 =	vadd.s32 $0x6, v4;
	v54 =	vadd.f32 v10, v53;
	v5 =	vadd.f32 v5, v52;
	_ =	sdelay $0x1  }
0x246: {  	v10 =	vmul.f32 v54, v1;
	v55 =	vmul.f32 v5, v2  }
0x247: {  	v13 =	vpop (erf)  }
0x248: {  	v10 =	vsub.f32 v10, v55;
	v13 =	vadd.f32 v13, v13  }
0x249: {  	v56 =	vld.idx.msk [tilespmem:v12+s1+$0x0], $0xffff;
	v57 =	vmul.f32 v7, v1  }
0x24a: {  	v14 =	vmul.f32 v9, v2;
	v10 =	vmul.f32 v10, v13;
	_ =	sdelay $0x1  }
0x24b: {  	v3 =	vmul.f32 v8, v3;
	v12 =	vsub.f32 v57, v14;
	v8 =	vadd.f32 v10, v8;
	_ =	sdelay $0x1  }
0x24c: {  	v58 =	vadd.s32 $0x4, v4;
	v3 =	vadd.f32 v3, v12;
	v8 =	vadd.f32 v8, v56  }
0x24d: {  	v59 =	vadd.s32 $0x5, v4;
	v6 =	vmul.f32 v54, v0  }
0x24e: {  	v1 =	vmul.f32 v3, v1;
	(erf) = vrcp.f32 v8  }
0x24f: {  	v2 =	vmul.f32 v3, v2;
	v0 =	vmul.f32 v5, v0;
	_ =	sdelay $0x1  }
0x250: {  	v3 =	vld.idx.msk [tilespmem:v58+s1+$0x0], $0xffff;
	v2 =	vsub.f32 v2, v6;
	v0 =	vsub.f32 v0, v1  }
0x251: {  	v1 =	vld.idx.msk [tilespmem:v59+s1+$0x0], $0xffff  }
0x252: {  	v2 =	vmul.f32 v2, v13;
	v0 =	vmul.f32 v0, v13;
	_ =	sdelay $0x1  }
0x253: {  	v60 =	vadd.s32 $0x8, v4;
	v2 =	vadd.f32 v2, v9;
	v0 =	vadd.f32 v0, v7;
	_ =	sdelay $0x1  }
0x254: {  	v61 =	vadd.s32 $0x9, v4;
	v2 =	vadd.f32 v2, v3;
	v0 =	vadd.f32 v0, v1;
	v1 =	vpop (erf)  }
0x255: {  	v1 =	vxor.u32 $0x80000000, v1  }
0x256: {  	v2 =	vmul.f32 v1, v2;
	v0 =	vmul.f32 v1, v0  }
0x257: {  	v1 =	vld.idx.msk [tilespmem:v60+s1+$0x0], $0xffff  }
0x258: {  	v3 =	vadd.s32 $0x7, v4;
	v62 =	vmul.f32 v2, v2;
	v63 =	vmul.f32 v0, v0  }
0x259: {  	v6 =	vld.idx.msk [tilespmem:v61+s1+$0x0], $0xffff  }
0x25a: {  	v4 =	vadd.f32 v63, v62;
	_ =	sdelay $0x1  }
0x25b: {  	v1 =	vmul.f32 v4, v1;
	v4 =	vmul.f32 v4, v4  }
0x25c: {  	v3 =	vld.idx.msk [tilespmem:v3+s1+$0x0], $0xffff  }
0x25d: {  	v1 =	vadd.f32 $1.000000000e+00, v1;
	v4 =	vmul.f32 v4, v6;
	_ =	sdelay $0x1  }
0x25e: {  	v1 =	vadd.f32 v4, v1;
	_ =	sdelay $0x1  }
0x25f: {  	v1 =	vmul.f32 v1, v3;
	_ =	sdelay $0x1  }
0x260: {  	v0 =	vmul.f32 v1, v0  }
0x261: {  	v1 =	vmul.f32 v1, v2  }
0x262: {  	[tilespmem:s26+$0x10390] =	vst v0  }
0x263: {  	s25 =	rddreg [dreg:$0xd];
	s24 =	simm.s32 $0x0;
	[tilespmem:s26+$0xEB10] =	vst v1  }
0x264: {  	[hbm4b:s25+s24] =	stream.linear.scatter [tilespmem:s18], [sflag:$0x2], $0xC40, $0x38;
	[tilespmem:$0x11C10] =	vst v63  }
0x265: {  	s26 =	rddreg [dreg:$0xe]  }
0x266: {  	[hbm4b:s26+s24] =	stream.linear.scatter [tilespmem:s19], [sflag:$0x2], $0xC40, $0x38;
	[tilespmem:$0x11C10] =	vst v63  }
0x267: {  	s26 =	rddreg [dreg:$0xf]  }
0x268: {  	[tilespmem:s8], [sflag:$0x3] =	stream.linear.gather [hbm4b:s26+s24], $0xC40, $0x38;
	[tilespmem:$0x11C10] =	vst v63  }
0x269: {  	_ =	swait.ge [sflag:s7], $0xC40  }
0x26a: {  	[sflag:s7] =	ssyncset.done $0x0  }
0x26b: {  	s24 =	simm.s32 $0x0;
	[sflag:s7] =	ssyncadd.s32 $0xFFFFF3C0  }
0x26c: {  	v0 =	vld [tilespmem:s24+$0x3F90]  }
0x26d: {  	s25 =	simm.s32 $0x40  }
.LBB2_16:
0x26e: {  	p0 =	sne.s32 s25, $0x30C0  }
.Ltmp7:
0x26f: {  	_ = 	snop;
	(pc) =	sbr.rel @p0 .LBB2_16-.Ltmp7, $4  }
0x270: {  	_ = 	snop  }
0x271: {  	s26 =	sshra.s32 s25, $0x2;
	s25 =	sadd.s32 $0x40, s25;
	[tilespmem:s24+$0x5810] =	vst v0;
	v1 =	vadd.s32 $0x30D40, v0;
	v2 =	vadd.s32 $0x61A80, v0  }
0x272: {  	v0 =	vld [tilespmem:s26+$0x3F90];
	[tilespmem:s24+$0x7090] =	vst v2  }
0x273: {  	[tilespmem:s24+$0x6450] =	vst v1;
	s24 =	smov.u32 s26  }
0x274: {  	_ =	sdelay $0x2  }
0x275: {  	[tilespmem:s24+$0x5810] =	vst v0;
	v1 =	vadd.s32 $0x61A80, v0  }
0x276: {  	v0 =	vadd.s32 $0x30D40, v0;
	[tilespmem:s24+$0x7090] =	vst v1  }
0x277: {  	[tilespmem:s24+$0x6450] =	vst v0  }
0x278: {  	[tilespmem:s11], [sflag:$0x1] =	stream.indirect.gather [hbm4b:s5+s9], $0x1, s10, s9, $0xb8;
	[tilespmem:$0x11C10] =	vst v63  }
0x279: {  	s26 =	simm.s32 $0x0;
	s25 =	rddreg [dreg:$0x10]  }
0x27a: {  	[tilespmem:s12], [sflag:$0x3] =	stream.linear.gather [hbm4b:s25+s26], $0xC40, $0x38;
	[tilespmem:$0x11C10] =	vst v63  }
0x27b: {  	_ =	swait.ge [sflag:s7], $0xC40  }
0x27c: {  	[sflag:s7] =	ssyncset.done $0x0  }
0x27d: {  	[sflag:s7] =	ssyncadd.s32 $0xFFFFF3C0  }
0x27e: {  	_ =	swait.ge [sflag:s17], $0x24C0  }
0x27f: {  	[sflag:s17] =	ssyncset.done $0x0  }
0x280: {  	[sflag:s17] =	ssyncadd.s32 $0xFFFFDB40  }
0x281: {  	_ =	swait.ge [sflag:s22], $0xC40  }
0x282: {  	[sflag:s22] =	ssyncset.done $0x0  }
0x283: {  	[sflag:s22] =	ssyncadd.s32 $0xFFFFF3C0  }
0x284: {  	_ =	swait.ge [sflag:s22], $0xC40  }
0x285: {  	[sflag:s22] =	ssyncset.done $0x0  }
0x286: {  	s24 =	simm.s32 $0x0;
	[sflag:s22] =	ssyncadd.s32 $0xFFFFF3C0  }
0x287: {  	v0 =	vld [tilespmem:s24+$0x3350];
	_ =	sdelay $0x4  }
0x288: {  	v0 =	vmul.u32 $0xA, v0;
	_ =	sdelay $0x1  }
0x289: {  	v1 =	vor.u32 $0x1, v0;
	_ =	sdelay $0x1  }
0x28a: {  	v2 =	vadd.s32 $0x2, v0;
	_ =	sdelay $0x1  }
0x28b: {  	v3 =	vadd.s32 $0x3, v0;
	v4 =	vld.idx.msk [tilespmem:v0+s1+$0x0], $0xffff  }
0x28c: {  	v1 =	vld.idx.msk [tilespmem:v1+s1+$0x0], $0xffff;
	_ =	sdelay $0x1  }
0x28d: {  	v2 =	vld.idx.msk [tilespmem:v2+s1+$0x0], $0xffff;
	_ =	sdelay $0x1  }
0x28e: {  	v3 =	vld.idx.msk [tilespmem:v3+s1+$0x0], $0xffff  }
0x28f: {  	v5 =	vmul.f32 v4, v4;
	v6 =	vmul.f32 v1, v1;
	_ =	sdelay $0x1  }
0x290: {  	v5 =	vadd.f32 v6, v5;
	v6 =	vmul.f32 v2, v2  }
0x291: {  	v8 =	vld [tilespmem:s24+$0xDED0]  }
0x292: {  	v9 =	vld [tilespmem:s24+$0xC650];
	v5 =	vadd.f32 v6, v5;
	v6 =	vmul.f32 v3, v3  }
0x293: {  	v7 =	vld [tilespmem:s24+$0xD290]  }
0x294: {  	v5 =	vadd.f32 v6, v5;
	_ =	sdelay $0x1  }
0x295: {  	(erf) = vrcp.f32 v5  }
0x296: {  	v10 =	vmul.f32 v9, v3;
	v11 =	vmul.f32 v8, v1  }
0x297: {  	v6 =	vmul.f32 v7, v3;
	v5 =	vmul.f32 v8, v2  }
0x298: {  	v58 =	vmul.f32 v7, v4  }
0x299: {  	v10 =	vsub.f32 v10, v11;
	v5 =	vsub.f32 v5, v6;
	v6 =	vmul.f32 v9, v4;
	_ =	sdelay $0x1  }
0x29a: {  	v12 =	vadd.s32 $0x6, v0;
	v5 =	vadd.f32 v5, v6;
	v6 =	vadd.f32 v10, v58;
	_ =	sdelay $0x1  }
0x29b: {  	v10 =	vmul.f32 v6, v1;
	v59 =	vmul.f32 v5, v2  }
0x29c: {  	v13 =	vpop (erf)  }
0x29d: {  	v10 =	vsub.f32 v10, v59;
	v13 =	vadd.f32 v13, v13  }
0x29e: {  	v60 =	vld.idx.msk [tilespmem:v12+s1+$0x0], $0xffff;
	v61 =	vmul.f32 v7, v1;
	v14 =	vmul.f32 v9, v2  }
0x29f: {  	v10 =	vmul.f32 v10, v13  }
0x2a0: {  	v12 =	vsub.f32 v61, v14;
	v4 =	vmul.f32 v8, v4  }
0x2a1: {  	v8 =	vadd.f32 v10, v8  }
0x2a2: {  	v4 =	vadd.f32 v4, v12  }
0x2a3: {  	v62 =	vadd.s32 $0x4, v0;
	v8 =	vadd.f32 v8, v60  }
0x2a4: {  	v63 =	vadd.s32 $0x5, v0;
	v2 =	vmul.f32 v4, v2  }
0x2a5: {  	v6 =	vmul.f32 v6, v3;
	(erf) = vrcp.f32 v8  }
0x2a6: {  	v3 =	vmul.f32 v5, v3;
	v1 =	vmul.f32 v4, v1;
	_ =	sdelay $0x1  }
0x2a7: {  	v4 =	vld.idx.msk [tilespmem:v62+s1+$0x0], $0xffff;
	v2 =	vsub.f32 v2, v6;
	v1 =	vsub.f32 v3, v1  }
0x2a8: {  	v3 =	vld.idx.msk [tilespmem:v63+s1+$0x0], $0xffff  }
0x2a9: {  	v2 =	vmul.f32 v2, v13;
	v1 =	vmul.f32 v1, v13;
	_ =	sdelay $0x1  }
0x2aa: {  	v5 =	vadd.s32 $0x8, v0;
	v2 =	vadd.f32 v2, v9;
	v1 =	vadd.f32 v1, v7;
	_ =	sdelay $0x1  }
0x2ab: {  	v2 =	vadd.f32 v2, v4;
	v1 =	vadd.f32 v1, v3;
	v4 =	vadd.s32 $0x9, v0;
	v3 =	vpop (erf)  }
0x2ac: {  	v3 =	vxor.u32 $0x80000000, v3  }
0x2ad: {  	v0 =	vadd.s32 $0x7, v0;
	v2 =	vmul.f32 v3, v2;
	v3 =	vmul.f32 v3, v1  }
0x2ae: {  	v5 =	vld.idx.msk [tilespmem:v5+s1+$0x0], $0xffff  }
0x2af: {  	v6 =	vmul.f32 v2, v2;
	v7 =	vmul.f32 v3, v3  }
0x2b0: {  	v1 =	vld.idx.msk [tilespmem:v4+s1+$0x0], $0xffff  }
0x2b1: {  	v6 =	vadd.f32 v7, v6  }
0x2b2: {  	s26 =	simm.s32 $0x10;
	v0 =	vld.idx.msk [tilespmem:v0+s1+$0x0], $0xffff  }
0x2b3: {  	s25 =	simm.s32 $0x80;
	v4 =	vld [tilespmem:s26+$0x3350];
	v5 =	vmul.f32 v6, v5;
	v6 =	vmul.f32 v6, v6  }
.LBB2_18:
0x2b4: {  	p0 =	sne.s32 s25, $0x30C0  }
0x2b5: {  	v5 =	vadd.f32 $1.000000000e+00, v5;
	v1 =	vmul.f32 v6, v1;
	_ =	sdelay $0x1  }
0x2b6: {  	v1 =	vadd.f32 v1, v5  }
0x2b7: {  	v4 =	vmul.u32 $0xA, v4  }
0x2b8: {  	v0 =	vmul.f32 v1, v0  }
0x2b9: {  	v1 =	vor.u32 $0x1, v4  }
0x2ba: {  	v2 =	vmul.f32 v0, v2;
	v0 =	vmul.f32 v0, v3  }
0x2bb: {  	v3 =	vadd.s32 $0x2, v4  }
0x2bc: {  	v5 =	vadd.s32 $0x3, v4;
	[tilespmem:s24+$0x10FD0] =	vst v0  }
0x2bd: {  	v0 =	vadd.s32 $0x6, v4;
	[tilespmem:s24+$0xF750] =	vst v2;
	s24 =	smov.u32 s26  }
0x2be: {  	v2 =	vld.idx.msk [tilespmem:v1+s1+$0x0], $0xffff;
	v1 =	vadd.s32 $0x4, v4  }
0x2bf: {  	v7 =	vadd.s32 $0x5, v4;
	v6 =	vld.idx.msk [tilespmem:v4+s1+$0x0], $0xffff  }
0x2c0: {  	v8 =	vadd.s32 $0x8, v4;
	v3 =	vld.idx.msk [tilespmem:v3+s1+$0x0], $0xffff  }
0x2c1: {  	v9 =	vadd.s32 $0x9, v4;
	v5 =	vld.idx.msk [tilespmem:v5+s1+$0x0], $0xffff  }
0x2c2: {  	v10 =	vld.idx.msk [tilespmem:v0+s1+$0x0], $0xffff;
	v0 =	vadd.s32 $0x7, v4  }
0x2c3: {  	v4 =	vld.idx.msk [tilespmem:v1+s1+$0x0], $0xffff  }
0x2c4: {  	v7 =	vld.idx.msk [tilespmem:v7+s1+$0x0], $0xffff  }
0x2c5: {  	v12 =	vmul.f32 v2, v2;
	v11 =	vmul.f32 v6, v6;
	v8 =	vld.idx.msk [tilespmem:v8+s1+$0x0], $0xffff  }
0x2c6: {  	v1 =	vld.idx.msk [tilespmem:v9+s1+$0x0], $0xffff  }
0x2c7: {  	v9 =	vadd.f32 v12, v11;
	v11 =	vmul.f32 v3, v3;
	v0 =	vld.idx.msk [tilespmem:v0+s1+$0x0], $0xffff  }
0x2c8: {  	v12 =	vld [tilespmem:s24+$0xD290]  }
0x2c9: {  	v9 =	vadd.f32 v11, v9;
	v11 =	vmul.f32 v5, v5;
	v13 =	vld [tilespmem:s24+$0xDED0]  }
0x2ca: {  	v14 =	vld [tilespmem:s24+$0xC650]  }
0x2cb: {  	v9 =	vadd.f32 v11, v9;
	_ =	sdelay $0x1  }
0x2cc: {  	(erf) = vrcp.f32 v9  }
0x2cd: {  	v11 =	vmul.f32 v12, v5;
	v9 =	vmul.f32 v13, v3  }
0x2ce: {  	v16 =	vmul.f32 v13, v2;
	v15 =	vmul.f32 v14, v5  }
0x2cf: {  	v9 =	vsub.f32 v9, v11  }
0x2d0: {  	v11 =	vmul.f32 v14, v6;
	v15 =	vsub.f32 v15, v16;
	v16 =	vmul.f32 v12, v6;
	_ =	sdelay $0x1  }
0x2d1: {  	v9 =	vadd.f32 v9, v11;
	v11 =	vadd.f32 v15, v16;
	_ =	sdelay $0x1  }
0x2d2: {  	v16 =	vmul.f32 v9, v3;
	v15 =	vmul.f32 v11, v2  }
0x2d3: {  	v17 =	vpop (erf)  }
0x2d4: {  	v17 =	vadd.f32 v17, v17;
	v15 =	vsub.f32 v15, v16  }
0x2d5: {  	v18 =	vmul.f32 v14, v3;
	v16 =	vmul.f32 v12, v2  }
0x2d6: {  	v15 =	vmul.f32 v15, v17  }
0x2d7: {  	v6 =	vmul.f32 v13, v6;
	v16 =	vsub.f32 v16, v18  }
0x2d8: {  	v13 =	vadd.f32 v15, v13  }
0x2d9: {  	v6 =	vadd.f32 v6, v16  }
0x2da: {  	v10 =	vadd.f32 v13, v10  }
0x2db: {  	v3 =	vmul.f32 v6, v3  }
0x2dc: {  	v11 =	vmul.f32 v11, v5;
	(erf) = vrcp.f32 v10  }
0x2dd: {  	v5 =	vmul.f32 v9, v5;
	v2 =	vmul.f32 v6, v2;
	_ =	sdelay $0x1  }
0x2de: {  	v3 =	vsub.f32 v3, v11;
	v2 =	vsub.f32 v5, v2;
	_ =	sdelay $0x1  }
0x2df: {  	v3 =	vmul.f32 v3, v17;
	v2 =	vmul.f32 v2, v17;
	_ =	sdelay $0x1  }
0x2e0: {  	v3 =	vadd.f32 v3, v14;
	v5 =	vadd.f32 v2, v12;
	_ =	sdelay $0x1  }
0x2e1: {  	v3 =	vadd.f32 v3, v4;
	v4 =	vadd.f32 v5, v7;
	v2 =	vpop (erf)  }
0x2e2: {  	v5 =	vxor.u32 $0x80000000, v2  }
0x2e3: {  	v2 =	vmul.f32 v5, v3;
	v3 =	vmul.f32 v5, v4;
	_ =	sdelay $0x1  }
.Ltmp8:
0x2e4: {  	v4 =	vmul.f32 v2, v2;
	v5 =	vmul.f32 v3, v3;
	(pc) =	sbr.rel @p0 .LBB2_18-.Ltmp8, $4  }
0x2e5: {  	_ = 	snop  }
0x2e6: {  	v6 =	vadd.f32 v5, v4  }
0x2e7: {  	s26 =	sshra.s32 s25, $0x2  }
0x2e8: {  	s25 =	sadd.s32 $0x40, s25;
	v4 =	vld [tilespmem:s26+$0x3350];
	v5 =	vmul.f32 v6, v8;
	v6 =	vmul.f32 v6, v6  }
0x2e9: {  	_ = 	snop  }
0x2ea: {  	v5 =	vadd.f32 $1.000000000e+00, v5;
	v1 =	vmul.f32 v6, v1;
	_ =	sdelay $0x1  }
0x2eb: {  	v1 =	vadd.f32 v1, v5;
	_ =	sdelay $0x1  }
0x2ec: {  	v4 =	vmul.u32 $0xA, v4;
	v0 =	vmul.f32 v1, v0;
	_ =	sdelay $0x1  }
0x2ed: {  	v1 =	vor.u32 $0x1, v4;
	v3 =	vmul.f32 v0, v3  }
0x2ee: {  	v0 =	vmul.f32 v0, v2  }
0x2ef: {  	v2 =	vadd.s32 $0x2, v4;
	[tilespmem:s24+$0x10FD0] =	vst v3  }
0x2f0: {  	[tilespmem:s24+$0xF750] =	vst v0  }
0x2f1: {  	v0 =	vadd.s32 $0x3, v4;
	v3 =	vld.idx.msk [tilespmem:v4+s1+$0x0], $0xffff  }
0x2f2: {  	v1 =	vld.idx.msk [tilespmem:v1+s1+$0x0], $0xffff;
	_ =	sdelay $0x1  }
0x2f3: {  	v2 =	vld.idx.msk [tilespmem:v2+s1+$0x0], $0xffff;
	_ =	sdelay $0x1  }
0x2f4: {  	v0 =	vld.idx.msk [tilespmem:v0+s1+$0x0], $0xffff  }
0x2f5: {  	v46 =	vmul.f32 v3, v3;
	v47 =	vmul.f32 v1, v1;
	_ =	sdelay $0x1  }
0x2f6: {  	v48 =	vmul.f32 v2, v2;
	v5 =	vadd.f32 v47, v46  }
0x2f7: {  	v7 =	vld [tilespmem:s26+$0xD290]  }
0x2f8: {  	v8 =	vld [tilespmem:s26+$0xDED0];
	v49 =	vmul.f32 v0, v0;
	v5 =	vadd.f32 v48, v5  }
0x2f9: {  	v9 =	vld [tilespmem:s26+$0xC650]  }
0x2fa: {  	v5 =	vadd.f32 v49, v5;
	_ =	sdelay $0x1  }
0x2fb: {  	(erf) = vrcp.f32 v5  }
0x2fc: {  	v11 =	vmul.f32 v8, v1;
	v50 =	vmul.f32 v8, v2  }
0x2fd: {  	v51 =	vmul.f32 v7, v0;
	v10 =	vmul.f32 v9, v0  }
0x2fe: {  	v52 =	vmul.f32 v9, v3  }
0x2ff: {  	v53 =	vmul.f32 v7, v3;
	v10 =	vsub.f32 v10, v11;
	v5 =	vsub.f32 v50, v51;
	_ =	sdelay $0x1  }
0x300: {  	v12 =	vadd.s32 $0x6, v4;
	v54 =	vadd.f32 v10, v53;
	v5 =	vadd.f32 v5, v52;
	_ =	sdelay $0x1  }
0x301: {  	v10 =	vmul.f32 v54, v1;
	v55 =	vmul.f32 v5, v2  }
0x302: {  	v13 =	vpop (erf)  }
0x303: {  	v10 =	vsub.f32 v10, v55;
	v13 =	vadd.f32 v13, v13  }
0x304: {  	v56 =	vld.idx.msk [tilespmem:v12+s1+$0x0], $0xffff;
	v57 =	vmul.f32 v7, v1  }
0x305: {  	v14 =	vmul.f32 v9, v2;
	v10 =	vmul.f32 v10, v13;
	_ =	sdelay $0x1  }
0x306: {  	v3 =	vmul.f32 v8, v3;
	v12 =	vsub.f32 v57, v14;
	v8 =	vadd.f32 v10, v8;
	_ =	sdelay $0x1  }
0x307: {  	v58 =	vadd.s32 $0x4, v4;
	v3 =	vadd.f32 v3, v12;
	v8 =	vadd.f32 v8, v56  }
0x308: {  	v59 =	vadd.s32 $0x5, v4;
	v6 =	vmul.f32 v54, v0  }
0x309: {  	v1 =	vmul.f32 v3, v1;
	(erf) = vrcp.f32 v8  }
0x30a: {  	v2 =	vmul.f32 v3, v2;
	v0 =	vmul.f32 v5, v0;
	_ =	sdelay $0x1  }
0x30b: {  	v3 =	vld.idx.msk [tilespmem:v58+s1+$0x0], $0xffff;
	v2 =	vsub.f32 v2, v6;
	v0 =	vsub.f32 v0, v1  }
0x30c: {  	v1 =	vld.idx.msk [tilespmem:v59+s1+$0x0], $0xffff  }
0x30d: {  	v2 =	vmul.f32 v2, v13;
	v0 =	vmul.f32 v0, v13;
	_ =	sdelay $0x1  }
0x30e: {  	v60 =	vadd.s32 $0x8, v4;
	v2 =	vadd.f32 v2, v9;
	v0 =	vadd.f32 v0, v7;
	_ =	sdelay $0x1  }
0x30f: {  	v61 =	vadd.s32 $0x9, v4;
	v2 =	vadd.f32 v2, v3;
	v0 =	vadd.f32 v0, v1;
	v1 =	vpop (erf)  }
0x310: {  	v1 =	vxor.u32 $0x80000000, v1  }
0x311: {  	v2 =	vmul.f32 v1, v2;
	v0 =	vmul.f32 v1, v0  }
0x312: {  	v1 =	vld.idx.msk [tilespmem:v60+s1+$0x0], $0xffff  }
0x313: {  	v3 =	vadd.s32 $0x7, v4;
	v62 =	vmul.f32 v2, v2;
	v63 =	vmul.f32 v0, v0  }
0x314: {  	v6 =	vld.idx.msk [tilespmem:v61+s1+$0x0], $0xffff  }
0x315: {  	v4 =	vadd.f32 v63, v62;
	_ =	sdelay $0x1  }
0x316: {  	v1 =	vmul.f32 v4, v1;
	v4 =	vmul.f32 v4, v4  }
0x317: {  	v3 =	vld.idx.msk [tilespmem:v3+s1+$0x0], $0xffff  }
0x318: {  	v1 =	vadd.f32 $1.000000000e+00, v1;
	v4 =	vmul.f32 v4, v6;
	_ =	sdelay $0x1  }
0x319: {  	v1 =	vadd.f32 v4, v1;
	_ =	sdelay $0x1  }
0x31a: {  	v1 =	vmul.f32 v1, v3;
	_ =	sdelay $0x1  }
0x31b: {  	v0 =	vmul.f32 v1, v0  }
0x31c: {  	v1 =	vmul.f32 v1, v2  }
0x31d: {  	[tilespmem:s26+$0x10FD0] =	vst v0  }
0x31e: {  	s25 =	rddreg [dreg:$0x11];
	s24 =	simm.s32 $0x0;
	[tilespmem:s26+$0xF750] =	vst v1  }
0x31f: {  	[hbm4b:s25+s24] =	stream.linear.scatter [tilespmem:s20], [sflag:$0x2], $0xC40, $0x38;
	[tilespmem:$0x11C10] =	vst v63  }
0x320: {  	s26 =	rddreg [dreg:$0x12]  }
0x321: {  	[hbm4b:s26+s24] =	stream.linear.scatter [tilespmem:s21], [sflag:$0x2], $0xC40, $0x38;
	[tilespmem:$0x11C10] =	vst v63  }
0x322: {  	s26 =	rddreg [dreg:$0x15]  }
0x323: {  	[tilespmem:s13], [sflag:$0x3] =	stream.linear.gather [hbm4b:s26+s24], $0xC40, $0x38;
	[tilespmem:$0x11C10] =	vst v63  }
0x324: {  	_ =	swait.ge [sflag:s7], $0xC40  }
0x325: {  	[sflag:s7] =	ssyncset.done $0x0  }
0x326: {  	s24 =	simm.s32 $0x0;
	[sflag:s7] =	ssyncadd.s32 $0xFFFFF3C0  }
0x327: {  	v0 =	vld [tilespmem:s24+$0x4BD0]  }
0x328: {  	s25 =	simm.s32 $0x40  }
.LBB2_20:
0x329: {  	p0 =	sne.s32 s25, $0x30C0  }
.Ltmp9:
0x32a: {  	_ = 	snop;
	(pc) =	sbr.rel @p0 .LBB2_20-.Ltmp9, $4  }
0x32b: {  	_ = 	snop  }
0x32c: {  	s26 =	sshra.s32 s25, $0x2;
	s25 =	sadd.s32 $0x40, s25;
	[tilespmem:s24+$0x7CD0] =	vst v0;
	v1 =	vadd.s32 $0x30D40, v0;
	v2 =	vadd.s32 $0x61A80, v0  }
0x32d: {  	v0 =	vld [tilespmem:s26+$0x4BD0];
	[tilespmem:s24+$0x9550] =	vst v2  }
0x32e: {  	[tilespmem:s24+$0x8910] =	vst v1;
	s24 =	smov.u32 s26  }
0x32f: {  	_ =	sdelay $0x2  }
0x330: {  	[tilespmem:s24+$0x7CD0] =	vst v0;
	v1 =	vadd.s32 $0x61A80, v0  }
0x331: {  	v0 =	vadd.s32 $0x30D40, v0;
	[tilespmem:s24+$0x9550] =	vst v1  }
0x332: {  	[tilespmem:s24+$0x8910] =	vst v0  }
0x333: {  	[tilespmem:s15], [sflag:$0x1] =	stream.indirect.gather [hbm4b:s5+s9], $0x1, s14, s9, $0xb8;
	[tilespmem:$0x11C10] =	vst v63  }
0x334: {  	s26 =	simm.s32 $0x0;
	s25 =	rddreg [dreg:$0x16]  }
0x335: {  	[tilespmem:s16], [sflag:$0x3] =	stream.linear.gather [hbm4b:s25+s26], $0xC40, $0x38;
	[tilespmem:$0x11C10] =	vst v63  }
0x336: {  	_ =	swait.ge [sflag:s7], $0xC40  }
0x337: {  	[sflag:s7] =	ssyncset.done $0x0  }
0x338: {  	[sflag:s7] =	ssyncadd.s32 $0xFFFFF3C0  }
0x339: {  	_ =	swait.ge [sflag:s17], $0x24C0  }
0x33a: {  	[sflag:s17] =	ssyncset.done $0x0  }
0x33b: {  	[sflag:s17] =	ssyncadd.s32 $0xFFFFDB40  }
0x33c: {  	_ =	swait.ge [sflag:s22], $0xC40  }
0x33d: {  	[sflag:s22] =	ssyncset.done $0x0  }
0x33e: {  	[sflag:s22] =	ssyncadd.s32 $0xFFFFF3C0  }
0x33f: {  	_ =	swait.ge [sflag:s22], $0xC40  }
0x340: {  	[sflag:s22] =	ssyncset.done $0x0  }
0x341: {  	s24 =	simm.s32 $0x0;
	[sflag:s22] =	ssyncadd.s32 $0xFFFFF3C0  }
0x342: {  	v0 =	vld [tilespmem:s24+$0x2710];
	_ =	sdelay $0x4  }
0x343: {  	v0 =	vmul.u32 $0xA, v0;
	_ =	sdelay $0x1  }
0x344: {  	v1 =	vor.u32 $0x1, v0;
	_ =	sdelay $0x1  }
0x345: {  	v2 =	vadd.s32 $0x2, v0;
	_ =	sdelay $0x1  }
0x346: {  	v3 =	vadd.s32 $0x3, v0;
	v4 =	vld.idx.msk [tilespmem:v0+s1+$0x0], $0xffff  }
0x347: {  	v1 =	vld.idx.msk [tilespmem:v1+s1+$0x0], $0xffff;
	_ =	sdelay $0x1  }
0x348: {  	v2 =	vld.idx.msk [tilespmem:v2+s1+$0x0], $0xffff;
	_ =	sdelay $0x1  }
0x349: {  	v3 =	vld.idx.msk [tilespmem:v3+s1+$0x0], $0xffff  }
0x34a: {  	v5 =	vmul.f32 v4, v4;
	v6 =	vmul.f32 v1, v1;
	_ =	sdelay $0x1  }
0x34b: {  	v5 =	vadd.f32 v6, v5;
	v6 =	vmul.f32 v2, v2  }
0x34c: {  	v8 =	vld [tilespmem:s24+$0xBA10]  }
0x34d: {  	v9 =	vld [tilespmem:s24+$0xA190];
	v5 =	vadd.f32 v6, v5;
	v6 =	vmul.f32 v3, v3  }
0x34e: {  	v7 =	vld [tilespmem:s24+$0xADD0]  }
0x34f: {  	v5 =	vadd.f32 v6, v5;
	_ =	sdelay $0x1  }
0x350: {  	(erf) = vrcp.f32 v5  }
0x351: {  	v10 =	vmul.f32 v9, v3;
	v11 =	vmul.f32 v8, v1  }
0x352: {  	v6 =	vmul.f32 v7, v3;
	v5 =	vmul.f32 v8, v2  }
0x353: {  	v58 =	vmul.f32 v7, v4  }
0x354: {  	v10 =	vsub.f32 v10, v11;
	v5 =	vsub.f32 v5, v6;
	v6 =	vmul.f32 v9, v4;
	_ =	sdelay $0x1  }
0x355: {  	v12 =	vadd.s32 $0x6, v0;
	v5 =	vadd.f32 v5, v6;
	v6 =	vadd.f32 v10, v58;
	_ =	sdelay $0x1  }
0x356: {  	v10 =	vmul.f32 v6, v1;
	v59 =	vmul.f32 v5, v2  }
0x357: {  	v13 =	vpop (erf)  }
0x358: {  	v10 =	vsub.f32 v10, v59;
	v13 =	vadd.f32 v13, v13  }
0x359: {  	v60 =	vld.idx.msk [tilespmem:v12+s1+$0x0], $0xffff;
	v61 =	vmul.f32 v7, v1;
	v14 =	vmul.f32 v9, v2  }
0x35a: {  	v10 =	vmul.f32 v10, v13  }
0x35b: {  	v12 =	vsub.f32 v61, v14;
	v4 =	vmul.f32 v8, v4  }
0x35c: {  	v8 =	vadd.f32 v10, v8  }
0x35d: {  	v4 =	vadd.f32 v4, v12  }
0x35e: {  	v62 =	vadd.s32 $0x4, v0;
	v8 =	vadd.f32 v8, v60  }
0x35f: {  	v63 =	vadd.s32 $0x5, v0;
	v2 =	vmul.f32 v4, v2  }
0x360: {  	v6 =	vmul.f32 v6, v3;
	(erf) = vrcp.f32 v8  }
0x361: {  	v3 =	vmul.f32 v5, v3;
	v1 =	vmul.f32 v4, v1;
	_ =	sdelay $0x1  }
0x362: {  	v4 =	vld.idx.msk [tilespmem:v62+s1+$0x0], $0xffff;
	v2 =	vsub.f32 v2, v6;
	v1 =	vsub.f32 v3, v1  }
0x363: {  	v3 =	vld.idx.msk [tilespmem:v63+s1+$0x0], $0xffff  }
0x364: {  	v2 =	vmul.f32 v2, v13;
	v1 =	vmul.f32 v1, v13;
	_ =	sdelay $0x1  }
0x365: {  	v5 =	vadd.s32 $0x8, v0;
	v2 =	vadd.f32 v2, v9;
	v1 =	vadd.f32 v1, v7;
	_ =	sdelay $0x1  }
0x366: {  	v2 =	vadd.f32 v2, v4;
	v1 =	vadd.f32 v1, v3;
	v4 =	vadd.s32 $0x9, v0;
	v3 =	vpop (erf)  }
0x367: {  	v3 =	vxor.u32 $0x80000000, v3  }
0x368: {  	v0 =	vadd.s32 $0x7, v0;
	v2 =	vmul.f32 v3, v2;
	v3 =	vmul.f32 v3, v1  }
0x369: {  	v5 =	vld.idx.msk [tilespmem:v5+s1+$0x0], $0xffff  }
0x36a: {  	v6 =	vmul.f32 v2, v2;
	v7 =	vmul.f32 v3, v3  }
0x36b: {  	v1 =	vld.idx.msk [tilespmem:v4+s1+$0x0], $0xffff  }
0x36c: {  	v6 =	vadd.f32 v7, v6  }
0x36d: {  	s26 =	simm.s32 $0x10;
	v0 =	vld.idx.msk [tilespmem:v0+s1+$0x0], $0xffff  }
0x36e: {  	s25 =	simm.s32 $0x80;
	v4 =	vld [tilespmem:s26+$0x2710];
	v5 =	vmul.f32 v6, v5;
	v6 =	vmul.f32 v6, v6  }
.LBB2_22:
0x36f: {  	p0 =	sne.s32 s25, $0x30C0  }
0x370: {  	v5 =	vadd.f32 $1.000000000e+00, v5;
	v1 =	vmul.f32 v6, v1;
	_ =	sdelay $0x1  }
0x371: {  	v1 =	vadd.f32 v1, v5  }
0x372: {  	v4 =	vmul.u32 $0xA, v4  }
0x373: {  	v0 =	vmul.f32 v1, v0  }
0x374: {  	v1 =	vor.u32 $0x1, v4  }
0x375: {  	v2 =	vmul.f32 v0, v2;
	v0 =	vmul.f32 v0, v3  }
0x376: {  	v3 =	vadd.s32 $0x2, v4  }
0x377: {  	v5 =	vadd.s32 $0x3, v4;
	[tilespmem:s24+$0x10390] =	vst v0  }
0x378: {  	v0 =	vadd.s32 $0x6, v4;
	[tilespmem:s24+$0xEB10] =	vst v2;
	s24 =	smov.u32 s26  }
0x379: {  	v2 =	vld.idx.msk [tilespmem:v1+s1+$0x0], $0xffff;
	v1 =	vadd.s32 $0x4, v4  }
0x37a: {  	v7 =	vadd.s32 $0x5, v4;
	v6 =	vld.idx.msk [tilespmem:v4+s1+$0x0], $0xffff  }
0x37b: {  	v8 =	vadd.s32 $0x8, v4;
	v3 =	vld.idx.msk [tilespmem:v3+s1+$0x0], $0xffff  }
0x37c: {  	v9 =	vadd.s32 $0x9, v4;
	v5 =	vld.idx.msk [tilespmem:v5+s1+$0x0], $0xffff  }
0x37d: {  	v10 =	vld.idx.msk [tilespmem:v0+s1+$0x0], $0xffff;
	v0 =	vadd.s32 $0x7, v4  }
0x37e: {  	v4 =	vld.idx.msk [tilespmem:v1+s1+$0x0], $0xffff  }
0x37f: {  	v7 =	vld.idx.msk [tilespmem:v7+s1+$0x0], $0xffff  }
0x380: {  	v12 =	vmul.f32 v2, v2;
	v11 =	vmul.f32 v6, v6;
	v8 =	vld.idx.msk [tilespmem:v8+s1+$0x0], $0xffff  }
0x381: {  	v1 =	vld.idx.msk [tilespmem:v9+s1+$0x0], $0xffff  }
0x382: {  	v9 =	vadd.f32 v12, v11;
	v11 =	vmul.f32 v3, v3;
	v0 =	vld.idx.msk [tilespmem:v0+s1+$0x0], $0xffff  }
0x383: {  	v12 =	vld [tilespmem:s24+$0xADD0]  }
0x384: {  	v9 =	vadd.f32 v11, v9;
	v11 =	vmul.f32 v5, v5;
	v13 =	vld [tilespmem:s24+$0xBA10]  }
0x385: {  	v14 =	vld [tilespmem:s24+$0xA190]  }
0x386: {  	v9 =	vadd.f32 v11, v9;
	_ =	sdelay $0x1  }
0x387: {  	(erf) = vrcp.f32 v9  }
0x388: {  	v11 =	vmul.f32 v12, v5;
	v9 =	vmul.f32 v13, v3  }
0x389: {  	v16 =	vmul.f32 v13, v2;
	v15 =	vmul.f32 v14, v5  }
0x38a: {  	v9 =	vsub.f32 v9, v11  }
0x38b: {  	v11 =	vmul.f32 v14, v6;
	v15 =	vsub.f32 v15, v16;
	v16 =	vmul.f32 v12, v6;
	_ =	sdelay $0x1  }
0x38c: {  	v9 =	vadd.f32 v9, v11;
	v11 =	vadd.f32 v15, v16;
	_ =	sdelay $0x1  }
0x38d: {  	v16 =	vmul.f32 v9, v3;
	v15 =	vmul.f32 v11, v2  }
0x38e: {  	v17 =	vpop (erf)  }
0x38f: {  	v17 =	vadd.f32 v17, v17;
	v15 =	vsub.f32 v15, v16  }
0x390: {  	v18 =	vmul.f32 v14, v3;
	v16 =	vmul.f32 v12, v2  }
0x391: {  	v15 =	vmul.f32 v15, v17  }
0x392: {  	v6 =	vmul.f32 v13, v6;
	v16 =	vsub.f32 v16, v18  }
0x393: {  	v13 =	vadd.f32 v15, v13  }
0x394: {  	v6 =	vadd.f32 v6, v16  }
0x395: {  	v10 =	vadd.f32 v13, v10  }
0x396: {  	v3 =	vmul.f32 v6, v3  }
0x397: {  	v11 =	vmul.f32 v11, v5;
	(erf) = vrcp.f32 v10  }
0x398: {  	v5 =	vmul.f32 v9, v5;
	v2 =	vmul.f32 v6, v2;
	_ =	sdelay $0x1  }
0x399: {  	v3 =	vsub.f32 v3, v11;
	v2 =	vsub.f32 v5, v2;
	_ =	sdelay $0x1  }
0x39a: {  	v3 =	vmul.f32 v3, v17;
	v2 =	vmul.f32 v2, v17;
	_ =	sdelay $0x1  }
0x39b: {  	v3 =	vadd.f32 v3, v14;
	v5 =	vadd.f32 v2, v12;
	_ =	sdelay $0x1  }
0x39c: {  	v3 =	vadd.f32 v3, v4;
	v4 =	vadd.f32 v5, v7;
	v2 =	vpop (erf)  }
0x39d: {  	v5 =	vxor.u32 $0x80000000, v2  }
0x39e: {  	v2 =	vmul.f32 v5, v3;
	v3 =	vmul.f32 v5, v4;
	_ =	sdelay $0x1  }
.Ltmp10:
0x39f: {  	v4 =	vmul.f32 v2, v2;
	v5 =	vmul.f32 v3, v3;
	(pc) =	sbr.rel @p0 .LBB2_22-.Ltmp10, $4  }
0x3a0: {  	_ = 	snop  }
0x3a1: {  	v6 =	vadd.f32 v5, v4  }
0x3a2: {  	s26 =	sshra.s32 s25, $0x2  }
0x3a3: {  	s25 =	sadd.s32 $0x40, s25;
	v4 =	vld [tilespmem:s26+$0x2710];
	v5 =	vmul.f32 v6, v8;
	v6 =	vmul.f32 v6, v6  }
0x3a4: {  	_ = 	snop  }
0x3a5: {  	v5 =	vadd.f32 $1.000000000e+00, v5;
	v1 =	vmul.f32 v6, v1;
	_ =	sdelay $0x1  }
0x3a6: {  	v1 =	vadd.f32 v1, v5;
	_ =	sdelay $0x1  }
0x3a7: {  	v4 =	vmul.u32 $0xA, v4;
	v0 =	vmul.f32 v1, v0;
	_ =	sdelay $0x1  }
0x3a8: {  	v1 =	vor.u32 $0x1, v4;
	v3 =	vmul.f32 v0, v3  }
0x3a9: {  	v0 =	vmul.f32 v0, v2  }
0x3aa: {  	v2 =	vadd.s32 $0x2, v4;
	[tilespmem:s24+$0x10390] =	vst v3  }
0x3ab: {  	[tilespmem:s24+$0xEB10] =	vst v0  }
0x3ac: {  	v0 =	vadd.s32 $0x3, v4;
	v3 =	vld.idx.msk [tilespmem:v4+s1+$0x0], $0xffff  }
0x3ad: {  	v1 =	vld.idx.msk [tilespmem:v1+s1+$0x0], $0xffff;
	_ =	sdelay $0x1  }
0x3ae: {  	v2 =	vld.idx.msk [tilespmem:v2+s1+$0x0], $0xffff;
	_ =	sdelay $0x1  }
0x3af: {  	v0 =	vld.idx.msk [tilespmem:v0+s1+$0x0], $0xffff  }
0x3b0: {  	v46 =	vmul.f32 v3, v3;
	v47 =	vmul.f32 v1, v1;
	_ =	sdelay $0x1  }
0x3b1: {  	v48 =	vmul.f32 v2, v2;
	v5 =	vadd.f32 v47, v46  }
0x3b2: {  	v7 =	vld [tilespmem:s26+$0xADD0]  }
0x3b3: {  	v8 =	vld [tilespmem:s26+$0xBA10];
	v49 =	vmul.f32 v0, v0;
	v5 =	vadd.f32 v48, v5  }
0x3b4: {  	v9 =	vld [tilespmem:s26+$0xA190]  }
0x3b5: {  	v5 =	vadd.f32 v49, v5;
	_ =	sdelay $0x1  }
0x3b6: {  	(erf) = vrcp.f32 v5  }
0x3b7: {  	v11 =	vmul.f32 v8, v1;
	v50 =	vmul.f32 v8, v2  }
0x3b8: {  	v51 =	vmul.f32 v7, v0;
	v10 =	vmul.f32 v9, v0  }
0x3b9: {  	v52 =	vmul.f32 v9, v3  }
0x3ba: {  	v53 =	vmul.f32 v7, v3;
	v10 =	vsub.f32 v10, v11;
	v5 =	vsub.f32 v50, v51;
	_ =	sdelay $0x1  }
0x3bb: {  	v12 =	vadd.s32 $0x6, v4;
	v54 =	vadd.f32 v10, v53;
	v5 =	vadd.f32 v5, v52;
	_ =	sdelay $0x1  }
0x3bc: {  	v10 =	vmul.f32 v54, v1;
	v55 =	vmul.f32 v5, v2  }
0x3bd: {  	v13 =	vpop (erf)  }
0x3be: {  	v10 =	vsub.f32 v10, v55;
	v13 =	vadd.f32 v13, v13  }
0x3bf: {  	v56 =	vld.idx.msk [tilespmem:v12+s1+$0x0], $0xffff;
	v57 =	vmul.f32 v7, v1  }
0x3c0: {  	v14 =	vmul.f32 v9, v2;
	v10 =	vmul.f32 v10, v13;
	_ =	sdelay $0x1  }
0x3c1: {  	v3 =	vmul.f32 v8, v3;
	v12 =	vsub.f32 v57, v14;
	v8 =	vadd.f32 v10, v8;
	_ =	sdelay $0x1  }
0x3c2: {  	v58 =	vadd.s32 $0x4, v4;
	v3 =	vadd.f32 v3, v12;
	v8 =	vadd.f32 v8, v56  }
0x3c3: {  	v59 =	vadd.s32 $0x5, v4;
	v6 =	vmul.f32 v54, v0  }
0x3c4: {  	v1 =	vmul.f32 v3, v1;
	(erf) = vrcp.f32 v8  }
0x3c5: {  	v2 =	vmul.f32 v3, v2;
	v0 =	vmul.f32 v5, v0;
	_ =	sdelay $0x1  }
0x3c6: {  	v3 =	vld.idx.msk [tilespmem:v58+s1+$0x0], $0xffff;
	v2 =	vsub.f32 v2, v6;
	v0 =	vsub.f32 v0, v1  }
0x3c7: {  	v1 =	vld.idx.msk [tilespmem:v59+s1+$0x0], $0xffff  }
0x3c8: {  	v2 =	vmul.f32 v2, v13;
	v0 =	vmul.f32 v0, v13;
	_ =	sdelay $0x1  }
0x3c9: {  	v60 =	vadd.s32 $0x8, v4;
	v2 =	vadd.f32 v2, v9;
	v0 =	vadd.f32 v0, v7;
	_ =	sdelay $0x1  }
0x3ca: {  	v61 =	vadd.s32 $0x9, v4;
	v2 =	vadd.f32 v2, v3;
	v0 =	vadd.f32 v0, v1;
	v1 =	vpop (erf)  }
0x3cb: {  	v1 =	vxor.u32 $0x80000000, v1  }
0x3cc: {  	v2 =	vmul.f32 v1, v2;
	v0 =	vmul.f32 v1, v0  }
0x3cd: {  	v1 =	vld.idx.msk [tilespmem:v60+s1+$0x0], $0xffff  }
0x3ce: {  	v3 =	vadd.s32 $0x7, v4;
	v62 =	vmul.f32 v2, v2;
	v63 =	vmul.f32 v0, v0  }
0x3cf: {  	v6 =	vld.idx.msk [tilespmem:v61+s1+$0x0], $0xffff  }
0x3d0: {  	v4 =	vadd.f32 v63, v62;
	_ =	sdelay $0x1  }
0x3d1: {  	v1 =	vmul.f32 v4, v1;
	v4 =	vmul.f32 v4, v4  }
0x3d2: {  	v3 =	vld.idx.msk [tilespmem:v3+s1+$0x0], $0xffff  }
0x3d3: {  	v1 =	vadd.f32 $1.000000000e+00, v1;
	v4 =	vmul.f32 v4, v6;
	_ =	sdelay $0x1  }
0x3d4: {  	v1 =	vadd.f32 v4, v1;
	_ =	sdelay $0x1  }
0x3d5: {  	v1 =	vmul.f32 v1, v3;
	_ =	sdelay $0x1  }
0x3d6: {  	v0 =	vmul.f32 v1, v0  }
0x3d7: {  	v1 =	vmul.f32 v1, v2  }
0x3d8: {  	[tilespmem:s26+$0x10390] =	vst v0  }
0x3d9: {  	s25 =	rddreg [dreg:$0x13];
	s24 =	simm.s32 $0x0;
	[tilespmem:s26+$0xEB10] =	vst v1  }
0x3da: {  	[hbm4b:s25+s24] =	stream.linear.scatter [tilespmem:s18], [sflag:$0x2], $0xC40, $0x38;
	[tilespmem:$0x11C10] =	vst v63  }
0x3db: {  	s26 =	rddreg [dreg:$0x14]  }
0x3dc: {  	[hbm4b:s26+s24] =	stream.linear.scatter [tilespmem:s19], [sflag:$0x2], $0xC40, $0x38;
	[tilespmem:$0x11C10] =	vst v63  }
0x3dd: {  	s26 =	rddreg [dreg:$0x1d]  }
0x3de: {  	[tilespmem:s8], [sflag:$0x3] =	stream.linear.gather [hbm4b:s26+s24], $0xC40, $0x38;
	[tilespmem:$0x11C10] =	vst v63  }
0x3df: {  	_ =	swait.ge [sflag:s7], $0xC40  }
0x3e0: {  	[sflag:s7] =	ssyncset.done $0x0  }
0x3e1: {  	s24 =	simm.s32 $0x0;
	[sflag:s7] =	ssyncadd.s32 $0xFFFFF3C0  }
0x3e2: {  	v0 =	vld [tilespmem:s24+$0x3F90]  }
0x3e3: {  	s25 =	simm.s32 $0x40  }
.LBB2_24:
0x3e4: {  	p0 =	sne.s32 s25, $0x30C0  }
.Ltmp11:
0x3e5: {  	_ = 	snop;
	(pc) =	sbr.rel @p0 .LBB2_24-.Ltmp11, $4  }
0x3e6: {  	_ = 	snop  }
0x3e7: {  	s26 =	sshra.s32 s25, $0x2;
	s25 =	sadd.s32 $0x40, s25;
	[tilespmem:s24+$0x5810] =	vst v0;
	v1 =	vadd.s32 $0x30D40, v0;
	v2 =	vadd.s32 $0x61A80, v0  }
0x3e8: {  	v0 =	vld [tilespmem:s26+$0x3F90];
	[tilespmem:s24+$0x7090] =	vst v2  }
0x3e9: {  	[tilespmem:s24+$0x6450] =	vst v1;
	s24 =	smov.u32 s26  }
0x3ea: {  	_ =	sdelay $0x2  }
0x3eb: {  	[tilespmem:s24+$0x5810] =	vst v0;
	v1 =	vadd.s32 $0x61A80, v0  }
0x3ec: {  	v0 =	vadd.s32 $0x30D40, v0;
	[tilespmem:s24+$0x7090] =	vst v1  }
0x3ed: {  	[tilespmem:s24+$0x6450] =	vst v0  }
0x3ee: {  	[tilespmem:s11], [sflag:$0x1] =	stream.indirect.gather [hbm4b:s5+s9], $0x1, s10, s9, $0xb8;
	[tilespmem:$0x11C10] =	vst v63  }
0x3ef: {  	s26 =	simm.s32 $0x0  }
0x3f0: {  	[tilespmem:s12], [sflag:$0x3] =	stream.linear.gather [hbm4b:s30+s26], $0xC40, $0x38;
	[tilespmem:$0x11C10] =	vst v63  }
0x3f1: {  	_ =	swait.ge [sflag:s7], $0xC40  }
0x3f2: {  	[sflag:s7] =	ssyncset.done $0x0  }
0x3f3: {  	[sflag:s7] =	ssyncadd.s32 $0xFFFFF3C0  }
0x3f4: {  	_ =	swait.ge [sflag:s17], $0x24C0  }
0x3f5: {  	[sflag:s17] =	ssyncset.done $0x0  }
0x3f6: {  	[sflag:s17] =	ssyncadd.s32 $0xFFFFDB40  }
0x3f7: {  	_ =	swait.ge [sflag:s22], $0xC40  }
0x3f8: {  	[sflag:s22] =	ssyncset.done $0x0  }
0x3f9: {  	[sflag:s22] =	ssyncadd.s32 $0xFFFFF3C0  }
0x3fa: {  	_ =	swait.ge [sflag:s22], $0xC40  }
0x3fb: {  	[sflag:s22] =	ssyncset.done $0x0  }
0x3fc: {  	s24 =	simm.s32 $0x0;
	[sflag:s22] =	ssyncadd.s32 $0xFFFFF3C0  }
0x3fd: {  	v0 =	vld [tilespmem:s24+$0x3350];
	_ =	sdelay $0x4  }
0x3fe: {  	v0 =	vmul.u32 $0xA, v0;
	_ =	sdelay $0x1  }
0x3ff: {  	v1 =	vor.u32 $0x1, v0;
	_ =	sdelay $0x1  }
0x400: {  	v2 =	vadd.s32 $0x2, v0;
	_ =	sdelay $0x1  }
0x401: {  	v3 =	vadd.s32 $0x3, v0;
	v4 =	vld.idx.msk [tilespmem:v0+s1+$0x0], $0xffff  }
0x402: {  	v1 =	vld.idx.msk [tilespmem:v1+s1+$0x0], $0xffff;
	_ =	sdelay $0x1  }
0x403: {  	v2 =	vld.idx.msk [tilespmem:v2+s1+$0x0], $0xffff;
	_ =	sdelay $0x1  }
0x404: {  	v3 =	vld.idx.msk [tilespmem:v3+s1+$0x0], $0xffff  }
0x405: {  	v5 =	vmul.f32 v4, v4;
	v6 =	vmul.f32 v1, v1;
	_ =	sdelay $0x1  }
0x406: {  	v5 =	vadd.f32 v6, v5;
	v6 =	vmul.f32 v2, v2  }
0x407: {  	v8 =	vld [tilespmem:s24+$0xDED0]  }
0x408: {  	v9 =	vld [tilespmem:s24+$0xC650];
	v5 =	vadd.f32 v6, v5;
	v6 =	vmul.f32 v3, v3  }
0x409: {  	v7 =	vld [tilespmem:s24+$0xD290]  }
0x40a: {  	v5 =	vadd.f32 v6, v5;
	_ =	sdelay $0x1  }
0x40b: {  	(erf) = vrcp.f32 v5  }
0x40c: {  	v10 =	vmul.f32 v9, v3;
	v11 =	vmul.f32 v8, v1  }
0x40d: {  	v6 =	vmul.f32 v7, v3;
	v5 =	vmul.f32 v8, v2  }
0x40e: {  	v58 =	vmul.f32 v7, v4  }
0x40f: {  	v10 =	vsub.f32 v10, v11;
	v5 =	vsub.f32 v5, v6;
	v6 =	vmul.f32 v9, v4;
	_ =	sdelay $0x1  }
0x410: {  	v12 =	vadd.s32 $0x6, v0;
	v5 =	vadd.f32 v5, v6;
	v6 =	vadd.f32 v10, v58;
	_ =	sdelay $0x1  }
0x411: {  	v10 =	vmul.f32 v6, v1;
	v59 =	vmul.f32 v5, v2  }
0x412: {  	v13 =	vpop (erf)  }
0x413: {  	v10 =	vsub.f32 v10, v59;
	v13 =	vadd.f32 v13, v13  }
0x414: {  	v60 =	vld.idx.msk [tilespmem:v12+s1+$0x0], $0xffff;
	v61 =	vmul.f32 v7, v1;
	v14 =	vmul.f32 v9, v2  }
0x415: {  	v10 =	vmul.f32 v10, v13  }
0x416: {  	v12 =	vsub.f32 v61, v14;
	v4 =	vmul.f32 v8, v4  }
0x417: {  	v8 =	vadd.f32 v10, v8  }
0x418: {  	v4 =	vadd.f32 v4, v12  }
0x419: {  	v62 =	vadd.s32 $0x4, v0;
	v8 =	vadd.f32 v8, v60  }
0x41a: {  	v63 =	vadd.s32 $0x5, v0;
	v2 =	vmul.f32 v4, v2  }
0x41b: {  	v6 =	vmul.f32 v6, v3;
	(erf) = vrcp.f32 v8  }
0x41c: {  	v3 =	vmul.f32 v5, v3;
	v1 =	vmul.f32 v4, v1;
	_ =	sdelay $0x1  }
0x41d: {  	v4 =	vld.idx.msk [tilespmem:v62+s1+$0x0], $0xffff;
	v2 =	vsub.f32 v2, v6;
	v1 =	vsub.f32 v3, v1  }
0x41e: {  	v3 =	vld.idx.msk [tilespmem:v63+s1+$0x0], $0xffff  }
0x41f: {  	v2 =	vmul.f32 v2, v13;
	v1 =	vmul.f32 v1, v13;
	_ =	sdelay $0x1  }
0x420: {  	v5 =	vadd.s32 $0x8, v0;
	v2 =	vadd.f32 v2, v9;
	v1 =	vadd.f32 v1, v7;
	_ =	sdelay $0x1  }
0x421: {  	v2 =	vadd.f32 v2, v4;
	v1 =	vadd.f32 v1, v3;
	v4 =	vadd.s32 $0x9, v0;
	v3 =	vpop (erf)  }
0x422: {  	v3 =	vxor.u32 $0x80000000, v3  }
0x423: {  	v0 =	vadd.s32 $0x7, v0;
	v2 =	vmul.f32 v3, v2;
	v3 =	vmul.f32 v3, v1  }
0x424: {  	v5 =	vld.idx.msk [tilespmem:v5+s1+$0x0], $0xffff  }
0x425: {  	v6 =	vmul.f32 v2, v2;
	v7 =	vmul.f32 v3, v3  }
0x426: {  	v1 =	vld.idx.msk [tilespmem:v4+s1+$0x0], $0xffff  }
0x427: {  	v6 =	vadd.f32 v7, v6  }
0x428: {  	s26 =	simm.s32 $0x10;
	v0 =	vld.idx.msk [tilespmem:v0+s1+$0x0], $0xffff  }
0x429: {  	s25 =	simm.s32 $0x80;
	v4 =	vld [tilespmem:s26+$0x3350];
	v5 =	vmul.f32 v6, v5;
	v6 =	vmul.f32 v6, v6  }
.LBB2_26:
0x42a: {  	p0 =	sne.s32 s25, $0x30C0  }
0x42b: {  	v5 =	vadd.f32 $1.000000000e+00, v5;
	v1 =	vmul.f32 v6, v1;
	_ =	sdelay $0x1  }
0x42c: {  	v1 =	vadd.f32 v1, v5  }
0x42d: {  	v4 =	vmul.u32 $0xA, v4  }
0x42e: {  	v0 =	vmul.f32 v1, v0  }
0x42f: {  	v1 =	vor.u32 $0x1, v4  }
0x430: {  	v2 =	vmul.f32 v0, v2;
	v0 =	vmul.f32 v0, v3  }
0x431: {  	v3 =	vadd.s32 $0x2, v4  }
0x432: {  	v5 =	vadd.s32 $0x3, v4;
	[tilespmem:s24+$0x10FD0] =	vst v0  }
0x433: {  	v0 =	vadd.s32 $0x6, v4;
	[tilespmem:s24+$0xF750] =	vst v2;
	s24 =	smov.u32 s26  }
0x434: {  	v2 =	vld.idx.msk [tilespmem:v1+s1+$0x0], $0xffff;
	v1 =	vadd.s32 $0x4, v4  }
0x435: {  	v7 =	vadd.s32 $0x5, v4;
	v6 =	vld.idx.msk [tilespmem:v4+s1+$0x0], $0xffff  }
0x436: {  	v8 =	vadd.s32 $0x8, v4;
	v3 =	vld.idx.msk [tilespmem:v3+s1+$0x0], $0xffff  }
0x437: {  	v9 =	vadd.s32 $0x9, v4;
	v5 =	vld.idx.msk [tilespmem:v5+s1+$0x0], $0xffff  }
0x438: {  	v10 =	vld.idx.msk [tilespmem:v0+s1+$0x0], $0xffff;
	v0 =	vadd.s32 $0x7, v4  }
0x439: {  	v4 =	vld.idx.msk [tilespmem:v1+s1+$0x0], $0xffff  }
0x43a: {  	v7 =	vld.idx.msk [tilespmem:v7+s1+$0x0], $0xffff  }
0x43b: {  	v12 =	vmul.f32 v2, v2;
	v11 =	vmul.f32 v6, v6;
	v8 =	vld.idx.msk [tilespmem:v8+s1+$0x0], $0xffff  }
0x43c: {  	v1 =	vld.idx.msk [tilespmem:v9+s1+$0x0], $0xffff  }
0x43d: {  	v9 =	vadd.f32 v12, v11;
	v11 =	vmul.f32 v3, v3;
	v0 =	vld.idx.msk [tilespmem:v0+s1+$0x0], $0xffff  }
0x43e: {  	v12 =	vld [tilespmem:s24+$0xD290]  }
0x43f: {  	v9 =	vadd.f32 v11, v9;
	v11 =	vmul.f32 v5, v5;
	v13 =	vld [tilespmem:s24+$0xDED0]  }
0x440: {  	v14 =	vld [tilespmem:s24+$0xC650]  }
0x441: {  	v9 =	vadd.f32 v11, v9;
	_ =	sdelay $0x1  }
0x442: {  	(erf) = vrcp.f32 v9  }
0x443: {  	v11 =	vmul.f32 v12, v5;
	v9 =	vmul.f32 v13, v3  }
0x444: {  	v16 =	vmul.f32 v13, v2;
	v15 =	vmul.f32 v14, v5  }
0x445: {  	v9 =	vsub.f32 v9, v11  }
0x446: {  	v11 =	vmul.f32 v14, v6;
	v15 =	vsub.f32 v15, v16;
	v16 =	vmul.f32 v12, v6;
	_ =	sdelay $0x1  }
0x447: {  	v9 =	vadd.f32 v9, v11;
	v11 =	vadd.f32 v15, v16;
	_ =	sdelay $0x1  }
0x448: {  	v16 =	vmul.f32 v9, v3;
	v15 =	vmul.f32 v11, v2  }
0x449: {  	v17 =	vpop (erf)  }
0x44a: {  	v17 =	vadd.f32 v17, v17;
	v15 =	vsub.f32 v15, v16  }
0x44b: {  	v18 =	vmul.f32 v14, v3;
	v16 =	vmul.f32 v12, v2  }
0x44c: {  	v15 =	vmul.f32 v15, v17  }
0x44d: {  	v6 =	vmul.f32 v13, v6;
	v16 =	vsub.f32 v16, v18  }
0x44e: {  	v13 =	vadd.f32 v15, v13  }
0x44f: {  	v6 =	vadd.f32 v6, v16  }
0x450: {  	v10 =	vadd.f32 v13, v10  }
0x451: {  	v3 =	vmul.f32 v6, v3  }
0x452: {  	v11 =	vmul.f32 v11, v5;
	(erf) = vrcp.f32 v10  }
0x453: {  	v5 =	vmul.f32 v9, v5;
	v2 =	vmul.f32 v6, v2;
	_ =	sdelay $0x1  }
0x454: {  	v3 =	vsub.f32 v3, v11;
	v2 =	vsub.f32 v5, v2;
	_ =	sdelay $0x1  }
0x455: {  	v3 =	vmul.f32 v3, v17;
	v2 =	vmul.f32 v2, v17;
	_ =	sdelay $0x1  }
0x456: {  	v3 =	vadd.f32 v3, v14;
	v5 =	vadd.f32 v2, v12;
	_ =	sdelay $0x1  }
0x457: {  	v3 =	vadd.f32 v3, v4;
	v4 =	vadd.f32 v5, v7;
	v2 =	vpop (erf)  }
0x458: {  	v5 =	vxor.u32 $0x80000000, v2  }
0x459: {  	v2 =	vmul.f32 v5, v3;
	v3 =	vmul.f32 v5, v4;
	_ =	sdelay $0x1  }
.Ltmp12:
0x45a: {  	v4 =	vmul.f32 v2, v2;
	v5 =	vmul.f32 v3, v3;
	(pc) =	sbr.rel @p0 .LBB2_26-.Ltmp12, $4  }
0x45b: {  	_ = 	snop  }
0x45c: {  	v6 =	vadd.f32 v5, v4  }
0x45d: {  	s26 =	sshra.s32 s25, $0x2  }
0x45e: {  	s25 =	sadd.s32 $0x40, s25;
	v4 =	vld [tilespmem:s26+$0x3350];
	v5 =	vmul.f32 v6, v8;
	v6 =	vmul.f32 v6, v6  }
0x45f: {  	_ = 	snop  }
0x460: {  	v5 =	vadd.f32 $1.000000000e+00, v5;
	v1 =	vmul.f32 v6, v1;
	_ =	sdelay $0x1  }
0x461: {  	v1 =	vadd.f32 v1, v5;
	_ =	sdelay $0x1  }
0x462: {  	v4 =	vmul.u32 $0xA, v4;
	v0 =	vmul.f32 v1, v0;
	_ =	sdelay $0x1  }
0x463: {  	v1 =	vor.u32 $0x1, v4;
	v3 =	vmul.f32 v0, v3  }
0x464: {  	v0 =	vmul.f32 v0, v2  }
0x465: {  	v2 =	vadd.s32 $0x2, v4;
	[tilespmem:s24+$0x10FD0] =	vst v3  }
0x466: {  	[tilespmem:s24+$0xF750] =	vst v0  }
0x467: {  	v0 =	vadd.s32 $0x3, v4;
	v3 =	vld.idx.msk [tilespmem:v4+s1+$0x0], $0xffff  }
0x468: {  	v1 =	vld.idx.msk [tilespmem:v1+s1+$0x0], $0xffff;
	_ =	sdelay $0x1  }
0x469: {  	v2 =	vld.idx.msk [tilespmem:v2+s1+$0x0], $0xffff;
	_ =	sdelay $0x1  }
0x46a: {  	v0 =	vld.idx.msk [tilespmem:v0+s1+$0x0], $0xffff  }
0x46b: {  	v46 =	vmul.f32 v3, v3;
	v47 =	vmul.f32 v1, v1;
	_ =	sdelay $0x1  }
0x46c: {  	v48 =	vmul.f32 v2, v2;
	v5 =	vadd.f32 v47, v46  }
0x46d: {  	v7 =	vld [tilespmem:s26+$0xD290]  }
0x46e: {  	v8 =	vld [tilespmem:s26+$0xDED0];
	v49 =	vmul.f32 v0, v0;
	v5 =	vadd.f32 v48, v5  }
0x46f: {  	v9 =	vld [tilespmem:s26+$0xC650]  }
0x470: {  	v5 =	vadd.f32 v49, v5;
	_ =	sdelay $0x1  }
0x471: {  	(erf) = vrcp.f32 v5  }
0x472: {  	v11 =	vmul.f32 v8, v1;
	v50 =	vmul.f32 v8, v2  }
0x473: {  	v51 =	vmul.f32 v7, v0;
	v10 =	vmul.f32 v9, v0  }
0x474: {  	v52 =	vmul.f32 v9, v3  }
0x475: {  	v53 =	vmul.f32 v7, v3;
	v10 =	vsub.f32 v10, v11;
	v5 =	vsub.f32 v50, v51;
	_ =	sdelay $0x1  }
0x476: {  	v12 =	vadd.s32 $0x6, v4;
	v54 =	vadd.f32 v10, v53;
	v5 =	vadd.f32 v5, v52;
	_ =	sdelay $0x1  }
0x477: {  	v10 =	vmul.f32 v54, v1;
	v55 =	vmul.f32 v5, v2  }
0x478: {  	v13 =	vpop (erf)  }
0x479: {  	v10 =	vsub.f32 v10, v55;
	v13 =	vadd.f32 v13, v13  }
0x47a: {  	v56 =	vld.idx.msk [tilespmem:v12+s1+$0x0], $0xffff;
	v57 =	vmul.f32 v7, v1  }
0x47b: {  	v14 =	vmul.f32 v9, v2;
	v10 =	vmul.f32 v10, v13;
	_ =	sdelay $0x1  }
0x47c: {  	v3 =	vmul.f32 v8, v3;
	v12 =	vsub.f32 v57, v14;
	v8 =	vadd.f32 v10, v8;
	_ =	sdelay $0x1  }
0x47d: {  	v58 =	vadd.s32 $0x4, v4;
	v3 =	vadd.f32 v3, v12;
	v8 =	vadd.f32 v8, v56  }
0x47e: {  	v59 =	vadd.s32 $0x5, v4;
	v6 =	vmul.f32 v54, v0  }
0x47f: {  	v1 =	vmul.f32 v3, v1;
	(erf) = vrcp.f32 v8  }
0x480: {  	v2 =	vmul.f32 v3, v2;
	v0 =	vmul.f32 v5, v0;
	_ =	sdelay $0x1  }
0x481: {  	v3 =	vld.idx.msk [tilespmem:v58+s1+$0x0], $0xffff;
	v2 =	vsub.f32 v2, v6;
	v0 =	vsub.f32 v0, v1  }
0x482: {  	v1 =	vld.idx.msk [tilespmem:v59+s1+$0x0], $0xffff  }
0x483: {  	v2 =	vmul.f32 v2, v13;
	v0 =	vmul.f32 v0, v13;
	_ =	sdelay $0x1  }
0x484: {  	v60 =	vadd.s32 $0x8, v4;
	v2 =	vadd.f32 v2, v9;
	v0 =	vadd.f32 v0, v7;
	_ =	sdelay $0x1  }
0x485: {  	v61 =	vadd.s32 $0x9, v4;
	v2 =	vadd.f32 v2, v3;
	v0 =	vadd.f32 v0, v1;
	v1 =	vpop (erf)  }
0x486: {  	v1 =	vxor.u32 $0x80000000, v1  }
0x487: {  	v2 =	vmul.f32 v1, v2;
	v0 =	vmul.f32 v1, v0  }
0x488: {  	v1 =	vld.idx.msk [tilespmem:v60+s1+$0x0], $0xffff  }
0x489: {  	v3 =	vadd.s32 $0x7, v4;
	v62 =	vmul.f32 v2, v2;
	v63 =	vmul.f32 v0, v0  }
0x48a: {  	v6 =	vld.idx.msk [tilespmem:v61+s1+$0x0], $0xffff  }
0x48b: {  	v4 =	vadd.f32 v63, v62;
	_ =	sdelay $0x1  }
0x48c: {  	v1 =	vmul.f32 v4, v1;
	v4 =	vmul.f32 v4, v4  }
0x48d: {  	v3 =	vld.idx.msk [tilespmem:v3+s1+$0x0], $0xffff  }
0x48e: {  	v1 =	vadd.f32 $1.000000000e+00, v1;
	v4 =	vmul.f32 v4, v6;
	_ =	sdelay $0x1  }
0x48f: {  	v1 =	vadd.f32 v4, v1;
	_ =	sdelay $0x1  }
0x490: {  	v1 =	vmul.f32 v1, v3;
	_ =	sdelay $0x1  }
0x491: {  	v0 =	vmul.f32 v1, v0  }
0x492: {  	v1 =	vmul.f32 v1, v2  }
0x493: {  	[tilespmem:s26+$0x10FD0] =	vst v0  }
0x494: {  	s25 =	rddreg [dreg:$0x17];
	s24 =	simm.s32 $0x0;
	[tilespmem:s26+$0xF750] =	vst v1  }
0x495: {  	[hbm4b:s25+s24] =	stream.linear.scatter [tilespmem:s20], [sflag:$0x2], $0xC40, $0x38;
	[tilespmem:$0x11C10] =	vst v63  }
0x496: {  	s26 =	rddreg [dreg:$0x18]  }
0x497: {  	[hbm4b:s26+s24] =	stream.linear.scatter [tilespmem:s21], [sflag:$0x2], $0xC40, $0x38;
	[tilespmem:$0x11C10] =	vst v63  }
0x498: {  	_ = 	snop  }
0x499: {  	[tilespmem:s13], [sflag:$0x3] =	stream.linear.gather [hbm4b:s28+s24], $0xC40, $0x38;
	[tilespmem:$0x11C10] =	vst v63  }
0x49a: {  	_ =	swait.ge [sflag:s7], $0xC40  }
0x49b: {  	[sflag:s7] =	ssyncset.done $0x0  }
0x49c: {  	s24 =	simm.s32 $0x0;
	[sflag:s7] =	ssyncadd.s32 $0xFFFFF3C0  }
0x49d: {  	v0 =	vld [tilespmem:s24+$0x4BD0]  }
0x49e: {  	s25 =	simm.s32 $0x40  }
.LBB2_28:
0x49f: {  	p0 =	sne.s32 s25, $0x30C0  }
.Ltmp13:
0x4a0: {  	_ = 	snop;
	(pc) =	sbr.rel @p0 .LBB2_28-.Ltmp13, $4  }
0x4a1: {  	_ = 	snop  }
0x4a2: {  	s26 =	sshra.s32 s25, $0x2;
	s25 =	sadd.s32 $0x40, s25;
	[tilespmem:s24+$0x7CD0] =	vst v0;
	v1 =	vadd.s32 $0x30D40, v0;
	v2 =	vadd.s32 $0x61A80, v0  }
0x4a3: {  	v0 =	vld [tilespmem:s26+$0x4BD0];
	[tilespmem:s24+$0x9550] =	vst v2  }
0x4a4: {  	[tilespmem:s24+$0x8910] =	vst v1;
	s24 =	smov.u32 s26  }
0x4a5: {  	_ =	sdelay $0x2  }
0x4a6: {  	[tilespmem:s24+$0x7CD0] =	vst v0;
	v1 =	vadd.s32 $0x61A80, v0  }
0x4a7: {  	v0 =	vadd.s32 $0x30D40, v0;
	[tilespmem:s24+$0x9550] =	vst v1  }
0x4a8: {  	[tilespmem:s24+$0x8910] =	vst v0  }
0x4a9: {  	[tilespmem:s15], [sflag:$0x1] =	stream.indirect.gather [hbm4b:s5+s9], $0x1, s14, s9, $0xb8;
	[tilespmem:$0x11C10] =	vst v63  }
0x4aa: {  	s26 =	simm.s32 $0x0  }
0x4ab: {  	[tilespmem:s16], [sflag:$0x3] =	stream.linear.gather [hbm4b:s31+s26], $0xC40, $0x38;
	[tilespmem:$0x11C10] =	vst v63  }
0x4ac: {  	_ =	swait.ge [sflag:s7], $0xC40  }
0x4ad: {  	[sflag:s7] =	ssyncset.done $0x0  }
0x4ae: {  	[sflag:s7] =	ssyncadd.s32 $0xFFFFF3C0  }
0x4af: {  	_ =	swait.ge [sflag:s17], $0x24C0  }
0x4b0: {  	[sflag:s17] =	ssyncset.done $0x0  }
0x4b1: {  	[sflag:s17] =	ssyncadd.s32 $0xFFFFDB40  }
0x4b2: {  	_ =	swait.ge [sflag:s22], $0xC40  }
0x4b3: {  	[sflag:s22] =	ssyncset.done $0x0  }
0x4b4: {  	[sflag:s22] =	ssyncadd.s32 $0xFFFFF3C0  }
0x4b5: {  	_ =	swait.ge [sflag:s22], $0xC40  }
0x4b6: {  	[sflag:s22] =	ssyncset.done $0x0  }
0x4b7: {  	s24 =	simm.s32 $0x0;
	[sflag:s22] =	ssyncadd.s32 $0xFFFFF3C0  }
0x4b8: {  	v0 =	vld [tilespmem:s24+$0x2710];
	_ =	sdelay $0x4  }
0x4b9: {  	v0 =	vmul.u32 $0xA, v0;
	_ =	sdelay $0x1  }
0x4ba: {  	v1 =	vor.u32 $0x1, v0;
	_ =	sdelay $0x1  }
0x4bb: {  	v2 =	vadd.s32 $0x2, v0;
	_ =	sdelay $0x1  }
0x4bc: {  	v3 =	vadd.s32 $0x3, v0;
	v4 =	vld.idx.msk [tilespmem:v0+s1+$0x0], $0xffff  }
0x4bd: {  	v1 =	vld.idx.msk [tilespmem:v1+s1+$0x0], $0xffff;
	_ =	sdelay $0x1  }
0x4be: {  	v2 =	vld.idx.msk [tilespmem:v2+s1+$0x0], $0xffff;
	_ =	sdelay $0x1  }
0x4bf: {  	v3 =	vld.idx.msk [tilespmem:v3+s1+$0x0], $0xffff  }
0x4c0: {  	v5 =	vmul.f32 v4, v4;
	v6 =	vmul.f32 v1, v1;
	_ =	sdelay $0x1  }
0x4c1: {  	v5 =	vadd.f32 v6, v5;
	v6 =	vmul.f32 v2, v2  }
0x4c2: {  	v8 =	vld [tilespmem:s24+$0xBA10]  }
0x4c3: {  	v9 =	vld [tilespmem:s24+$0xA190];
	v5 =	vadd.f32 v6, v5;
	v6 =	vmul.f32 v3, v3  }
0x4c4: {  	v7 =	vld [tilespmem:s24+$0xADD0]  }
0x4c5: {  	v5 =	vadd.f32 v6, v5;
	_ =	sdelay $0x1  }
0x4c6: {  	(erf) = vrcp.f32 v5  }
0x4c7: {  	v10 =	vmul.f32 v9, v3;
	v11 =	vmul.f32 v8, v1  }
0x4c8: {  	v6 =	vmul.f32 v7, v3;
	v5 =	vmul.f32 v8, v2  }
0x4c9: {  	v58 =	vmul.f32 v7, v4  }
0x4ca: {  	v10 =	vsub.f32 v10, v11;
	v5 =	vsub.f32 v5, v6;
	v6 =	vmul.f32 v9, v4;
	_ =	sdelay $0x1  }
0x4cb: {  	v12 =	vadd.s32 $0x6, v0;
	v5 =	vadd.f32 v5, v6;
	v6 =	vadd.f32 v10, v58;
	_ =	sdelay $0x1  }
0x4cc: {  	v10 =	vmul.f32 v6, v1;
	v59 =	vmul.f32 v5, v2  }
0x4cd: {  	v13 =	vpop (erf)  }
0x4ce: {  	v10 =	vsub.f32 v10, v59;
	v13 =	vadd.f32 v13, v13  }
0x4cf: {  	v60 =	vld.idx.msk [tilespmem:v12+s1+$0x0], $0xffff;
	v61 =	vmul.f32 v7, v1;
	v14 =	vmul.f32 v9, v2  }
0x4d0: {  	v10 =	vmul.f32 v10, v13  }
0x4d1: {  	v12 =	vsub.f32 v61, v14;
	v4 =	vmul.f32 v8, v4  }
0x4d2: {  	v8 =	vadd.f32 v10, v8  }
0x4d3: {  	v4 =	vadd.f32 v4, v12  }
0x4d4: {  	v62 =	vadd.s32 $0x4, v0;
	v8 =	vadd.f32 v8, v60  }
0x4d5: {  	v63 =	vadd.s32 $0x5, v0;
	v2 =	vmul.f32 v4, v2  }
0x4d6: {  	v6 =	vmul.f32 v6, v3;
	(erf) = vrcp.f32 v8  }
0x4d7: {  	v3 =	vmul.f32 v5, v3;
	v1 =	vmul.f32 v4, v1;
	_ =	sdelay $0x1  }
0x4d8: {  	v4 =	vld.idx.msk [tilespmem:v62+s1+$0x0], $0xffff;
	v2 =	vsub.f32 v2, v6;
	v1 =	vsub.f32 v3, v1  }
0x4d9: {  	v3 =	vld.idx.msk [tilespmem:v63+s1+$0x0], $0xffff  }
0x4da: {  	v2 =	vmul.f32 v2, v13;
	v1 =	vmul.f32 v1, v13;
	_ =	sdelay $0x1  }
0x4db: {  	v5 =	vadd.s32 $0x8, v0;
	v2 =	vadd.f32 v2, v9;
	v1 =	vadd.f32 v1, v7;
	_ =	sdelay $0x1  }
0x4dc: {  	v2 =	vadd.f32 v2, v4;
	v1 =	vadd.f32 v1, v3;
	v4 =	vadd.s32 $0x9, v0;
	v3 =	vpop (erf)  }
0x4dd: {  	v3 =	vxor.u32 $0x80000000, v3  }
0x4de: {  	v0 =	vadd.s32 $0x7, v0;
	v2 =	vmul.f32 v3, v2;
	v3 =	vmul.f32 v3, v1  }
0x4df: {  	v5 =	vld.idx.msk [tilespmem:v5+s1+$0x0], $0xffff  }
0x4e0: {  	v6 =	vmul.f32 v2, v2;
	v7 =	vmul.f32 v3, v3  }
0x4e1: {  	v1 =	vld.idx.msk [tilespmem:v4+s1+$0x0], $0xffff  }
0x4e2: {  	v6 =	vadd.f32 v7, v6  }
0x4e3: {  	s26 =	simm.s32 $0x10;
	v0 =	vld.idx.msk [tilespmem:v0+s1+$0x0], $0xffff  }
0x4e4: {  	s25 =	simm.s32 $0x80;
	v4 =	vld [tilespmem:s26+$0x2710];
	v5 =	vmul.f32 v6, v5;
	v6 =	vmul.f32 v6, v6  }
.LBB2_30:
0x4e5: {  	p0 =	sne.s32 s25, $0x30C0  }
0x4e6: {  	v5 =	vadd.f32 $1.000000000e+00, v5;
	v1 =	vmul.f32 v6, v1;
	_ =	sdelay $0x1  }
0x4e7: {  	v1 =	vadd.f32 v1, v5  }
0x4e8: {  	v4 =	vmul.u32 $0xA, v4  }
0x4e9: {  	v0 =	vmul.f32 v1, v0  }
0x4ea: {  	v1 =	vor.u32 $0x1, v4  }
0x4eb: {  	v2 =	vmul.f32 v0, v2;
	v0 =	vmul.f32 v0, v3  }
0x4ec: {  	v3 =	vadd.s32 $0x2, v4  }
0x4ed: {  	v5 =	vadd.s32 $0x3, v4;
	[tilespmem:s24+$0x10390] =	vst v0  }
0x4ee: {  	v0 =	vadd.s32 $0x6, v4;
	[tilespmem:s24+$0xEB10] =	vst v2;
	s24 =	smov.u32 s26  }
0x4ef: {  	v2 =	vld.idx.msk [tilespmem:v1+s1+$0x0], $0xffff;
	v1 =	vadd.s32 $0x4, v4  }
0x4f0: {  	v7 =	vadd.s32 $0x5, v4;
	v6 =	vld.idx.msk [tilespmem:v4+s1+$0x0], $0xffff  }
0x4f1: {  	v8 =	vadd.s32 $0x8, v4;
	v3 =	vld.idx.msk [tilespmem:v3+s1+$0x0], $0xffff  }
0x4f2: {  	v9 =	vadd.s32 $0x9, v4;
	v5 =	vld.idx.msk [tilespmem:v5+s1+$0x0], $0xffff  }
0x4f3: {  	v10 =	vld.idx.msk [tilespmem:v0+s1+$0x0], $0xffff;
	v0 =	vadd.s32 $0x7, v4  }
0x4f4: {  	v4 =	vld.idx.msk [tilespmem:v1+s1+$0x0], $0xffff  }
0x4f5: {  	v7 =	vld.idx.msk [tilespmem:v7+s1+$0x0], $0xffff  }
0x4f6: {  	v12 =	vmul.f32 v2, v2;
	v11 =	vmul.f32 v6, v6;
	v8 =	vld.idx.msk [tilespmem:v8+s1+$0x0], $0xffff  }
0x4f7: {  	v1 =	vld.idx.msk [tilespmem:v9+s1+$0x0], $0xffff  }
0x4f8: {  	v9 =	vadd.f32 v12, v11;
	v11 =	vmul.f32 v3, v3;
	v0 =	vld.idx.msk [tilespmem:v0+s1+$0x0], $0xffff  }
0x4f9: {  	v12 =	vld [tilespmem:s24+$0xADD0]  }
0x4fa: {  	v9 =	vadd.f32 v11, v9;
	v11 =	vmul.f32 v5, v5;
	v13 =	vld [tilespmem:s24+$0xBA10]  }
0x4fb: {  	v14 =	vld [tilespmem:s24+$0xA190]  }
0x4fc: {  	v9 =	vadd.f32 v11, v9;
	_ =	sdelay $0x1  }
0x4fd: {  	(erf) = vrcp.f32 v9  }
0x4fe: {  	v11 =	vmul.f32 v12, v5;
	v9 =	vmul.f32 v13, v3  }
0x4ff: {  	v16 =	vmul.f32 v13, v2;
	v15 =	vmul.f32 v14, v5  }
0x500: {  	v9 =	vsub.f32 v9, v11  }
0x501: {  	v11 =	vmul.f32 v14, v6;
	v15 =	vsub.f32 v15, v16;
	v16 =	vmul.f32 v12, v6;
	_ =	sdelay $0x1  }
0x502: {  	v9 =	vadd.f32 v9, v11;
	v11 =	vadd.f32 v15, v16;
	_ =	sdelay $0x1  }
0x503: {  	v16 =	vmul.f32 v9, v3;
	v15 =	vmul.f32 v11, v2  }
0x504: {  	v17 =	vpop (erf)  }
0x505: {  	v17 =	vadd.f32 v17, v17;
	v15 =	vsub.f32 v15, v16  }
0x506: {  	v18 =	vmul.f32 v14, v3;
	v16 =	vmul.f32 v12, v2  }
0x507: {  	v15 =	vmul.f32 v15, v17  }
0x508: {  	v6 =	vmul.f32 v13, v6;
	v16 =	vsub.f32 v16, v18  }
0x509: {  	v13 =	vadd.f32 v15, v13  }
0x50a: {  	v6 =	vadd.f32 v6, v16  }
0x50b: {  	v10 =	vadd.f32 v13, v10  }
0x50c: {  	v3 =	vmul.f32 v6, v3  }
0x50d: {  	v11 =	vmul.f32 v11, v5;
	(erf) = vrcp.f32 v10  }
0x50e: {  	v5 =	vmul.f32 v9, v5;
	v2 =	vmul.f32 v6, v2;
	_ =	sdelay $0x1  }
0x50f: {  	v3 =	vsub.f32 v3, v11;
	v2 =	vsub.f32 v5, v2;
	_ =	sdelay $0x1  }
0x510: {  	v3 =	vmul.f32 v3, v17;
	v2 =	vmul.f32 v2, v17;
	_ =	sdelay $0x1  }
0x511: {  	v3 =	vadd.f32 v3, v14;
	v5 =	vadd.f32 v2, v12;
	_ =	sdelay $0x1  }
0x512: {  	v3 =	vadd.f32 v3, v4;
	v4 =	vadd.f32 v5, v7;
	v2 =	vpop (erf)  }
0x513: {  	v5 =	vxor.u32 $0x80000000, v2  }
0x514: {  	v2 =	vmul.f32 v5, v3;
	v3 =	vmul.f32 v5, v4;
	_ =	sdelay $0x1  }
.Ltmp14:
0x515: {  	v4 =	vmul.f32 v2, v2;
	v5 =	vmul.f32 v3, v3;
	(pc) =	sbr.rel @p0 .LBB2_30-.Ltmp14, $4  }
0x516: {  	_ = 	snop  }
0x517: {  	v6 =	vadd.f32 v5, v4  }
0x518: {  	s26 =	sshra.s32 s25, $0x2  }
0x519: {  	s25 =	sadd.s32 $0x40, s25;
	v4 =	vld [tilespmem:s26+$0x2710];
	v5 =	vmul.f32 v6, v8;
	v6 =	vmul.f32 v6, v6  }
0x51a: {  	_ = 	snop  }
0x51b: {  	v5 =	vadd.f32 $1.000000000e+00, v5;
	v1 =	vmul.f32 v6, v1;
	_ =	sdelay $0x1  }
0x51c: {  	v1 =	vadd.f32 v1, v5;
	_ =	sdelay $0x1  }
0x51d: {  	v4 =	vmul.u32 $0xA, v4;
	v0 =	vmul.f32 v1, v0;
	_ =	sdelay $0x1  }
0x51e: {  	v1 =	vor.u32 $0x1, v4;
	v3 =	vmul.f32 v0, v3  }
0x51f: {  	v0 =	vmul.f32 v0, v2  }
0x520: {  	v2 =	vadd.s32 $0x2, v4;
	[tilespmem:s24+$0x10390] =	vst v3  }
0x521: {  	[tilespmem:s24+$0xEB10] =	vst v0  }
0x522: {  	v0 =	vadd.s32 $0x3, v4;
	v3 =	vld.idx.msk [tilespmem:v4+s1+$0x0], $0xffff  }
0x523: {  	v1 =	vld.idx.msk [tilespmem:v1+s1+$0x0], $0xffff;
	_ =	sdelay $0x1  }
0x524: {  	v2 =	vld.idx.msk [tilespmem:v2+s1+$0x0], $0xffff;
	_ =	sdelay $0x1  }
0x525: {  	v0 =	vld.idx.msk [tilespmem:v0+s1+$0x0], $0xffff  }
0x526: {  	v5 =	vmul.f32 v3, v3;
	v6 =	vmul.f32 v1, v1;
	_ =	sdelay $0x1  }
0x527: {  	v5 =	vadd.f32 v6, v5;
	v6 =	vmul.f32 v2, v2  }
0x528: {  	v8 =	vld [tilespmem:s26+$0xBA10]  }
0x529: {  	v9 =	vld [tilespmem:s26+$0xA190];
	v5 =	vadd.f32 v6, v5;
	v6 =	vmul.f32 v0, v0  }
0x52a: {  	v7 =	vld [tilespmem:s26+$0xADD0]  }
0x52b: {  	v5 =	vadd.f32 v6, v5;
	_ =	sdelay $0x1  }
0x52c: {  	(erf) = vrcp.f32 v5  }
0x52d: {  	v11 =	vmul.f32 v8, v1;
	v10 =	vmul.f32 v9, v0  }
0x52e: {  	v6 =	vmul.f32 v7, v0;
	v5 =	vmul.f32 v8, v2  }
0x52f: {  	v46 =	vmul.f32 v7, v3  }
0x530: {  	v10 =	vsub.f32 v10, v11;
	v5 =	vsub.f32 v5, v6;
	v6 =	vmul.f32 v9, v3;
	_ =	sdelay $0x1  }
0x531: {  	v12 =	vadd.s32 $0x6, v4;
	v5 =	vadd.f32 v5, v6;
	v6 =	vadd.f32 v10, v46;
	_ =	sdelay $0x1  }
0x532: {  	v10 =	vmul.f32 v6, v1;
	v47 =	vmul.f32 v5, v2  }
0x533: {  	v13 =	vpop (erf)  }
0x534: {  	v10 =	vsub.f32 v10, v47;
	v13 =	vadd.f32 v13, v13  }
0x535: {  	v48 =	vld.idx.msk [tilespmem:v12+s1+$0x0], $0xffff;
	v49 =	vmul.f32 v7, v1;
	v14 =	vmul.f32 v9, v2  }
0x536: {  	v10 =	vmul.f32 v10, v13  }
0x537: {  	v12 =	vsub.f32 v49, v14;
	v3 =	vmul.f32 v8, v3  }
0x538: {  	v8 =	vadd.f32 v10, v8  }
0x539: {  	v3 =	vadd.f32 v3, v12  }
0x53a: {  	v50 =	vadd.s32 $0x4, v4;
	v8 =	vadd.f32 v8, v48  }
0x53b: {  	v51 =	vadd.s32 $0x5, v4;
	v2 =	vmul.f32 v3, v2  }
0x53c: {  	v6 =	vmul.f32 v6, v0;
	(erf) = vrcp.f32 v8  }
0x53d: {  	v0 =	vmul.f32 v5, v0;
	v1 =	vmul.f32 v3, v1;
	_ =	sdelay $0x1  }
0x53e: {  	v3 =	vld.idx.msk [tilespmem:v50+s1+$0x0], $0xffff;
	v2 =	vsub.f32 v2, v6;
	v0 =	vsub.f32 v0, v1  }
0x53f: {  	v1 =	vld.idx.msk [tilespmem:v51+s1+$0x0], $0xffff  }
0x540: {  	v2 =	vmul.f32 v2, v13;
	v0 =	vmul.f32 v0, v13;
	_ =	sdelay $0x1  }
0x541: {  	v5 =	vadd.s32 $0x8, v4;
	v2 =	vadd.f32 v2, v9;
	v0 =	vadd.f32 v0, v7;
	_ =	sdelay $0x1  }
0x542: {  	v6 =	vadd.s32 $0x9, v4;
	v2 =	vadd.f32 v2, v3;
	v0 =	vadd.f32 v0, v1;
	v1 =	vpop (erf)  }
0x543: {  	v1 =	vxor.u32 $0x80000000, v1  }
0x544: {  	v2 =	vmul.f32 v1, v2;
	v0 =	vmul.f32 v1, v0  }
0x545: {  	v1 =	vld.idx.msk [tilespmem:v5+s1+$0x0], $0xffff  }
0x546: {  	v3 =	vadd.s32 $0x7, v4;
	v4 =	vmul.f32 v2, v2;
	v5 =	vmul.f32 v0, v0  }
0x547: {  	v6 =	vld.idx.msk [tilespmem:v6+s1+$0x0], $0xffff  }
0x548: {  	v4 =	vadd.f32 v5, v4;
	_ =	sdelay $0x1  }
0x549: {  	v1 =	vmul.f32 v4, v1;
	v4 =	vmul.f32 v4, v4  }
0x54a: {  	v3 =	vld.idx.msk [tilespmem:v3+s1+$0x0], $0xffff  }
0x54b: {  	v1 =	vadd.f32 $1.000000000e+00, v1;
	v4 =	vmul.f32 v4, v6;
	_ =	sdelay $0x1  }
0x54c: {  	v1 =	vadd.f32 v4, v1;
	_ =	sdelay $0x1  }
0x54d: {  	v1 =	vmul.f32 v1, v3;
	_ =	sdelay $0x1  }
0x54e: {  	v0 =	vmul.f32 v1, v0  }
0x54f: {  	v1 =	vmul.f32 v1, v2  }
0x550: {  	[tilespmem:s26+$0x10390] =	vst v0  }
0x551: {  	[tilespmem:s26+$0xEB10] =	vst v1;
	s26 =	simm.s32 $0x0  }
0x552: {  	[hbm4b:s29+s26] =	stream.linear.scatter [tilespmem:s18], [sflag:$0x2], $0xC40, $0x38;
	[tilespmem:$0x11C10] =	vst v63  }
0x553: {  	_ = 	snop  }
0x554: {  	[hbm4b:s0+s26] =	stream.linear.scatter [tilespmem:s19], [sflag:$0x2], $0xC40, $0x38;
	[tilespmem:$0x11C10] =	vst v63  }
0x555: {  	_ =	swait.ge [sflag:s17], $0x24C0  }
0x556: {  	[sflag:s17] =	ssyncset.done $0x0  }
0x557: {  	[sflag:s17] =	ssyncadd.s32 $0xFFFFDB40  }
0x558: {  	_ =	swait.ge [sflag:s22], $0xC40  }
0x559: {  	[sflag:s22] =	ssyncset.done $0x0  }
0x55a: {  	[sflag:s22] =	ssyncadd.s32 $0xFFFFF3C0  }
0x55b: {  	_ =	swait.ge [sflag:s22], $0xC40  }
0x55c: {  	[sflag:s22] =	ssyncset.done $0x0  }
0x55d: {  	s24 =	simm.s32 $0x0;
	[sflag:s22] =	ssyncadd.s32 $0xFFFFF3C0  }
0x55e: {  	v0 =	vld [tilespmem:s24+$0x3350];
	_ =	sdelay $0x4  }
0x55f: {  	v0 =	vmul.u32 $0xA, v0;
	_ =	sdelay $0x1  }
0x560: {  	v1 =	vor.u32 $0x1, v0;
	_ =	sdelay $0x1  }
0x561: {  	v2 =	vadd.s32 $0x2, v0;
	_ =	sdelay $0x1  }
0x562: {  	v3 =	vadd.s32 $0x3, v0;
	v4 =	vld.idx.msk [tilespmem:v0+s1+$0x0], $0xffff  }
0x563: {  	v1 =	vld.idx.msk [tilespmem:v1+s1+$0x0], $0xffff;
	_ =	sdelay $0x1  }
0x564: {  	v2 =	vld.idx.msk [tilespmem:v2+s1+$0x0], $0xffff;
	_ =	sdelay $0x1  }
0x565: {  	v3 =	vld.idx.msk [tilespmem:v3+s1+$0x0], $0xffff  }
0x566: {  	v5 =	vmul.f32 v4, v4;
	v6 =	vmul.f32 v1, v1;
	_ =	sdelay $0x1  }
0x567: {  	v5 =	vadd.f32 v6, v5;
	v6 =	vmul.f32 v2, v2  }
0x568: {  	v8 =	vld [tilespmem:s24+$0xDED0]  }
0x569: {  	v52 =	vld [tilespmem:s24+$0xC650];
	v5 =	vadd.f32 v6, v5;
	v6 =	vmul.f32 v3, v3  }
0x56a: {  	v7 =	vld [tilespmem:s24+$0xD290]  }
0x56b: {  	v5 =	vadd.f32 v6, v5;
	_ =	sdelay $0x1  }
0x56c: {  	(erf) = vrcp.f32 v5  }
0x56d: {  	v53 =	vmul.f32 v52, v3;
	v54 =	vmul.f32 v8, v1  }
0x56e: {  	v6 =	vmul.f32 v7, v3;
	v5 =	vmul.f32 v8, v2  }
0x56f: {  	v55 =	vmul.f32 v7, v4  }
0x570: {  	v10 =	vsub.f32 v53, v54;
	v5 =	vsub.f32 v5, v6;
	v6 =	vmul.f32 v52, v4;
	_ =	sdelay $0x1  }
0x571: {  	v56 =	vadd.s32 $0x6, v0;
	v5 =	vadd.f32 v5, v6;
	v6 =	vadd.f32 v10, v55;
	_ =	sdelay $0x1  }
0x572: {  	v10 =	vmul.f32 v6, v1;
	v57 =	vmul.f32 v5, v2  }
0x573: {  	v58 =	vpop (erf)  }
0x574: {  	v10 =	vsub.f32 v10, v57;
	v13 =	vadd.f32 v58, v58  }
0x575: {  	v59 =	vld.idx.msk [tilespmem:v56+s1+$0x0], $0xffff;
	v60 =	vmul.f32 v7, v1;
	v61 =	vmul.f32 v52, v2  }
0x576: {  	v10 =	vmul.f32 v10, v13  }
0x577: {  	v12 =	vsub.f32 v60, v61;
	v4 =	vmul.f32 v8, v4  }
0x578: {  	v8 =	vadd.f32 v10, v8  }
0x579: {  	v4 =	vadd.f32 v4, v12  }
0x57a: {  	v62 =	vadd.s32 $0x4, v0;
	v8 =	vadd.f32 v8, v59  }
0x57b: {  	v63 =	vadd.s32 $0x5, v0;
	v2 =	vmul.f32 v4, v2  }
0x57c: {  	v6 =	vmul.f32 v6, v3;
	(erf) = vrcp.f32 v8  }
0x57d: {  	v3 =	vmul.f32 v5, v3;
	v1 =	vmul.f32 v4, v1;
	_ =	sdelay $0x1  }
0x57e: {  	v4 =	vld.idx.msk [tilespmem:v62+s1+$0x0], $0xffff;
	v2 =	vsub.f32 v2, v6;
	v1 =	vsub.f32 v3, v1  }
0x57f: {  	v3 =	vld.idx.msk [tilespmem:v63+s1+$0x0], $0xffff  }
0x580: {  	v2 =	vmul.f32 v2, v13;
	v1 =	vmul.f32 v1, v13;
	_ =	sdelay $0x1  }
0x581: {  	v5 =	vadd.s32 $0x8, v0;
	v2 =	vadd.f32 v2, v52;
	v1 =	vadd.f32 v1, v7;
	_ =	sdelay $0x1  }
0x582: {  	v2 =	vadd.f32 v2, v4;
	v1 =	vadd.f32 v1, v3;
	v4 =	vadd.s32 $0x9, v0;
	v3 =	vpop (erf)  }
0x583: {  	v3 =	vxor.u32 $0x80000000, v3  }
0x584: {  	v0 =	vadd.s32 $0x7, v0;
	v2 =	vmul.f32 v3, v2;
	v3 =	vmul.f32 v3, v1  }
0x585: {  	v5 =	vld.idx.msk [tilespmem:v5+s1+$0x0], $0xffff  }
0x586: {  	v6 =	vmul.f32 v2, v2;
	v7 =	vmul.f32 v3, v3  }
0x587: {  	v1 =	vld.idx.msk [tilespmem:v4+s1+$0x0], $0xffff  }
0x588: {  	v6 =	vadd.f32 v7, v6  }
0x589: {  	s26 =	simm.s32 $0x10;
	v0 =	vld.idx.msk [tilespmem:v0+s1+$0x0], $0xffff  }
0x58a: {  	s25 =	simm.s32 $0x80;
	v4 =	vld [tilespmem:s26+$0x3350];
	v5 =	vmul.f32 v6, v5;
	v6 =	vmul.f32 v6, v6  }
.LBB2_32:
0x58b: {  	p0 =	sne.s32 s25, $0x30C0  }
0x58c: {  	v5 =	vadd.f32 $1.000000000e+00, v5;
	v1 =	vmul.f32 v6, v1;
	_ =	sdelay $0x1  }
0x58d: {  	v1 =	vadd.f32 v1, v5  }
0x58e: {  	v4 =	vmul.u32 $0xA, v4  }
0x58f: {  	v0 =	vmul.f32 v1, v0  }
0x590: {  	v1 =	vor.u32 $0x1, v4  }
0x591: {  	v2 =	vmul.f32 v0, v2;
	v0 =	vmul.f32 v0, v3  }
0x592: {  	v3 =	vadd.s32 $0x2, v4  }
0x593: {  	v5 =	vadd.s32 $0x3, v4;
	[tilespmem:s24+$0x10FD0] =	vst v0  }
0x594: {  	v0 =	vadd.s32 $0x6, v4;
	[tilespmem:s24+$0xF750] =	vst v2;
	s24 =	smov.u32 s26  }
0x595: {  	v2 =	vld.idx.msk [tilespmem:v1+s1+$0x0], $0xffff;
	v1 =	vadd.s32 $0x4, v4  }
0x596: {  	v7 =	vadd.s32 $0x5, v4;
	v6 =	vld.idx.msk [tilespmem:v4+s1+$0x0], $0xffff  }
0x597: {  	v8 =	vadd.s32 $0x8, v4;
	v3 =	vld.idx.msk [tilespmem:v3+s1+$0x0], $0xffff  }
0x598: {  	v9 =	vadd.s32 $0x9, v4;
	v5 =	vld.idx.msk [tilespmem:v5+s1+$0x0], $0xffff  }
0x599: {  	v10 =	vld.idx.msk [tilespmem:v0+s1+$0x0], $0xffff;
	v0 =	vadd.s32 $0x7, v4  }
0x59a: {  	v4 =	vld.idx.msk [tilespmem:v1+s1+$0x0], $0xffff  }
0x59b: {  	v7 =	vld.idx.msk [tilespmem:v7+s1+$0x0], $0xffff  }
0x59c: {  	v12 =	vmul.f32 v2, v2;
	v11 =	vmul.f32 v6, v6;
	v8 =	vld.idx.msk [tilespmem:v8+s1+$0x0], $0xffff  }
0x59d: {  	v1 =	vld.idx.msk [tilespmem:v9+s1+$0x0], $0xffff  }
0x59e: {  	v9 =	vadd.f32 v12, v11;
	v11 =	vmul.f32 v3, v3;
	v0 =	vld.idx.msk [tilespmem:v0+s1+$0x0], $0xffff  }
0x59f: {  	v12 =	vld [tilespmem:s24+$0xD290]  }
0x5a0: {  	v9 =	vadd.f32 v11, v9;
	v11 =	vmul.f32 v5, v5;
	v13 =	vld [tilespmem:s24+$0xDED0]  }
0x5a1: {  	v14 =	vld [tilespmem:s24+$0xC650]  }
0x5a2: {  	v9 =	vadd.f32 v11, v9;
	_ =	sdelay $0x1  }
0x5a3: {  	(erf) = vrcp.f32 v9  }
0x5a4: {  	v11 =	vmul.f32 v12, v5;
	v9 =	vmul.f32 v13, v3  }
0x5a5: {  	v16 =	vmul.f32 v13, v2;
	v15 =	vmul.f32 v14, v5  }
0x5a6: {  	v9 =	vsub.f32 v9, v11  }
0x5a7: {  	v11 =	vmul.f32 v14, v6;
	v15 =	vsub.f32 v15, v16;
	v16 =	vmul.f32 v12, v6;
	_ =	sdelay $0x1  }
0x5a8: {  	v9 =	vadd.f32 v9, v11;
	v11 =	vadd.f32 v15, v16;
	_ =	sdelay $0x1  }
0x5a9: {  	v16 =	vmul.f32 v9, v3;
	v15 =	vmul.f32 v11, v2  }
0x5aa: {  	v17 =	vpop (erf)  }
0x5ab: {  	v17 =	vadd.f32 v17, v17;
	v15 =	vsub.f32 v15, v16  }
0x5ac: {  	v18 =	vmul.f32 v14, v3;
	v16 =	vmul.f32 v12, v2  }
0x5ad: {  	v15 =	vmul.f32 v15, v17  }
0x5ae: {  	v6 =	vmul.f32 v13, v6;
	v16 =	vsub.f32 v16, v18  }
0x5af: {  	v13 =	vadd.f32 v15, v13  }
0x5b0: {  	v6 =	vadd.f32 v6, v16  }
0x5b1: {  	v10 =	vadd.f32 v13, v10  }
0x5b2: {  	v3 =	vmul.f32 v6, v3  }
0x5b3: {  	v11 =	vmul.f32 v11, v5;
	(erf) = vrcp.f32 v10  }
0x5b4: {  	v5 =	vmul.f32 v9, v5;
	v2 =	vmul.f32 v6, v2;
	_ =	sdelay $0x1  }
0x5b5: {  	v3 =	vsub.f32 v3, v11;
	v2 =	vsub.f32 v5, v2;
	_ =	sdelay $0x1  }
0x5b6: {  	v3 =	vmul.f32 v3, v17;
	v2 =	vmul.f32 v2, v17;
	_ =	sdelay $0x1  }
0x5b7: {  	v3 =	vadd.f32 v3, v14;
	v5 =	vadd.f32 v2, v12;
	_ =	sdelay $0x1  }
0x5b8: {  	v3 =	vadd.f32 v3, v4;
	v4 =	vadd.f32 v5, v7;
	v2 =	vpop (erf)  }
0x5b9: {  	v5 =	vxor.u32 $0x80000000, v2  }
0x5ba: {  	v2 =	vmul.f32 v5, v3;
	v3 =	vmul.f32 v5, v4;
	_ =	sdelay $0x1  }
.Ltmp15:
0x5bb: {  	v4 =	vmul.f32 v2, v2;
	v5 =	vmul.f32 v3, v3;
	(pc) =	sbr.rel @p0 .LBB2_32-.Ltmp15, $4  }
0x5bc: {  	_ = 	snop  }
0x5bd: {  	v6 =	vadd.f32 v5, v4  }
0x5be: {  	s26 =	sshra.s32 s25, $0x2  }
0x5bf: {  	s25 =	sadd.s32 $0x40, s25;
	v4 =	vld [tilespmem:s26+$0x3350];
	v5 =	vmul.f32 v6, v8;
	v6 =	vmul.f32 v6, v6  }
0x5c0: {  	_ = 	snop  }
0x5c1: {  	v5 =	vadd.f32 $1.000000000e+00, v5;
	v1 =	vmul.f32 v6, v1;
	_ =	sdelay $0x1  }
0x5c2: {  	v1 =	vadd.f32 v1, v5;
	_ =	sdelay $0x1  }
0x5c3: {  	v4 =	vmul.u32 $0xA, v4;
	v0 =	vmul.f32 v1, v0;
	_ =	sdelay $0x1  }
0x5c4: {  	v38 =	vor.u32 $0x1, v4;
	v3 =	vmul.f32 v0, v3  }
0x5c5: {  	v0 =	vmul.f32 v0, v2  }
0x5c6: {  	v39 =	vadd.s32 $0x2, v4;
	[tilespmem:s24+$0x10FD0] =	vst v3  }
0x5c7: {  	[tilespmem:s24+$0xF750] =	vst v0  }
0x5c8: {  	v40 =	vadd.s32 $0x3, v4;
	v3 =	vld.idx.msk [tilespmem:v4+s1+$0x0], $0xffff  }
0x5c9: {  	v1 =	vld.idx.msk [tilespmem:v38+s1+$0x0], $0xffff;
	_ =	sdelay $0x1  }
0x5ca: {  	v2 =	vld.idx.msk [tilespmem:v39+s1+$0x0], $0xffff;
	_ =	sdelay $0x1  }
0x5cb: {  	v0 =	vld.idx.msk [tilespmem:v40+s1+$0x0], $0xffff  }
0x5cc: {  	v41 =	vmul.f32 v3, v3;
	v42 =	vmul.f32 v1, v1;
	_ =	sdelay $0x1  }
0x5cd: {  	v43 =	vmul.f32 v2, v2;
	v5 =	vadd.f32 v42, v41  }
0x5ce: {  	v7 =	vld [tilespmem:s26+$0xD290]  }
0x5cf: {  	v8 =	vld [tilespmem:s26+$0xDED0];
	v44 =	vmul.f32 v0, v0;
	v5 =	vadd.f32 v43, v5  }
0x5d0: {  	v9 =	vld [tilespmem:s26+$0xC650]  }
0x5d1: {  	v5 =	vadd.f32 v44, v5;
	_ =	sdelay $0x1  }
0x5d2: {  	(erf) = vrcp.f32 v5  }
0x5d3: {  	v45 =	vmul.f32 v8, v2;
	v46 =	vmul.f32 v7, v0  }
0x5d4: {  	v10 =	vmul.f32 v9, v0;
	v11 =	vmul.f32 v8, v1  }
0x5d5: {  	v47 =	vmul.f32 v9, v3  }
0x5d6: {  	v48 =	vmul.f32 v7, v3;
	v10 =	vsub.f32 v10, v11;
	v5 =	vsub.f32 v45, v46;
	_ =	sdelay $0x1  }
0x5d7: {  	v12 =	vadd.s32 $0x6, v4;
	v49 =	vadd.f32 v10, v48;
	v5 =	vadd.f32 v5, v47;
	_ =	sdelay $0x1  }
0x5d8: {  	v10 =	vmul.f32 v49, v1;
	v50 =	vmul.f32 v5, v2  }
0x5d9: {  	v13 =	vpop (erf)  }
0x5da: {  	v10 =	vsub.f32 v10, v50;
	v13 =	vadd.f32 v13, v13  }
0x5db: {  	v51 =	vld.idx.msk [tilespmem:v12+s1+$0x0], $0xffff;
	v52 =	vmul.f32 v7, v1  }
0x5dc: {  	v14 =	vmul.f32 v9, v2;
	v10 =	vmul.f32 v10, v13;
	_ =	sdelay $0x1  }
0x5dd: {  	v3 =	vmul.f32 v8, v3;
	v12 =	vsub.f32 v52, v14;
	v8 =	vadd.f32 v10, v8;
	_ =	sdelay $0x1  }
0x5de: {  	v53 =	vadd.s32 $0x4, v4;
	v3 =	vadd.f32 v3, v12;
	v8 =	vadd.f32 v8, v51  }
0x5df: {  	v54 =	vadd.s32 $0x5, v4;
	v6 =	vmul.f32 v49, v0  }
0x5e0: {  	v1 =	vmul.f32 v3, v1;
	(erf) = vrcp.f32 v8  }
0x5e1: {  	v2 =	vmul.f32 v3, v2;
	v0 =	vmul.f32 v5, v0;
	_ =	sdelay $0x1  }
0x5e2: {  	v55 =	vld.idx.msk [tilespmem:v53+s1+$0x0], $0xffff;
	v2 =	vsub.f32 v2, v6;
	v0 =	vsub.f32 v0, v1  }
0x5e3: {  	v56 =	vld.idx.msk [tilespmem:v54+s1+$0x0], $0xffff  }
0x5e4: {  	v2 =	vmul.f32 v2, v13;
	v0 =	vmul.f32 v0, v13;
	_ =	sdelay $0x1  }
0x5e5: {  	v57 =	vadd.s32 $0x8, v4;
	v2 =	vadd.f32 v2, v9;
	v0 =	vadd.f32 v0, v7;
	_ =	sdelay $0x1  }
0x5e6: {  	v58 =	vadd.s32 $0x9, v4;
	v2 =	vadd.f32 v2, v55;
	v0 =	vadd.f32 v0, v56;
	v59 =	vpop (erf)  }
0x5e7: {  	v1 =	vxor.u32 $0x80000000, v59  }
0x5e8: {  	v2 =	vmul.f32 v1, v2;
	v0 =	vmul.f32 v1, v0  }
0x5e9: {  	v60 =	vld.idx.msk [tilespmem:v57+s1+$0x0], $0xffff  }
0x5ea: {  	v61 =	vadd.s32 $0x7, v4;
	v62 =	vmul.f32 v2, v2;
	v63 =	vmul.f32 v0, v0  }
0x5eb: {  	v6 =	vld.idx.msk [tilespmem:v58+s1+$0x0], $0xffff  }
0x5ec: {  	v4 =	vadd.f32 v63, v62;
	_ =	sdelay $0x1  }
0x5ed: {  	v1 =	vmul.f32 v4, v60;
	v4 =	vmul.f32 v4, v4  }
0x5ee: {  	v3 =	vld.idx.msk [tilespmem:v61+s1+$0x0], $0xffff  }
0x5ef: {  	v1 =	vadd.f32 $1.000000000e+00, v1;
	v4 =	vmul.f32 v4, v6;
	_ =	sdelay $0x1  }
0x5f0: {  	v1 =	vadd.f32 v4, v1;
	_ =	sdelay $0x1  }
0x5f1: {  	v1 =	vmul.f32 v1, v3;
	_ =	sdelay $0x1  }
0x5f2: {  	v0 =	vmul.f32 v1, v0  }
0x5f3: {  	v1 =	vmul.f32 v1, v2  }
0x5f4: {  	[tilespmem:s26+$0x10FD0] =	vst v0  }
0x5f5: {  	[tilespmem:s26+$0xF750] =	vst v1  }
0x5f6: {  	[hbm4b:s2+s1] =	stream.linear.scatter [tilespmem:s20], [sflag:$0x2], $0xC40, $0x38;
	[tilespmem:$0x11C10] =	vst v63  }
0x5f7: {  	_ = 	snop  }
0x5f8: {  	[hbm4b:s3+s1] =	stream.linear.scatter [tilespmem:s21], [sflag:$0x2], $0xC40, $0x38;
	[tilespmem:$0x11C10] =	vst v63  }
0x5f9: {  	_ =	swait.ge [sflag:s22], $0xC40  }
0x5fa: {  	[sflag:s22] =	ssyncset.done $0x0  }
0x5fb: {  	[sflag:s22] =	ssyncadd.s32 $0xFFFFF3C0  }
0x5fc: {  	_ =	swait.ge [sflag:s22], $0xC40  }
0x5fd: {  	[sflag:s22] =	ssyncset.done $0x0  }
0x5fe: {  	s23 =	sadd.s32 $0x1, s23;
	[sflag:s22] =	ssyncadd.s32 $0xFFFFF3C0  }
0x5ff: {  	p0 =	sne.s32 s23, s6;
	_ =	swait.ge [sflag:s22], $0xC40  }
.Ltmp16:
0x600: {  	[sflag:s22] =	ssyncset.done $0x0;
	(pc) =	sbr.rel @p0 .LBB2_1-.Ltmp16, $4  }
0x601: {  	[sflag:s22] =	ssyncadd.s32 $0xFFFFF3C0  }
0x602: {  	_ =	swait.ge [sflag:s22], $0xC40  }
0x603: {  	[sflag:s22] =	ssyncset.done $0x0  }
0x604: {  	[sflag:s22] =	ssyncadd.s32 $0xFFFFF3C0  }
0x605: {  	_ =	sfence.sel $0x180000  }
0x606: {  	[bflag:$0x0] =	sbarrier.arrive $0xFFFF  }
0x607: {  	_ =	strace $0x90000047  }
0x608: {  	s0 =	stileid.u32;
	[bflag:$0x2] =	sbarrier.arrive $0xFFFF  }
0x609: {  	p0 =	sne.s32 s0, $0x0;
	s0 =	rddreg [dreg:$0x4]  }
0x60a: {  	s0 =	sadd.s32 @!p0 $0x100000, s0  }
0x60b: {  	[sflag:s0] =	ssyncadd.tile.s32 @!p0 $0x1;
	_ =	shalt  }
.Lfunc_end2:
_tile_overlayer_lowered:
.L_overlay_start_2:
0x60c: {  	(tag) =	ssettag $0x2  }
0x60d: {  	s0 =	rddreg [dreg:$0x0];
	s2 =	stileid.u32  }
0x60e: {  	s1 =	rddreg [dreg:$0x1];
	p0 =	sne.s32 s2, $0x0  }
0x60f: {  	s3 =	rddreg [dreg:$0x2];
	[bflag:$0x3] =	sbarrier.arrive $0xFFFF;
	s2 =	simm.s32 @!p0 $0x1C03  }
0x610: {  	[timem:s3], [sflag:s2] =	dma.local @!p0 [hbm:s0], s1  }
0x611: {  	s0 =	simm.s32 @!p0 $0x3  }
0x612: {  	_ =	swait.ge @!p0 [sflag:s0], s1  }
0x613: {  	s1 =	ssub.s32 @!p0 $0x0, s1;
	[sflag:s0] =	ssyncset.done @!p0 $0x0  }
0x614: {  	[sflag:s0] =	ssyncadd.s32 @!p0 s1  }
0x615: {  	[bflag:$0x3] =	sbarrier.arrive $0xFFFF  }
0x616: {  	_ =	shalt  }

</sc_bundles>
